<compile_context>
chip_gen: v7x
topology: tpu7x:2x2x1
jax: 0.10.2.dev20260603
libtpu: 0.0.44.dev20260713+nightly
codegen_flags: <defaults>
</compile_context>

<pallas_src>
import functools
import jax
import jax.numpy as jnp
from jax import lax
from jax.experimental import pallas as pl
from jax.experimental.pallas import tpu as pltpu
from jax.experimental.pallas import tpu_sc as plsc

_MAX_POS = 8192
_HIDDEN = 1024
_BATCH = 4
_CH = 32
_NBUF = 2


def _sc_body(tab_hbm, out_hbm, bufs, in_sem, out_sem):
    info = plsc.get_sparse_core_info()
    nc, ns = info.num_cores, info.num_subcores
    nw = nc * ns
    wid = lax.axis_index("s") * nc + lax.axis_index("c")
    rows_per_w = _MAX_POS // nw
    nchunk = rows_per_w // _CH
    row0 = wid * rows_per_w

    def in_copy(i):
        return pltpu.make_async_copy(
            tab_hbm.at[pl.ds(row0 + i * _CH, _CH), :],
            bufs.at[i % _NBUF],
            in_sem.at[i % _NBUF],
        )

    def out_copy(i, b):
        return pltpu.make_async_copy(
            bufs.at[i % _NBUF],
            out_hbm.at[b, pl.ds(row0 + i * _CH, _CH), :],
            out_sem.at[i % _NBUF, b],
        )

    in_copy(0).start()
    for k in range(nchunk):
        if k + 1 < nchunk:
            if k + 1 - _NBUF >= 0:
                for b in range(_BATCH):
                    out_copy(k + 1 - _NBUF, b).wait()
            in_copy(k + 1).start()
        in_copy(k).wait()
        for b in range(_BATCH):
            out_copy(k, b).start()
    for i in range(max(0, nchunk - _NBUF), nchunk):
        for b in range(_BATCH):
            out_copy(i, b).wait()


def kernel(input_ids, table):
    batch, seq = input_ids.shape
    hidden = table.shape[1]
    mesh = plsc.VectorSubcoreMesh(core_axis_name="c", subcore_axis_name="s")
    k = functools.partial(
        pl.kernel,
        mesh=mesh,
        out_type=jax.ShapeDtypeStruct((batch, seq, hidden), table.dtype),
        scratch_types=[
            pltpu.VMEM((_NBUF, _CH, hidden), table.dtype),
            pltpu.SemaphoreType.DMA((_NBUF,)),
            pltpu.SemaphoreType.DMA((_NBUF, _BATCH)),
        ],
    )(_sc_body)
    return k(table)

# --- scband reference (transcript-rebuilt; emitter-appended) ---
"""Pipeline reference for scband-matrix-embedding-12652973654343 (READ-ONLY COPY).

The authoritative reference and input builder live on the scoring server;
editing this copy changes nothing except your own understanding.
"""

import jax, jax.numpy as jnp
import numpy as np

MAX_POS = 8192
HIDDEN = 1024
BATCH = 4
SEQ = 8192

def setup_inputs(seed: int = 0) -> dict:
    key = jax.random.key(seed)
    k_ids, k_tab = jax.random.split(key)
    input_ids = jax.random.randint(k_ids, (BATCH, SEQ), 0, 32000, dtype=jnp.int64 if jax.config.jax_enable_x64 else jnp.int32)
    table = jax.random.normal(k_tab, (MAX_POS, HIDDEN), dtype=jnp.float32) * 0.02
    return {"input_ids": input_ids, "table": table}

def reference(input_ids, table):
    seq_length = input_ids.shape[1]
    position_ids = jnp.arange(seq_length, dtype=input_ids.dtype)
    position_ids = jnp.broadcast_to(position_ids[None, :], input_ids.shape)
    position_embeddings = jnp.take(table, position_ids, axis=0)
    return position_embeddings

if __name__ == "__main__":
    import jax
    _d = setup_inputs()
    print(jax.jit(kernel)(*tuple(_d.values())))

</pallas_src>

<mosaic_0001>
#map = affine_map<(d0, d1) -> (0, 0)>
#map1 = affine_map<(d0, d1) -> (0, 0, 0)>
module attributes {stable_mosaic.version = 14 : i64} {
  func.func @_sc_body(%arg0: i32, %arg1: i32, %arg2: memref<8192x1024xf32, #tpu.memory_space<hbm>>, %arg3: memref<4x8192x1024xf32, #tpu.memory_space<hbm>>, %arg4: memref<2x32x1024xf32, #tpu.memory_space<vmem>>, %arg5: memref<2x!tpu.dma_semaphore, #tpu.memory_space<semaphore_mem>>, %arg6: memref<2x4x!tpu.dma_semaphore, #tpu.memory_space<semaphore_mem>>) attributes {dimension_semantics = [#tpu.dimension_semantics<core_parallel>, #tpu.dimension_semantics<subcore_parallel>], iteration_bounds = array<i64: 2, 16>, scalar_prefetch = 0 : i64, scratch_operands = 3 : i64, tpu.core_type = #tpu.core_type<sc_vector_subcore>, window_params = [{transform_indices = #map}, {transform_indices = #map1}]} {
    %mul3A = arith.constant 2 : i32
    %mul3A_0 = arith.muli %arg1, %mul3A : i32
    %add3A = arith.addi %mul3A_0, %arg0 : i32
    %mul3A_1 = arith.constant 256 : i32
    %mul3A_2 = arith.muli %add3A, %mul3A_1 : i32
    %add3A_3 = arith.constant 0 : i32
    %add3A_4 = arith.addi %mul3A_2, %add3A_3 : i32
    %dma_start3A = arith.constant 0 : i32
    %dma_start3A_5 = arith.constant 0 : i32
    %dma_start3A_6 = arith.constant 0 : i32
    %dma_start3A_7 = arith.constant 0 : i32
    %dma_start3A_8 = tpu.memref_slice %arg4[%dma_start3A, %dma_start3A_6, %dma_start3A_7] : memref<2x32x1024xf32, #tpu.memory_space<vmem>> -> memref<1x32x1024xf32, #tpu.memory_space<vmem>>
    %dma_start3A_9 = tpu.memref_squeeze %dma_start3A_8 : memref<1x32x1024xf32, #tpu.memory_space<vmem>> -> memref<32x1024xf32, #tpu.memory_space<vmem>>
    %dma_start3A_10 = arith.constant 0 : i32
    %dma_start3A_11 = tpu.memref_slice %arg2[%add3A_4, %dma_start3A_10] : memref<8192x1024xf32, #tpu.memory_space<hbm>> -> memref<32x1024xf32, #tpu.memory_space<hbm>>
    %dma_start3A_12 = tpu.memref_slice %arg5[%dma_start3A_5] : memref<2x!tpu.dma_semaphore, #tpu.memory_space<semaphore_mem>> -> memref<1x!tpu.dma_semaphore, #tpu.memory_space<semaphore_mem>>
    %dma_start3A_13 = tpu.memref_squeeze %dma_start3A_12 : memref<1x!tpu.dma_semaphore, #tpu.memory_space<semaphore_mem>> -> memref<!tpu.dma_semaphore, #tpu.memory_space<semaphore_mem>>
    %dma_start3A_14 = arith.constant 0 : i32
    %dma_start3A_15 = arith.constant 0 : i32
    %dma_start3A_16 = tpu.memref_slice %arg4[%dma_start3A, %dma_start3A_14, %dma_start3A_15] : memref<2x32x1024xf32, #tpu.memory_space<vmem>> -> memref<1x32x1024xf32, #tpu.memory_space<vmem>>
    %dma_start3A_17 = tpu.memref_squeeze %dma_start3A_16 : memref<1x32x1024xf32, #tpu.memory_space<vmem>> -> memref<32x1024xf32, #tpu.memory_space<vmem>>
    %dma_start3A_18 = arith.constant 0 : i32
    %dma_start3A_19 = tpu.memref_slice %arg2[%add3A_4, %dma_start3A_18] : memref<8192x1024xf32, #tpu.memory_space<hbm>> -> memref<32x1024xf32, #tpu.memory_space<hbm>>
    tpu.enqueue_dma source(%dma_start3A_19 : memref<32x1024xf32, #tpu.memory_space<hbm>>) target(%dma_start3A_17 : memref<32x1024xf32, #tpu.memory_space<vmem>>) target_semaphore(%dma_start3A_13 : memref<!tpu.dma_semaphore, #tpu.memory_space<semaphore_mem>>)
    %add3A_20 = arith.constant 32 : i32
    %add3A_21 = arith.addi %mul3A_2, %add3A_20 : i32
    %dma_start3A_22 = arith.constant 1 : i32
    %dma_start3A_23 = arith.constant 1 : i32
    %dma_start3A_24 = arith.constant 0 : i32
    %dma_start3A_25 = arith.constant 0 : i32
    %dma_start3A_26 = tpu.memref_slice %arg4[%dma_start3A_22, %dma_start3A_24, %dma_start3A_25] : memref<2x32x1024xf32, #tpu.memory_space<vmem>> -> memref<1x32x1024xf32, #tpu.memory_space<vmem>>
    %dma_start3A_27 = tpu.memref_squeeze %dma_start3A_26 : memref<1x32x1024xf32, #tpu.memory_space<vmem>> -> memref<32x1024xf32, #tpu.memory_space<vmem>>
    %dma_start3A_28 = arith.constant 0 : i32
    %dma_start3A_29 = tpu.memref_slice %arg2[%add3A_21, %dma_start3A_28] : memref<8192x1024xf32, #tpu.memory_space<hbm>> -> memref<32x1024xf32, #tpu.memory_space<hbm>>
    %dma_start3A_30 = tpu.memref_slice %arg5[%dma_start3A_23] : memref<2x!tpu.dma_semaphore, #tpu.memory_space<semaphore_mem>> -> memref<1x!tpu.dma_semaphore, #tpu.memory_space<semaphore_mem>>
    %dma_start3A_31 = tpu.memref_squeeze %dma_start3A_30 : memref<1x!tpu.dma_semaphore, #tpu.memory_space<semaphore_mem>> -> memref<!tpu.dma_semaphore, #tpu.memory_space<semaphore_mem>>
    %dma_start3A_32 = arith.constant 0 : i32
    %dma_start3A_33 = arith.constant 0 : i32
    %dma_start3A_34 = tpu.memref_slice %arg4[%dma_start3A_22, %dma_start3A_32, %dma_start3A_33] : memref<2x32x1024xf32, #tpu.memory_space<vmem>> -> memref<1x32x1024xf32, #tpu.memory_space<vmem>>
    %dma_start3A_35 = tpu.memref_squeeze %dma_start3A_34 : memref<1x32x1024xf32, #tpu.memory_space<vmem>> -> memref<32x1024xf32, #tpu.memory_space<vmem>>
    %dma_start3A_36 = arith.constant 0 : i32
    %dma_start3A_37 = tpu.memref_slice %arg2[%add3A_21, %dma_start3A_36] : memref<8192x1024xf32, #tpu.memory_space<hbm>> -> memref<32x1024xf32, #tpu.memory_space<hbm>>
    tpu.enqueue_dma source(%dma_start3A_37 : memref<32x1024xf32, #tpu.memory_space<hbm>>) target(%dma_start3A_35 : memref<32x1024xf32, #tpu.memory_space<vmem>>) target_semaphore(%dma_start3A_31 : memref<!tpu.dma_semaphore, #tpu.memory_space<semaphore_mem>>)
    %add3A_38 = arith.constant 0 : i32
    %add3A_39 = arith.addi %mul3A_2, %add3A_38 : i32
    %dma_wait3A = arith.constant 0 : i32
    %dma_wait3A_40 = arith.constant 0 : i32
    %dma_wait3A_41 = arith.constant 0 : i32
    %dma_wait3A_42 = arith.constant 0 : i32
    %dma_wait3A_43 = tpu.memref_slice %arg4[%dma_wait3A, %dma_wait3A_41, %dma_wait3A_42] : memref<2x32x1024xf32, #tpu.memory_space<vmem>> -> memref<1x32x1024xf32, #tpu.memory_space<vmem>>
    %dma_wait3A_44 = tpu.memref_squeeze %dma_wait3A_43 : memref<1x32x1024xf32, #tpu.memory_space<vmem>> -> memref<32x1024xf32, #tpu.memory_space<vmem>>
    %dma_wait3A_45 = arith.constant 0 : i32
    %dma_wait3A_46 = tpu.memref_slice %arg2[%add3A_39, %dma_wait3A_45] : memref<8192x1024xf32, #tpu.memory_space<hbm>> -> memref<32x1024xf32, #tpu.memory_space<hbm>>
    %dma_wait3A_47 = tpu.memref_slice %arg5[%dma_wait3A_40] : memref<2x!tpu.dma_semaphore, #tpu.memory_space<semaphore_mem>> -> memref<1x!tpu.dma_semaphore, #tpu.memory_space<semaphore_mem>>
    %dma_wait3A_48 = tpu.memref_squeeze %dma_wait3A_47 : memref<1x!tpu.dma_semaphore, #tpu.memory_space<semaphore_mem>> -> memref<!tpu.dma_semaphore, #tpu.memory_space<semaphore_mem>>
    %dma_wait3A_49 = arith.constant 0 : i32
    %dma_wait3A_50 = arith.constant 0 : i32
    %dma_wait3A_51 = tpu.memref_slice %arg4[%dma_wait3A, %dma_wait3A_49, %dma_wait3A_50] : memref<2x32x1024xf32, #tpu.memory_space<vmem>> -> memref<1x32x1024xf32, #tpu.memory_space<vmem>>
    %dma_wait3A_52 = tpu.memref_squeeze %dma_wait3A_51 : memref<1x32x1024xf32, #tpu.memory_space<vmem>> -> memref<32x1024xf32, #tpu.memory_space<vmem>>
    %dma_wait3A_53 = arith.constant 0 : i32
    %dma_wait3A_54 = tpu.memref_slice %arg2[%add3A_39, %dma_wait3A_53] : memref<8192x1024xf32, #tpu.memory_space<hbm>> -> memref<32x1024xf32, #tpu.memory_space<hbm>>
    tpu.wait_dma2 semaphore(%dma_wait3A_48 : memref<!tpu.dma_semaphore, #tpu.memory_space<semaphore_mem>>) src(%dma_wait3A_54 : memref<32x1024xf32, #tpu.memory_space<hbm>>) dst(%dma_wait3A_52 : memref<32x1024xf32, #tpu.memory_space<vmem>>)
    %add3A_55 = arith.constant 0 : i32
    %add3A_56 = arith.addi %mul3A_2, %add3A_55 : i32
    %dma_start3A_57 = arith.constant 0 : i32
    %dma_start3A_58 = arith.constant 0 : i32
    %dma_start3A_59 = arith.constant 0 : i32
    %dma_start3A_60 = arith.constant 0 : i32
    %dma_start3A_61 = arith.constant 0 : i32
    %dma_start3A_62 = arith.constant 0 : i32
    %dma_start3A_63 = tpu.memref_slice %arg4[%dma_start3A_57, %dma_start3A_61, %dma_start3A_62] : memref<2x32x1024xf32, #tpu.memory_space<vmem>> -> memref<1x32x1024xf32, #tpu.memory_space<vmem>>
    %dma_start3A_64 = tpu.memref_squeeze %dma_start3A_63 : memref<1x32x1024xf32, #tpu.memory_space<vmem>> -> memref<32x1024xf32, #tpu.memory_space<vmem>>
    %dma_start3A_65 = arith.constant 0 : i32
    %dma_start3A_66 = tpu.memref_slice %arg3[%dma_start3A_58, %add3A_56, %dma_start3A_65] : memref<4x8192x1024xf32, #tpu.memory_space<hbm>> -> memref<1x32x1024xf32, #tpu.memory_space<hbm>>
    %dma_start3A_67 = tpu.memref_squeeze %dma_start3A_66 : memref<1x32x1024xf32, #tpu.memory_space<hbm>> -> memref<32x1024xf32, #tpu.memory_space<hbm>>
    %dma_start3A_68 = tpu.memref_slice %arg6[%dma_start3A_59, %dma_start3A_60] : memref<2x4x!tpu.dma_semaphore, #tpu.memory_space<semaphore_mem>> -> memref<1x1x!tpu.dma_semaphore, #tpu.memory_space<semaphore_mem>>
    %dma_start3A_69 = tpu.memref_squeeze %dma_start3A_68 : memref<1x1x!tpu.dma_semaphore, #tpu.memory_space<semaphore_mem>> -> memref<!tpu.dma_semaphore, #tpu.memory_space<semaphore_mem>>
    %dma_start3A_70 = arith.constant 0 : i32
    %dma_start3A_71 = tpu.memref_slice %arg3[%dma_start3A_58, %add3A_56, %dma_start3A_70] : memref<4x8192x1024xf32, #tpu.memory_space<hbm>> -> memref<1x32x1024xf32, #tpu.memory_space<hbm>>
    %dma_start3A_72 = tpu.memref_squeeze %dma_start3A_71 : memref<1x32x1024xf32, #tpu.memory_space<hbm>> -> memref<32x1024xf32, #tpu.memory_space<hbm>>
    %dma_start3A_73 = arith.constant 0 : i32
    %dma_start3A_74 = arith.constant 0 : i32
    %dma_start3A_75 = tpu.memref_slice %arg4[%dma_start3A_57, %dma_start3A_73, %dma_start3A_74] : memref<2x32x1024xf32, #tpu.memory_space<vmem>> -> memref<1x32x1024xf32, #tpu.memory_space<vmem>>
    %dma_start3A_76 = tpu.memref_squeeze %dma_start3A_75 : memref<1x32x1024xf32, #tpu.memory_space<vmem>> -> memref<32x1024xf32, #tpu.memory_space<vmem>>
    tpu.enqueue_dma source(%dma_start3A_76 : memref<32x1024xf32, #tpu.memory_space<vmem>>) target(%dma_start3A_72 : memref<32x1024xf32, #tpu.memory_space<hbm>>) target_semaphore(%dma_start3A_69 : memref<!tpu.dma_semaphore, #tpu.memory_space<semaphore_mem>>)
    %add3A_77 = arith.constant 0 : i32
    %add3A_78 = arith.addi %mul3A_2, %add3A_77 : i32
    %dma_start3A_79 = arith.constant 0 : i32
    %dma_start3A_80 = arith.constant 1 : i32
    %dma_start3A_81 = arith.constant 0 : i32
    %dma_start3A_82 = arith.constant 1 : i32
    %dma_start3A_83 = arith.constant 0 : i32
    %dma_start3A_84 = arith.constant 0 : i32
    %dma_start3A_85 = tpu.memref_slice %arg4[%dma_start3A_79, %dma_start3A_83, %dma_start3A_84] : memref<2x32x1024xf32, #tpu.memory_space<vmem>> -> memref<1x32x1024xf32, #tpu.memory_space<vmem>>
    %dma_start3A_86 = tpu.memref_squeeze %dma_start3A_85 : memref<1x32x1024xf32, #tpu.memory_space<vmem>> -> memref<32x1024xf32, #tpu.memory_space<vmem>>
    %dma_start3A_87 = arith.constant 0 : i32
    %dma_start3A_88 = tpu.memref_slice %arg3[%dma_start3A_80, %add3A_78, %dma_start3A_87] : memref<4x8192x1024xf32, #tpu.memory_space<hbm>> -> memref<1x32x1024xf32, #tpu.memory_space<hbm>>
    %dma_start3A_89 = tpu.memref_squeeze %dma_start3A_88 : memref<1x32x1024xf32, #tpu.memory_space<hbm>> -> memref<32x1024xf32, #tpu.memory_space<hbm>>
    %dma_start3A_90 = tpu.memref_slice %arg6[%dma_start3A_81, %dma_start3A_82] : memref<2x4x!tpu.dma_semaphore, #tpu.memory_space<semaphore_mem>> -> memref<1x1x!tpu.dma_semaphore, #tpu.memory_space<semaphore_mem>>
    %dma_start3A_91 = tpu.memref_squeeze %dma_start3A_90 : memref<1x1x!tpu.dma_semaphore, #tpu.memory_space<semaphore_mem>> -> memref<!tpu.dma_semaphore, #tpu.memory_space<semaphore_mem>>
    %dma_start3A_92 = arith.constant 0 : i32
    %dma_start3A_93 = tpu.memref_slice %arg3[%dma_start3A_80, %add3A_78, %dma_start3A_92] : memref<4x8192x1024xf32, #tpu.memory_space<hbm>> -> memref<1x32x1024xf32, #tpu.memory_space<hbm>>
    %dma_start3A_94 = tpu.memref_squeeze %dma_start3A_93 : memref<1x32x1024xf32, #tpu.memory_space<hbm>> -> memref<32x1024xf32, #tpu.memory_space<hbm>>
    %dma_start3A_95 = arith.constant 0 : i32
    %dma_start3A_96 = arith.constant 0 : i32
    %dma_start3A_97 = tpu.memref_slice %arg4[%dma_start3A_79, %dma_start3A_95, %dma_start3A_96] : memref<2x32x1024xf32, #tpu.memory_space<vmem>> -> memref<1x32x1024xf32, #tpu.memory_space<vmem>>
    %dma_start3A_98 = tpu.memref_squeeze %dma_start3A_97 : memref<1x32x1024xf32, #tpu.memory_space<vmem>> -> memref<32x1024xf32, #tpu.memory_space<vmem>>
    tpu.enqueue_dma source(%dma_start3A_98 : memref<32x1024xf32, #tpu.memory_space<vmem>>) target(%dma_start3A_94 : memref<32x1024xf32, #tpu.memory_space<hbm>>) target_semaphore(%dma_start3A_91 : memref<!tpu.dma_semaphore, #tpu.memory_space<semaphore_mem>>)
    %add3A_99 = arith.constant 0 : i32
    %add3A_100 = arith.addi %mul3A_2, %add3A_99 : i32
    %dma_start3A_101 = arith.constant 0 : i32
    %dma_start3A_102 = arith.constant 2 : i32
    %dma_start3A_103 = arith.constant 0 : i32
    %dma_start3A_104 = arith.constant 2 : i32
    %dma_start3A_105 = arith.constant 0 : i32
    %dma_start3A_106 = arith.constant 0 : i32
    %dma_start3A_107 = tpu.memref_slice %arg4[%dma_start3A_101, %dma_start3A_105, %dma_start3A_106] : memref<2x32x1024xf32, #tpu.memory_space<vmem>> -> memref<1x32x1024xf32, #tpu.memory_space<vmem>>
    %dma_start3A_108 = tpu.memref_squeeze %dma_start3A_107 : memref<1x32x1024xf32, #tpu.memory_space<vmem>> -> memref<32x1024xf32, #tpu.memory_space<vmem>>
    %dma_start3A_109 = arith.constant 0 : i32
    %dma_start3A_110 = tpu.memref_slice %arg3[%dma_start3A_102, %add3A_100, %dma_start3A_109] : memref<4x8192x1024xf32, #tpu.memory_space<hbm>> -> memref<1x32x1024xf32, #tpu.memory_space<hbm>>
    %dma_start3A_111 = tpu.memref_squeeze %dma_start3A_110 : memref<1x32x1024xf32, #tpu.memory_space<hbm>> -> memref<32x1024xf32, #tpu.memory_space<hbm>>
    %dma_start3A_112 = tpu.memref_slice %arg6[%dma_start3A_103, %dma_start3A_104] : memref<2x4x!tpu.dma_semaphore, #tpu.memory_space<semaphore_mem>> -> memref<1x1x!tpu.dma_semaphore, #tpu.memory_space<semaphore_mem>>
    %dma_start3A_113 = tpu.memref_squeeze %dma_start3A_112 : memref<1x1x!tpu.dma_semaphore, #tpu.memory_space<semaphore_mem>> -> memref<!tpu.dma_semaphore, #tpu.memory_space<semaphore_mem>>
    %dma_start3A_114 = arith.constant 0 : i32
    %dma_start3A_115 = tpu.memref_slice %arg3[%dma_start3A_102, %add3A_100, %dma_start3A_114] : memref<4x8192x1024xf32, #tpu.memory_space<hbm>> -> memref<1x32x1024xf32, #tpu.memory_space<hbm>>
    %dma_start3A_116 = tpu.memref_squeeze %dma_start3A_115 : memref<1x32x1024xf32, #tpu.memory_space<hbm>> -> memref<32x1024xf32, #tpu.memory_space<hbm>>
    %dma_start3A_117 = arith.constant 0 : i32
    %dma_start3A_118 = arith.constant 0 : i32
    %dma_start3A_119 = tpu.memref_slice %arg4[%dma_start3A_101, %dma_start3A_117, %dma_start3A_118] : memref<2x32x1024xf32, #tpu.memory_space<vmem>> -> memref<1x32x1024xf32, #tpu.memory_space<vmem>>
    %dma_start3A_120 = tpu.memref_squeeze %dma_start3A_119 : memref<1x32x1024xf32, #tpu.memory_space<vmem>> -> memref<32x1024xf32, #tpu.memory_space<vmem>>
    tpu.enqueue_dma source(%dma_start3A_120 : memref<32x1024xf32, #tpu.memory_space<vmem>>) target(%dma_start3A_116 : memref<32x1024xf32, #tpu.memory_space<hbm>>) target_semaphore(%dma_start3A_113 : memref<!tpu.dma_semaphore, #tpu.memory_space<semaphore_mem>>)
    %add3A_121 = arith.constant 0 : i32
    %add3A_122 = arith.addi %mul3A_2, %add3A_121 : i32
    %dma_start3A_123 = arith.constant 0 : i32
    %dma_start3A_124 = arith.constant 3 : i32
    %dma_start3A_125 = arith.constant 0 : i32
    %dma_start3A_126 = arith.constant 3 : i32
    %dma_start3A_127 = arith.constant 0 : i32
    %dma_start3A_128 = arith.constant 0 : i32
    %dma_start3A_129 = tpu.memref_slice %arg4[%dma_start3A_123, %dma_start3A_127, %dma_start3A_128] : memref<2x32x1024xf32, #tpu.memory_space<vmem>> -> memref<1x32x1024xf32, #tpu.memory_space<vmem>>
    %dma_start3A_130 = tpu.memref_squeeze %dma_start3A_129 : memref<1x32x1024xf32, #tpu.memory_space<vmem>> -> memref<32x1024xf32, #tpu.memory_space<vmem>>
    %dma_start3A_131 = arith.constant 0 : i32
    %dma_start3A_132 = tpu.memref_slice %arg3[%dma_start3A_124, %add3A_122, %dma_start3A_131] : memref<4x8192x1024xf32, #tpu.memory_space<hbm>> -> memref<1x32x1024xf32, #tpu.memory_space<hbm>>
    %dma_start3A_133 = tpu.memref_squeeze %dma_start3A_132 : memref<1x32x1024xf32, #tpu.memory_space<hbm>> -> memref<32x1024xf32, #tpu.memory_space<hbm>>
    %dma_start3A_134 = tpu.memref_slice %arg6[%dma_start3A_125, %dma_start3A_126] : memref<2x4x!tpu.dma_semaphore, #tpu.memory_space<semaphore_mem>> -> memref<1x1x!tpu.dma_semaphore, #tpu.memory_space<semaphore_mem>>
    %dma_start3A_135 = tpu.memref_squeeze %dma_start3A_134 : memref<1x1x!tpu.dma_semaphore, #tpu.memory_space<semaphore_mem>> -> memref<!tpu.dma_semaphore, #tpu.memory_space<semaphore_mem>>
    %dma_start3A_136 = arith.constant 0 : i32
    %dma_start3A_137 = tpu.memref_slice %arg3[%dma_start3A_124, %add3A_122, %dma_start3A_136] : memref<4x8192x1024xf32, #tpu.memory_space<hbm>> -> memref<1x32x1024xf32, #tpu.memory_space<hbm>>
    %dma_start3A_138 = tpu.memref_squeeze %dma_start3A_137 : memref<1x32x1024xf32, #tpu.memory_space<hbm>> -> memref<32x1024xf32, #tpu.memory_space<hbm>>
    %dma_start3A_139 = arith.constant 0 : i32
    %dma_start3A_140 = arith.constant 0 : i32
    %dma_start3A_141 = tpu.memref_slice %arg4[%dma_start3A_123, %dma_start3A_139, %dma_start3A_140] : memref<2x32x1024xf32, #tpu.memory_space<vmem>> -> memref<1x32x1024xf32, #tpu.memory_space<vmem>>
    %dma_start3A_142 = tpu.memref_squeeze %dma_start3A_141 : memref<1x32x1024xf32, #tpu.memory_space<vmem>> -> memref<32x1024xf32, #tpu.memory_space<vmem>>
    tpu.enqueue_dma source(%dma_start3A_142 : memref<32x1024xf32, #tpu.memory_space<vmem>>) target(%dma_start3A_138 : memref<32x1024xf32, #tpu.memory_space<hbm>>) target_semaphore(%dma_start3A_135 : memref<!tpu.dma_semaphore, #tpu.memory_space<semaphore_mem>>)
    %add3A_143 = arith.constant 0 : i32
    %add3A_144 = arith.addi %mul3A_2, %add3A_143 : i32
    %dma_wait3A_145 = arith.constant 0 : i32
    %dma_wait3A_146 = arith.constant 0 : i32
    %dma_wait3A_147 = arith.constant 0 : i32
    %dma_wait3A_148 = arith.constant 0 : i32
    %dma_wait3A_149 = arith.constant 0 : i32
    %dma_wait3A_150 = arith.constant 0 : i32
    %dma_wait3A_151 = tpu.memref_slice %arg4[%dma_wait3A_145, %dma_wait3A_149, %dma_wait3A_150] : memref<2x32x1024xf32, #tpu.memory_space<vmem>> -> memref<1x32x1024xf32, #tpu.memory_space<vmem>>
    %dma_wait3A_152 = tpu.memref_squeeze %dma_wait3A_151 : memref<1x32x1024xf32, #tpu.memory_space<vmem>> -> memref<32x1024xf32, #tpu.memory_space<vmem>>
    %dma_wait3A_153 = arith.constant 0 : i32
    %dma_wait3A_154 = tpu.memref_slice %arg3[%dma_wait3A_146, %add3A_144, %dma_wait3A_153] : memref<4x8192x1024xf32, #tpu.memory_space<hbm>> -> memref<1x32x1024xf32, #tpu.memory_space<hbm>>
    %dma_wait3A_155 = tpu.memref_squeeze %dma_wait3A_154 : memref<1x32x1024xf32, #tpu.memory_space<hbm>> -> memref<32x1024xf32, #tpu.memory_space<hbm>>
    %dma_wait3A_156 = tpu.memref_slice %arg6[%dma_wait3A_147, %dma_wait3A_148] : memref<2x4x!tpu.dma_semaphore, #tpu.memory_space<semaphore_mem>> -> memref<1x1x!tpu.dma_semaphore, #tpu.memory_space<semaphore_mem>>
    %dma_wait3A_157 = tpu.memref_squeeze %dma_wait3A_156 : memref<1x1x!tpu.dma_semaphore, #tpu.memory_space<semaphore_mem>> -> memref<!tpu.dma_semaphore, #tpu.memory_space<semaphore_mem>>
    %dma_wait3A_158 = arith.constant 0 : i32
    %dma_wait3A_159 = tpu.memref_slice %arg3[%dma_wait3A_146, %add3A_144, %dma_wait3A_158] : memref<4x8192x1024xf32, #tpu.memory_space<hbm>> -> memref<1x32x1024xf32, #tpu.memory_space<hbm>>
    %dma_wait3A_160 = tpu.memref_squeeze %dma_wait3A_159 : memref<1x32x1024xf32, #tpu.memory_space<hbm>> -> memref<32x1024xf32, #tpu.memory_space<hbm>>
    %dma_wait3A_161 = arith.constant 0 : i32
    %dma_wait3A_162 = arith.constant 0 : i32
    %dma_wait3A_163 = tpu.memref_slice %arg4[%dma_wait3A_145, %dma_wait3A_161, %dma_wait3A_162] : memref<2x32x1024xf32, #tpu.memory_space<vmem>> -> memref<1x32x1024xf32, #tpu.memory_space<vmem>>
    %dma_wait3A_164 = tpu.memref_squeeze %dma_wait3A_163 : memref<1x32x1024xf32, #tpu.memory_space<vmem>> -> memref<32x1024xf32, #tpu.memory_space<vmem>>
    tpu.wait_dma2 semaphore(%dma_wait3A_157 : memref<!tpu.dma_semaphore, #tpu.memory_space<semaphore_mem>>) src(%dma_wait3A_164 : memref<32x1024xf32, #tpu.memory_space<vmem>>) dst(%dma_wait3A_160 : memref<32x1024xf32, #tpu.memory_space<hbm>>)
    %add3A_165 = arith.constant 0 : i32
    %add3A_166 = arith.addi %mul3A_2, %add3A_165 : i32
    %dma_wait3A_167 = arith.constant 0 : i32
    %dma_wait3A_168 = arith.constant 1 : i32
    %dma_wait3A_169 = arith.constant 0 : i32
    %dma_wait3A_170 = arith.constant 1 : i32
    %dma_wait3A_171 = arith.constant 0 : i32
    %dma_wait3A_172 = arith.constant 0 : i32
    %dma_wait3A_173 = tpu.memref_slice %arg4[%dma_wait3A_167, %dma_wait3A_171, %dma_wait3A_172] : memref<2x32x1024xf32, #tpu.memory_space<vmem>> -> memref<1x32x1024xf32, #tpu.memory_space<vmem>>
    %dma_wait3A_174 = tpu.memref_squeeze %dma_wait3A_173 : memref<1x32x1024xf32, #tpu.memory_space<vmem>> -> memref<32x1024xf32, #tpu.memory_space<vmem>>
    %dma_wait3A_175 = arith.constant 0 : i32
    %dma_wait3A_176 = tpu.memref_slice %arg3[%dma_wait3A_168, %add3A_166, %dma_wait3A_175] : memref<4x8192x1024xf32, #tpu.memory_space<hbm>> -> memref<1x32x1024xf32, #tpu.memory_space<hbm>>
    %dma_wait3A_177 = tpu.memref_squeeze %dma_wait3A_176 : memref<1x32x1024xf32, #tpu.memory_space<hbm>> -> memref<32x1024xf32, #tpu.memory_space<hbm>>
    %dma_wait3A_178 = tpu.memref_slice %arg6[%dma_wait3A_169, %dma_wait3A_170] : memref<2x4x!tpu.dma_semaphore, #tpu.memory_space<semaphore_mem>> -> memref<1x1x!tpu.dma_semaphore, #tpu.memory_space<semaphore_mem>>
    %dma_wait3A_179 = tpu.memref_squeeze %dma_wait3A_178 : memref<1x1x!tpu.dma_semaphore, #tpu.memory_space<semaphore_mem>> -> memref<!tpu.dma_semaphore, #tpu.memory_space<semaphore_mem>>
    %dma_wait3A_180 = arith.constant 0 : i32
    %dma_wait3A_181 = tpu.memref_slice %arg3[%dma_wait3A_168, %add3A_166, %dma_wait3A_180] : memref<4x8192x1024xf32, #tpu.memory_space<hbm>> -> memref<1x32x1024xf32, #tpu.memory_space<hbm>>
    %dma_wait3A_182 = tpu.memref_squeeze %dma_wait3A_181 : memref<1x32x1024xf32, #tpu.memory_space<hbm>> -> memref<32x1024xf32, #tpu.memory_space<hbm>>
    %dma_wait3A_183 = arith.constant 0 : i32
    %dma_wait3A_184 = arith.constant 0 : i32
    %dma_wait3A_185 = tpu.memref_slice %arg4[%dma_wait3A_167, %dma_wait3A_183, %dma_wait3A_184] : memref<2x32x1024xf32, #tpu.memory_space<vmem>> -> memref<1x32x1024xf32, #tpu.memory_space<vmem>>
    %dma_wait3A_186 = tpu.memref_squeeze %dma_wait3A_185 : memref<1x32x1024xf32, #tpu.memory_space<vmem>> -> memref<32x1024xf32, #tpu.memory_space<vmem>>
    tpu.wait_dma2 semaphore(%dma_wait3A_179 : memref<!tpu.dma_semaphore, #tpu.memory_space<semaphore_mem>>) src(%dma_wait3A_186 : memref<32x1024xf32, #tpu.memory_space<vmem>>) dst(%dma_wait3A_182 : memref<32x1024xf32, #tpu.memory_space<hbm>>)
    %add3A_187 = arith.constant 0 : i32
    %add3A_188 = arith.addi %mul3A_2, %add3A_187 : i32
    %dma_wait3A_189 = arith.constant 0 : i32
    %dma_wait3A_190 = arith.constant 2 : i32
    %dma_wait3A_191 = arith.constant 0 : i32
    %dma_wait3A_192 = arith.constant 2 : i32
    %dma_wait3A_193 = arith.constant 0 : i32
    %dma_wait3A_194 = arith.constant 0 : i32
    %dma_wait3A_195 = tpu.memref_slice %arg4[%dma_wait3A_189, %dma_wait3A_193, %dma_wait3A_194] : memref<2x32x1024xf32, #tpu.memory_space<vmem>> -> memref<1x32x1024xf32, #tpu.memory_space<vmem>>
    %dma_wait3A_196 = tpu.memref_squeeze %dma_wait3A_195 : memref<1x32x1024xf32, #tpu.memory_space<vmem>> -> memref<32x1024xf32, #tpu.memory_space<vmem>>
    %dma_wait3A_197 = arith.constant 0 : i32
    %dma_wait3A_198 = tpu.memref_slice %arg3[%dma_wait3A_190, %add3A_188, %dma_wait3A_197] : memref<4x8192x1024xf32, #tpu.memory_space<hbm>> -> memref<1x32x1024xf32, #tpu.memory_space<hbm>>
    %dma_wait3A_199 = tpu.memref_squeeze %dma_wait3A_198 : memref<1x32x1024xf32, #tpu.memory_space<hbm>> -> memref<32x1024xf32, #tpu.memory_space<hbm>>
    %dma_wait3A_200 = tpu.memref_slice %arg6[%dma_wait3A_191, %dma_wait3A_192] : memref<2x4x!tpu.dma_semaphore, #tpu.memory_space<semaphore_mem>> -> memref<1x1x!tpu.dma_semaphore, #tpu.memory_space<semaphore_mem>>
    %dma_wait3A_201 = tpu.memref_squeeze %dma_wait3A_200 : memref<1x1x!tpu.dma_semaphore, #tpu.memory_space<semaphore_mem>> -> memref<!tpu.dma_semaphore, #tpu.memory_space<semaphore_mem>>
    %dma_wait3A_202 = arith.constant 0 : i32
    %dma_wait3A_203 = tpu.memref_slice %arg3[%dma_wait3A_190, %add3A_188, %dma_wait3A_202] : memref<4x8192x1024xf32, #tpu.memory_space<hbm>> -> memref<1x32x1024xf32, #tpu.memory_space<hbm>>
    %dma_wait3A_204 = tpu.memref_squeeze %dma_wait3A_203 : memref<1x32x1024xf32, #tpu.memory_space<hbm>> -> memref<32x1024xf32, #tpu.memory_space<hbm>>
    %dma_wait3A_205 = arith.constant 0 : i32
    %dma_wait3A_206 = arith.constant 0 : i32
    %dma_wait3A_207 = tpu.memref_slice %arg4[%dma_wait3A_189, %dma_wait3A_205, %dma_wait3A_206] : memref<2x32x1024xf32, #tpu.memory_space<vmem>> -> memref<1x32x1024xf32, #tpu.memory_space<vmem>>
    %dma_wait3A_208 = tpu.memref_squeeze %dma_wait3A_207 : memref<1x32x1024xf32, #tpu.memory_space<vmem>> -> memref<32x1024xf32, #tpu.memory_space<vmem>>
    tpu.wait_dma2 semaphore(%dma_wait3A_201 : memref<!tpu.dma_semaphore, #tpu.memory_space<semaphore_mem>>) src(%dma_wait3A_208 : memref<32x1024xf32, #tpu.memory_space<vmem>>) dst(%dma_wait3A_204 : memref<32x1024xf32, #tpu.memory_space<hbm>>)
    %add3A_209 = arith.constant 0 : i32
    %add3A_210 = arith.addi %mul3A_2, %add3A_209 : i32
    %dma_wait3A_211 = arith.constant 0 : i32
    %dma_wait3A_212 = arith.constant 3 : i32
    %dma_wait3A_213 = arith.constant 0 : i32
    %dma_wait3A_214 = arith.constant 3 : i32
    %dma_wait3A_215 = arith.constant 0 : i32
    %dma_wait3A_216 = arith.constant 0 : i32
    %dma_wait3A_217 = tpu.memref_slice %arg4[%dma_wait3A_211, %dma_wait3A_215, %dma_wait3A_216] : memref<2x32x1024xf32, #tpu.memory_space<vmem>> -> memref<1x32x1024xf32, #tpu.memory_space<vmem>>
    %dma_wait3A_218 = tpu.memref_squeeze %dma_wait3A_217 : memref<1x32x1024xf32, #tpu.memory_space<vmem>> -> memref<32x1024xf32, #tpu.memory_space<vmem>>
    %dma_wait3A_219 = arith.constant 0 : i32
    %dma_wait3A_220 = tpu.memref_slice %arg3[%dma_wait3A_212, %add3A_210, %dma_wait3A_219] : memref<4x8192x1024xf32, #tpu.memory_space<hbm>> -> memref<1x32x1024xf32, #tpu.memory_space<hbm>>
    %dma_wait3A_221 = tpu.memref_squeeze %dma_wait3A_220 : memref<1x32x1024xf32, #tpu.memory_space<hbm>> -> memref<32x1024xf32, #tpu.memory_space<hbm>>
    %dma_wait3A_222 = tpu.memref_slice %arg6[%dma_wait3A_213, %dma_wait3A_214] : memref<2x4x!tpu.dma_semaphore, #tpu.memory_space<semaphore_mem>> -> memref<1x1x!tpu.dma_semaphore, #tpu.memory_space<semaphore_mem>>
    %dma_wait3A_223 = tpu.memref_squeeze %dma_wait3A_222 : memref<1x1x!tpu.dma_semaphore, #tpu.memory_space<semaphore_mem>> -> memref<!tpu.dma_semaphore, #tpu.memory_space<semaphore_mem>>
    %dma_wait3A_224 = arith.constant 0 : i32
    %dma_wait3A_225 = tpu.memref_slice %arg3[%dma_wait3A_212, %add3A_210, %dma_wait3A_224] : memref<4x8192x1024xf32, #tpu.memory_space<hbm>> -> memref<1x32x1024xf32, #tpu.memory_space<hbm>>
    %dma_wait3A_226 = tpu.memref_squeeze %dma_wait3A_225 : memref<1x32x1024xf32, #tpu.memory_space<hbm>> -> memref<32x1024xf32, #tpu.memory_space<hbm>>
    %dma_wait3A_227 = arith.constant 0 : i32
    %dma_wait3A_228 = arith.constant 0 : i32
    %dma_wait3A_229 = tpu.memref_slice %arg4[%dma_wait3A_211, %dma_wait3A_227, %dma_wait3A_228] : memref<2x32x1024xf32, #tpu.memory_space<vmem>> -> memref<1x32x1024xf32, #tpu.memory_space<vmem>>
    %dma_wait3A_230 = tpu.memref_squeeze %dma_wait3A_229 : memref<1x32x1024xf32, #tpu.memory_space<vmem>> -> memref<32x1024xf32, #tpu.memory_space<vmem>>
    tpu.wait_dma2 semaphore(%dma_wait3A_223 : memref<!tpu.dma_semaphore, #tpu.memory_space<semaphore_mem>>) src(%dma_wait3A_230 : memref<32x1024xf32, #tpu.memory_space<vmem>>) dst(%dma_wait3A_226 : memref<32x1024xf32, #tpu.memory_space<hbm>>)
    %add3A_231 = arith.constant 64 : i32
    %add3A_232 = arith.addi %mul3A_2, %add3A_231 : i32
    %dma_start3A_233 = arith.constant 0 : i32
    %dma_start3A_234 = arith.constant 0 : i32
    %dma_start3A_235 = arith.constant 0 : i32
    %dma_start3A_236 = arith.constant 0 : i32
    %dma_start3A_237 = tpu.memref_slice %arg4[%dma_start3A_233, %dma_start3A_235, %dma_start3A_236] : memref<2x32x1024xf32, #tpu.memory_space<vmem>> -> memref<1x32x1024xf32, #tpu.memory_space<vmem>>
    %dma_start3A_238 = tpu.memref_squeeze %dma_start3A_237 : memref<1x32x1024xf32, #tpu.memory_space<vmem>> -> memref<32x1024xf32, #tpu.memory_space<vmem>>
    %dma_start3A_239 = arith.constant 0 : i32
    %dma_start3A_240 = tpu.memref_slice %arg2[%add3A_232, %dma_start3A_239] : memref<8192x1024xf32, #tpu.memory_space<hbm>> -> memref<32x1024xf32, #tpu.memory_space<hbm>>
    %dma_start3A_241 = tpu.memref_slice %arg5[%dma_start3A_234] : memref<2x!tpu.dma_semaphore, #tpu.memory_space<semaphore_mem>> -> memref<1x!tpu.dma_semaphore, #tpu.memory_space<semaphore_mem>>
    %dma_start3A_242 = tpu.memref_squeeze %dma_start3A_241 : memref<1x!tpu.dma_semaphore, #tpu.memory_space<semaphore_mem>> -> memref<!tpu.dma_semaphore, #tpu.memory_space<semaphore_mem>>
    %dma_start3A_243 = arith.constant 0 : i32
    %dma_start3A_244 = arith.constant 0 : i32
    %dma_start3A_245 = tpu.memref_slice %arg4[%dma_start3A_233, %dma_start3A_243, %dma_start3A_244] : memref<2x32x1024xf32, #tpu.memory_space<vmem>> -> memref<1x32x1024xf32, #tpu.memory_space<vmem>>
    %dma_start3A_246 = tpu.memref_squeeze %dma_start3A_245 : memref<1x32x1024xf32, #tpu.memory_space<vmem>> -> memref<32x1024xf32, #tpu.memory_space<vmem>>
    %dma_start3A_247 = arith.constant 0 : i32
    %dma_start3A_248 = tpu.memref_slice %arg2[%add3A_232, %dma_start3A_247] : memref<8192x1024xf32, #tpu.memory_space<hbm>> -> memref<32x1024xf32, #tpu.memory_space<hbm>>
    tpu.enqueue_dma source(%dma_start3A_248 : memref<32x1024xf32, #tpu.memory_space<hbm>>) target(%dma_start3A_246 : memref<32x1024xf32, #tpu.memory_space<vmem>>) target_semaphore(%dma_start3A_242 : memref<!tpu.dma_semaphore, #tpu.memory_space<semaphore_mem>>)
    %add3A_249 = arith.constant 32 : i32
    %add3A_250 = arith.addi %mul3A_2, %add3A_249 : i32
    %dma_wait3A_251 = arith.constant 1 : i32
    %dma_wait3A_252 = arith.constant 1 : i32
    %dma_wait3A_253 = arith.constant 0 : i32
    %dma_wait3A_254 = arith.constant 0 : i32
    %dma_wait3A_255 = tpu.memref_slice %arg4[%dma_wait3A_251, %dma_wait3A_253, %dma_wait3A_254] : memref<2x32x1024xf32, #tpu.memory_space<vmem>> -> memref<1x32x1024xf32, #tpu.memory_space<vmem>>
    %dma_wait3A_256 = tpu.memref_squeeze %dma_wait3A_255 : memref<1x32x1024xf32, #tpu.memory_space<vmem>> -> memref<32x1024xf32, #tpu.memory_space<vmem>>
    %dma_wait3A_257 = arith.constant 0 : i32
    %dma_wait3A_258 = tpu.memref_slice %arg2[%add3A_250, %dma_wait3A_257] : memref<8192x1024xf32, #tpu.memory_space<hbm>> -> memref<32x1024xf32, #tpu.memory_space<hbm>>
    %dma_wait3A_259 = tpu.memref_slice %arg5[%dma_wait3A_252] : memref<2x!tpu.dma_semaphore, #tpu.memory_space<semaphore_mem>> -> memref<1x!tpu.dma_semaphore, #tpu.memory_space<semaphore_mem>>
    %dma_wait3A_260 = tpu.memref_squeeze %dma_wait3A_259 : memref<1x!tpu.dma_semaphore, #tpu.memory_space<semaphore_mem>> -> memref<!tpu.dma_semaphore, #tpu.memory_space<semaphore_mem>>
    %dma_wait3A_261 = arith.constant 0 : i32
    %dma_wait3A_262 = arith.constant 0 : i32
    %dma_wait3A_263 = tpu.memref_slice %arg4[%dma_wait3A_251, %dma_wait3A_261, %dma_wait3A_262] : memref<2x32x1024xf32, #tpu.memory_space<vmem>> -> memref<1x32x1024xf32, #tpu.memory_space<vmem>>
    %dma_wait3A_264 = tpu.memref_squeeze %dma_wait3A_263 : memref<1x32x1024xf32, #tpu.memory_space<vmem>> -> memref<32x1024xf32, #tpu.memory_space<vmem>>
    %dma_wait3A_265 = arith.constant 0 : i32
    %dma_wait3A_266 = tpu.memref_slice %arg2[%add3A_250, %dma_wait3A_265] : memref<8192x1024xf32, #tpu.memory_space<hbm>> -> memref<32x1024xf32, #tpu.memory_space<hbm>>
    tpu.wait_dma2 semaphore(%dma_wait3A_260 : memref<!tpu.dma_semaphore, #tpu.memory_space<semaphore_mem>>) src(%dma_wait3A_266 : memref<32x1024xf32, #tpu.memory_space<hbm>>) dst(%dma_wait3A_264 : memref<32x1024xf32, #tpu.memory_space<vmem>>)
    %add3A_267 = arith.constant 32 : i32
    %add3A_268 = arith.addi %mul3A_2, %add3A_267 : i32
    %dma_start3A_269 = arith.constant 1 : i32
    %dma_start3A_270 = arith.constant 0 : i32
    %dma_start3A_271 = arith.constant 1 : i32
    %dma_start3A_272 = arith.constant 0 : i32
    %dma_start3A_273 = arith.constant 0 : i32
    %dma_start3A_274 = arith.constant 0 : i32
    %dma_start3A_275 = tpu.memref_slice %arg4[%dma_start3A_269, %dma_start3A_273, %dma_start3A_274] : memref<2x32x1024xf32, #tpu.memory_space<vmem>> -> memref<1x32x1024xf32, #tpu.memory_space<vmem>>
    %dma_start3A_276 = tpu.memref_squeeze %dma_start3A_275 : memref<1x32x1024xf32, #tpu.memory_space<vmem>> -> memref<32x1024xf32, #tpu.memory_space<vmem>>
    %dma_start3A_277 = arith.constant 0 : i32
    %dma_start3A_278 = tpu.memref_slice %arg3[%dma_start3A_270, %add3A_268, %dma_start3A_277] : memref<4x8192x1024xf32, #tpu.memory_space<hbm>> -> memref<1x32x1024xf32, #tpu.memory_space<hbm>>
    %dma_start3A_279 = tpu.memref_squeeze %dma_start3A_278 : memref<1x32x1024xf32, #tpu.memory_space<hbm>> -> memref<32x1024xf32, #tpu.memory_space<hbm>>
    %dma_start3A_280 = tpu.memref_slice %arg6[%dma_start3A_271, %dma_start3A_272] : memref<2x4x!tpu.dma_semaphore, #tpu.memory_space<semaphore_mem>> -> memref<1x1x!tpu.dma_semaphore, #tpu.memory_space<semaphore_mem>>
    %dma_start3A_281 = tpu.memref_squeeze %dma_start3A_280 : memref<1x1x!tpu.dma_semaphore, #tpu.memory_space<semaphore_mem>> -> memref<!tpu.dma_semaphore, #tpu.memory_space<semaphore_mem>>
    %dma_start3A_282 = arith.constant 0 : i32
    %dma_start3A_283 = tpu.memref_slice %arg3[%dma_start3A_270, %add3A_268, %dma_start3A_282] : memref<4x8192x1024xf32, #tpu.memory_space<hbm>> -> memref<1x32x1024xf32, #tpu.memory_space<hbm>>
    %dma_start3A_284 = tpu.memref_squeeze %dma_start3A_283 : memref<1x32x1024xf32, #tpu.memory_space<hbm>> -> memref<32x1024xf32, #tpu.memory_space<hbm>>
    %dma_start3A_285 = arith.constant 0 : i32
    %dma_start3A_286 = arith.constant 0 : i32
    %dma_start3A_287 = tpu.memref_slice %arg4[%dma_start3A_269, %dma_start3A_285, %dma_start3A_286] : memref<2x32x1024xf32, #tpu.memory_space<vmem>> -> memref<1x32x1024xf32, #tpu.memory_space<vmem>>
    %dma_start3A_288 = tpu.memref_squeeze %dma_start3A_287 : memref<1x32x1024xf32, #tpu.memory_space<vmem>> -> memref<32x1024xf32, #tpu.memory_space<vmem>>
    tpu.enqueue_dma source(%dma_start3A_288 : memref<32x1024xf32, #tpu.memory_space<vmem>>) target(%dma_start3A_284 : memref<32x1024xf32, #tpu.memory_space<hbm>>) target_semaphore(%dma_start3A_281 : memref<!tpu.dma_semaphore, #tpu.memory_space<semaphore_mem>>)
    %add3A_289 = arith.constant 32 : i32
    %add3A_290 = arith.addi %mul3A_2, %add3A_289 : i32
    %dma_start3A_291 = arith.constant 1 : i32
    %dma_start3A_292 = arith.constant 1 : i32
    %dma_start3A_293 = arith.constant 1 : i32
    %dma_start3A_294 = arith.constant 1 : i32
    %dma_start3A_295 = arith.constant 0 : i32
    %dma_start3A_296 = arith.constant 0 : i32
    %dma_start3A_297 = tpu.memref_slice %arg4[%dma_start3A_291, %dma_start3A_295, %dma_start3A_296] : memref<2x32x1024xf32, #tpu.memory_space<vmem>> -> memref<1x32x1024xf32, #tpu.memory_space<vmem>>
    %dma_start3A_298 = tpu.memref_squeeze %dma_start3A_297 : memref<1x32x1024xf32, #tpu.memory_space<vmem>> -> memref<32x1024xf32, #tpu.memory_space<vmem>>
    %dma_start3A_299 = arith.constant 0 : i32
    %dma_start3A_300 = tpu.memref_slice %arg3[%dma_start3A_292, %add3A_290, %dma_start3A_299] : memref<4x8192x1024xf32, #tpu.memory_space<hbm>> -> memref<1x32x1024xf32, #tpu.memory_space<hbm>>
    %dma_start3A_301 = tpu.memref_squeeze %dma_start3A_300 : memref<1x32x1024xf32, #tpu.memory_space<hbm>> -> memref<32x1024xf32, #tpu.memory_space<hbm>>
    %dma_start3A_302 = tpu.memref_slice %arg6[%dma_start3A_293, %dma_start3A_294] : memref<2x4x!tpu.dma_semaphore, #tpu.memory_space<semaphore_mem>> -> memref<1x1x!tpu.dma_semaphore, #tpu.memory_space<semaphore_mem>>
    %dma_start3A_303 = tpu.memref_squeeze %dma_start3A_302 : memref<1x1x!tpu.dma_semaphore, #tpu.memory_space<semaphore_mem>> -> memref<!tpu.dma_semaphore, #tpu.memory_space<semaphore_mem>>
    %dma_start3A_304 = arith.constant 0 : i32
    %dma_start3A_305 = tpu.memref_slice %arg3[%dma_start3A_292, %add3A_290, %dma_start3A_304] : memref<4x8192x1024xf32, #tpu.memory_space<hbm>> -> memref<1x32x1024xf32, #tpu.memory_space<hbm>>
    %dma_start3A_306 = tpu.memref_squeeze %dma_start3A_305 : memref<1x32x1024xf32, #tpu.memory_space<hbm>> -> memref<32x1024xf32, #tpu.memory_space<hbm>>
    %dma_start3A_307 = arith.constant 0 : i32
    %dma_start3A_308 = arith.constant 0 : i32
    %dma_start3A_309 = tpu.memref_slice %arg4[%dma_start3A_291, %dma_start3A_307, %dma_start3A_308] : memref<2x32x1024xf32, #tpu.memory_space<vmem>> -> memref<1x32x1024xf32, #tpu.memory_space<vmem>>
    %dma_start3A_310 = tpu.memref_squeeze %dma_start3A_309 : memref<1x32x1024xf32, #tpu.memory_space<vmem>> -> memref<32x1024xf32, #tpu.memory_space<vmem>>
    tpu.enqueue_dma source(%dma_start3A_310 : memref<32x1024xf32, #tpu.memory_space<vmem>>) target(%dma_start3A_306 : memref<32x1024xf32, #tpu.memory_space<hbm>>) target_semaphore(%dma_start3A_303 : memref<!tpu.dma_semaphore, #tpu.memory_space<semaphore_mem>>)
    %add3A_311 = arith.constant 32 : i32
    %add3A_312 = arith.addi %mul3A_2, %add3A_311 : i32
    %dma_start3A_313 = arith.constant 1 : i32
    %dma_start3A_314 = arith.constant 2 : i32
    %dma_start3A_315 = arith.constant 1 : i32
    %dma_start3A_316 = arith.constant 2 : i32
    %dma_start3A_317 = arith.constant 0 : i32
    %dma_start3A_318 = arith.constant 0 : i32
    %dma_start3A_319 = tpu.memref_slice %arg4[%dma_start3A_313, %dma_start3A_317, %dma_start3A_318] : memref<2x32x1024xf32, #tpu.memory_space<vmem>> -> memref<1x32x1024xf32, #tpu.memory_space<vmem>>
    %dma_start3A_320 = tpu.memref_squeeze %dma_start3A_319 : memref<1x32x1024xf32, #tpu.memory_space<vmem>> -> memref<32x1024xf32, #tpu.memory_space<vmem>>
    %dma_start3A_321 = arith.constant 0 : i32
    %dma_start3A_322 = tpu.memref_slice %arg3[%dma_start3A_314, %add3A_312, %dma_start3A_321] : memref<4x8192x1024xf32, #tpu.memory_space<hbm>> -> memref<1x32x1024xf32, #tpu.memory_space<hbm>>
    %dma_start3A_323 = tpu.memref_squeeze %dma_start3A_322 : memref<1x32x1024xf32, #tpu.memory_space<hbm>> -> memref<32x1024xf32, #tpu.memory_space<hbm>>
    %dma_start3A_324 = tpu.memref_slice %arg6[%dma_start3A_315, %dma_start3A_316] : memref<2x4x!tpu.dma_semaphore, #tpu.memory_space<semaphore_mem>> -> memref<1x1x!tpu.dma_semaphore, #tpu.memory_space<semaphore_mem>>
    %dma_start3A_325 = tpu.memref_squeeze %dma_start3A_324 : memref<1x1x!tpu.dma_semaphore, #tpu.memory_space<semaphore_mem>> -> memref<!tpu.dma_semaphore, #tpu.memory_space<semaphore_mem>>
    %dma_start3A_326 = arith.constant 0 : i32
    %dma_start3A_327 = tpu.memref_slice %arg3[%dma_start3A_314, %add3A_312, %dma_start3A_326] : memref<4x8192x1024xf32, #tpu.memory_space<hbm>> -> memref<1x32x1024xf32, #tpu.memory_space<hbm>>
    %dma_start3A_328 = tpu.memref_squeeze %dma_start3A_327 : memref<1x32x1024xf32, #tpu.memory_space<hbm>> -> memref<32x1024xf32, #tpu.memory_space<hbm>>
    %dma_start3A_329 = arith.constant 0 : i32
    %dma_start3A_330 = arith.constant 0 : i32
    %dma_start3A_331 = tpu.memref_slice %arg4[%dma_start3A_313, %dma_start3A_329, %dma_start3A_330] : memref<2x32x1024xf32, #tpu.memory_space<vmem>> -> memref<1x32x1024xf32, #tpu.memory_space<vmem>>
    %dma_start3A_332 = tpu.memref_squeeze %dma_start3A_331 : memref<1x32x1024xf32, #tpu.memory_space<vmem>> -> memref<32x1024xf32, #tpu.memory_space<vmem>>
    tpu.enqueue_dma source(%dma_start3A_332 : memref<32x1024xf32, #tpu.memory_space<vmem>>) target(%dma_start3A_328 : memref<32x1024xf32, #tpu.memory_space<hbm>>) target_semaphore(%dma_start3A_325 : memref<!tpu.dma_semaphore, #tpu.memory_space<semaphore_mem>>)
    %add3A_333 = arith.constant 32 : i32
    %add3A_334 = arith.addi %mul3A_2, %add3A_333 : i32
    %dma_start3A_335 = arith.constant 1 : i32
    %dma_start3A_336 = arith.constant 3 : i32
    %dma_start3A_337 = arith.constant 1 : i32
    %dma_start3A_338 = arith.constant 3 : i32
    %dma_start3A_339 = arith.constant 0 : i32
    %dma_start3A_340 = arith.constant 0 : i32
    %dma_start3A_341 = tpu.memref_slice %arg4[%dma_start3A_335, %dma_start3A_339, %dma_start3A_340] : memref<2x32x1024xf32, #tpu.memory_space<vmem>> -> memref<1x32x1024xf32, #tpu.memory_space<vmem>>
    %dma_start3A_342 = tpu.memref_squeeze %dma_start3A_341 : memref<1x32x1024xf32, #tpu.memory_space<vmem>> -> memref<32x1024xf32, #tpu.memory_space<vmem>>
    %dma_start3A_343 = arith.constant 0 : i32
    %dma_start3A_344 = tpu.memref_slice %arg3[%dma_start3A_336, %add3A_334, %dma_start3A_343] : memref<4x8192x1024xf32, #tpu.memory_space<hbm>> -> memref<1x32x1024xf32, #tpu.memory_space<hbm>>
    %dma_start3A_345 = tpu.memref_squeeze %dma_start3A_344 : memref<1x32x1024xf32, #tpu.memory_space<hbm>> -> memref<32x1024xf32, #tpu.memory_space<hbm>>
    %dma_start3A_346 = tpu.memref_slice %arg6[%dma_start3A_337, %dma_start3A_338] : memref<2x4x!tpu.dma_semaphore, #tpu.memory_space<semaphore_mem>> -> memref<1x1x!tpu.dma_semaphore, #tpu.memory_space<semaphore_mem>>
    %dma_start3A_347 = tpu.memref_squeeze %dma_start3A_346 : memref<1x1x!tpu.dma_semaphore, #tpu.memory_space<semaphore_mem>> -> memref<!tpu.dma_semaphore, #tpu.memory_space<semaphore_mem>>
    %dma_start3A_348 = arith.constant 0 : i32
    %dma_start3A_349 = tpu.memref_slice %arg3[%dma_start3A_336, %add3A_334, %dma_start3A_348] : memref<4x8192x1024xf32, #tpu.memory_space<hbm>> -> memref<1x32x1024xf32, #tpu.memory_space<hbm>>
    %dma_start3A_350 = tpu.memref_squeeze %dma_start3A_349 : memref<1x32x1024xf32, #tpu.memory_space<hbm>> -> memref<32x1024xf32, #tpu.memory_space<hbm>>
    %dma_start3A_351 = arith.constant 0 : i32
    %dma_start3A_352 = arith.constant 0 : i32
    %dma_start3A_353 = tpu.memref_slice %arg4[%dma_start3A_335, %dma_start3A_351, %dma_start3A_352] : memref<2x32x1024xf32, #tpu.memory_space<vmem>> -> memref<1x32x1024xf32, #tpu.memory_space<vmem>>
    %dma_start3A_354 = tpu.memref_squeeze %dma_start3A_353 : memref<1x32x1024xf32, #tpu.memory_space<vmem>> -> memref<32x1024xf32, #tpu.memory_space<vmem>>
    tpu.enqueue_dma source(%dma_start3A_354 : memref<32x1024xf32, #tpu.memory_space<vmem>>) target(%dma_start3A_350 : memref<32x1024xf32, #tpu.memory_space<hbm>>) target_semaphore(%dma_start3A_347 : memref<!tpu.dma_semaphore, #tpu.memory_space<semaphore_mem>>)
    %add3A_355 = arith.constant 32 : i32
    %add3A_356 = arith.addi %mul3A_2, %add3A_355 : i32
    %dma_wait3A_357 = arith.constant 1 : i32
    %dma_wait3A_358 = arith.constant 0 : i32
    %dma_wait3A_359 = arith.constant 1 : i32
    %dma_wait3A_360 = arith.constant 0 : i32
    %dma_wait3A_361 = arith.constant 0 : i32
    %dma_wait3A_362 = arith.constant 0 : i32
    %dma_wait3A_363 = tpu.memref_slice %arg4[%dma_wait3A_357, %dma_wait3A_361, %dma_wait3A_362] : memref<2x32x1024xf32, #tpu.memory_space<vmem>> -> memref<1x32x1024xf32, #tpu.memory_space<vmem>>
    %dma_wait3A_364 = tpu.memref_squeeze %dma_wait3A_363 : memref<1x32x1024xf32, #tpu.memory_space<vmem>> -> memref<32x1024xf32, #tpu.memory_space<vmem>>
    %dma_wait3A_365 = arith.constant 0 : i32
    %dma_wait3A_366 = tpu.memref_slice %arg3[%dma_wait3A_358, %add3A_356, %dma_wait3A_365] : memref<4x8192x1024xf32, #tpu.memory_space<hbm>> -> memref<1x32x1024xf32, #tpu.memory_space<hbm>>
    %dma_wait3A_367 = tpu.memref_squeeze %dma_wait3A_366 : memref<1x32x1024xf32, #tpu.memory_space<hbm>> -> memref<32x1024xf32, #tpu.memory_space<hbm>>
    %dma_wait3A_368 = tpu.memref_slice %arg6[%dma_wait3A_359, %dma_wait3A_360] : memref<2x4x!tpu.dma_semaphore, #tpu.memory_space<semaphore_mem>> -> memref<1x1x!tpu.dma_semaphore, #tpu.memory_space<semaphore_mem>>
    %dma_wait3A_369 = tpu.memref_squeeze %dma_wait3A_368 : memref<1x1x!tpu.dma_semaphore, #tpu.memory_space<semaphore_mem>> -> memref<!tpu.dma_semaphore, #tpu.memory_space<semaphore_mem>>
    %dma_wait3A_370 = arith.constant 0 : i32
    %dma_wait3A_371 = tpu.memref_slice %arg3[%dma_wait3A_358, %add3A_356, %dma_wait3A_370] : memref<4x8192x1024xf32, #tpu.memory_space<hbm>> -> memref<1x32x1024xf32, #tpu.memory_space<hbm>>
    %dma_wait3A_372 = tpu.memref_squeeze %dma_wait3A_371 : memref<1x32x1024xf32, #tpu.memory_space<hbm>> -> memref<32x1024xf32, #tpu.memory_space<hbm>>
    %dma_wait3A_373 = arith.constant 0 : i32
    %dma_wait3A_374 = arith.constant 0 : i32
    %dma_wait3A_375 = tpu.memref_slice %arg4[%dma_wait3A_357, %dma_wait3A_373, %dma_wait3A_374] : memref<2x32x1024xf32, #tpu.memory_space<vmem>> -> memref<1x32x1024xf32, #tpu.memory_space<vmem>>
    %dma_wait3A_376 = tpu.memref_squeeze %dma_wait3A_375 : memref<1x32x1024xf32, #tpu.memory_space<vmem>> -> memref<32x1024xf32, #tpu.memory_space<vmem>>
    tpu.wait_dma2 semaphore(%dma_wait3A_369 : memref<!tpu.dma_semaphore, #tpu.memory_space<semaphore_mem>>) src(%dma_wait3A_376 : memref<32x1024xf32, #tpu.memory_space<vmem>>) dst(%dma_wait3A_372 : memref<32x1024xf32, #tpu.memory_space<hbm>>)
    %add3A_377 = arith.constant 32 : i32
    %add3A_378 = arith.addi %mul3A_2, %add3A_377 : i32
    %dma_wait3A_379 = arith.constant 1 : i32
    %dma_wait3A_380 = arith.constant 1 : i32
    %dma_wait3A_381 = arith.constant 1 : i32
    %dma_wait3A_382 = arith.constant 1 : i32
    %dma_wait3A_383 = arith.constant 0 : i32
    %dma_wait3A_384 = arith.constant 0 : i32
    %dma_wait3A_385 = tpu.memref_slice %arg4[%dma_wait3A_379, %dma_wait3A_383, %dma_wait3A_384] : memref<2x32x1024xf32, #tpu.memory_space<vmem>> -> memref<1x32x1024xf32, #tpu.memory_space<vmem>>
    %dma_wait3A_386 = tpu.memref_squeeze %dma_wait3A_385 : memref<1x32x1024xf32, #tpu.memory_space<vmem>> -> memref<32x1024xf32, #tpu.memory_space<vmem>>
    %dma_wait3A_387 = arith.constant 0 : i32
    %dma_wait3A_388 = tpu.memref_slice %arg3[%dma_wait3A_380, %add3A_378, %dma_wait3A_387] : memref<4x8192x1024xf32, #tpu.memory_space<hbm>> -> memref<1x32x1024xf32, #tpu.memory_space<hbm>>
    %dma_wait3A_389 = tpu.memref_squeeze %dma_wait3A_388 : memref<1x32x1024xf32, #tpu.memory_space<hbm>> -> memref<32x1024xf32, #tpu.memory_space<hbm>>
    %dma_wait3A_390 = tpu.memref_slice %arg6[%dma_wait3A_381, %dma_wait3A_382] : memref<2x4x!tpu.dma_semaphore, #tpu.memory_space<semaphore_mem>> -> memref<1x1x!tpu.dma_semaphore, #tpu.memory_space<semaphore_mem>>
    %dma_wait3A_391 = tpu.memref_squeeze %dma_wait3A_390 : memref<1x1x!tpu.dma_semaphore, #tpu.memory_space<semaphore_mem>> -> memref<!tpu.dma_semaphore, #tpu.memory_space<semaphore_mem>>
    %dma_wait3A_392 = arith.constant 0 : i32
    %dma_wait3A_393 = tpu.memref_slice %arg3[%dma_wait3A_380, %add3A_378, %dma_wait3A_392] : memref<4x8192x1024xf32, #tpu.memory_space<hbm>> -> memref<1x32x1024xf32, #tpu.memory_space<hbm>>
    %dma_wait3A_394 = tpu.memref_squeeze %dma_wait3A_393 : memref<1x32x1024xf32, #tpu.memory_space<hbm>> -> memref<32x1024xf32, #tpu.memory_space<hbm>>
    %dma_wait3A_395 = arith.constant 0 : i32
    %dma_wait3A_396 = arith.constant 0 : i32
    %dma_wait3A_397 = tpu.memref_slice %arg4[%dma_wait3A_379, %dma_wait3A_395, %dma_wait3A_396] : memref<2x32x1024xf32, #tpu.memory_space<vmem>> -> memref<1x32x1024xf32, #tpu.memory_space<vmem>>
    %dma_wait3A_398 = tpu.memref_squeeze %dma_wait3A_397 : memref<1x32x1024xf32, #tpu.memory_space<vmem>> -> memref<32x1024xf32, #tpu.memory_space<vmem>>
    tpu.wait_dma2 semaphore(%dma_wait3A_391 : memref<!tpu.dma_semaphore, #tpu.memory_space<semaphore_mem>>) src(%dma_wait3A_398 : memref<32x1024xf32, #tpu.memory_space<vmem>>) dst(%dma_wait3A_394 : memref<32x1024xf32, #tpu.memory_space<hbm>>)
    %add3A_399 = arith.constant 32 : i32
    %add3A_400 = arith.addi %mul3A_2, %add3A_399 : i32
    %dma_wait3A_401 = arith.constant 1 : i32
    %dma_wait3A_402 = arith.constant 2 : i32
    %dma_wait3A_403 = arith.constant 1 : i32
    %dma_wait3A_404 = arith.constant 2 : i32
    %dma_wait3A_405 = arith.constant 0 : i32
    %dma_wait3A_406 = arith.constant 0 : i32
    %dma_wait3A_407 = tpu.memref_slice %arg4[%dma_wait3A_401, %dma_wait3A_405, %dma_wait3A_406] : memref<2x32x1024xf32, #tpu.memory_space<vmem>> -> memref<1x32x1024xf32, #tpu.memory_space<vmem>>
    %dma_wait3A_408 = tpu.memref_squeeze %dma_wait3A_407 : memref<1x32x1024xf32, #tpu.memory_space<vmem>> -> memref<32x1024xf32, #tpu.memory_space<vmem>>
    %dma_wait3A_409 = arith.constant 0 : i32
    %dma_wait3A_410 = tpu.memref_slice %arg3[%dma_wait3A_402, %add3A_400, %dma_wait3A_409] : memref<4x8192x1024xf32, #tpu.memory_space<hbm>> -> memref<1x32x1024xf32, #tpu.memory_space<hbm>>
    %dma_wait3A_411 = tpu.memref_squeeze %dma_wait3A_410 : memref<1x32x1024xf32, #tpu.memory_space<hbm>> -> memref<32x1024xf32, #tpu.memory_space<hbm>>
    %dma_wait3A_412 = tpu.memref_slice %arg6[%dma_wait3A_403, %dma_wait3A_404] : memref<2x4x!tpu.dma_semaphore, #tpu.memory_space<semaphore_mem>> -> memref<1x1x!tpu.dma_semaphore, #tpu.memory_space<semaphore_mem>>
    %dma_wait3A_413 = tpu.memref_squeeze %dma_wait3A_412 : memref<1x1x!tpu.dma_semaphore, #tpu.memory_space<semaphore_mem>> -> memref<!tpu.dma_semaphore, #tpu.memory_space<semaphore_mem>>
    %dma_wait3A_414 = arith.constant 0 : i32
    %dma_wait3A_415 = tpu.memref_slice %arg3[%dma_wait3A_402, %add3A_400, %dma_wait3A_414] : memref<4x8192x1024xf32, #tpu.memory_space<hbm>> -> memref<1x32x1024xf32, #tpu.memory_space<hbm>>
    %dma_wait3A_416 = tpu.memref_squeeze %dma_wait3A_415 : memref<1x32x1024xf32, #tpu.memory_space<hbm>> -> memref<32x1024xf32, #tpu.memory_space<hbm>>
    %dma_wait3A_417 = arith.constant 0 : i32
    %dma_wait3A_418 = arith.constant 0 : i32
    %dma_wait3A_419 = tpu.memref_slice %arg4[%dma_wait3A_401, %dma_wait3A_417, %dma_wait3A_418] : memref<2x32x1024xf32, #tpu.memory_space<vmem>> -> memref<1x32x1024xf32, #tpu.memory_space<vmem>>
    %dma_wait3A_420 = tpu.memref_squeeze %dma_wait3A_419 : memref<1x32x1024xf32, #tpu.memory_space<vmem>> -> memref<32x1024xf32, #tpu.memory_space<vmem>>
    tpu.wait_dma2 semaphore(%dma_wait3A_413 : memref<!tpu.dma_semaphore, #tpu.memory_space<semaphore_mem>>) src(%dma_wait3A_420 : memref<32x1024xf32, #tpu.memory_space<vmem>>) dst(%dma_wait3A_416 : memref<32x1024xf32, #tpu.memory_space<hbm>>)
    %add3A_421 = arith.constant 32 : i32
    %add3A_422 = arith.addi %mul3A_2, %add3A_421 : i32
    %dma_wait3A_423 = arith.constant 1 : i32
    %dma_wait3A_424 = arith.constant 3 : i32
    %dma_wait3A_425 = arith.constant 1 : i32
    %dma_wait3A_426 = arith.constant 3 : i32
    %dma_wait3A_427 = arith.constant 0 : i32
    %dma_wait3A_428 = arith.constant 0 : i32
    %dma_wait3A_429 = tpu.memref_slice %arg4[%dma_wait3A_423, %dma_wait3A_427, %dma_wait3A_428] : memref<2x32x1024xf32, #tpu.memory_space<vmem>> -> memref<1x32x1024xf32, #tpu.memory_space<vmem>>
    %dma_wait3A_430 = tpu.memref_squeeze %dma_wait3A_429 : memref<1x32x1024xf32, #tpu.memory_space<vmem>> -> memref<32x1024xf32, #tpu.memory_space<vmem>>
    %dma_wait3A_431 = arith.constant 0 : i32
    %dma_wait3A_432 = tpu.memref_slice %arg3[%dma_wait3A_424, %add3A_422, %dma_wait3A_431] : memref<4x8192x1024xf32, #tpu.memory_space<hbm>> -> memref<1x32x1024xf32, #tpu.memory_space<hbm>>
    %dma_wait3A_433 = tpu.memref_squeeze %dma_wait3A_432 : memref<1x32x1024xf32, #tpu.memory_space<hbm>> -> memref<32x1024xf32, #tpu.memory_space<hbm>>
    %dma_wait3A_434 = tpu.memref_slice %arg6[%dma_wait3A_425, %dma_wait3A_426] : memref<2x4x!tpu.dma_semaphore, #tpu.memory_space<semaphore_mem>> -> memref<1x1x!tpu.dma_semaphore, #tpu.memory_space<semaphore_mem>>
    %dma_wait3A_435 = tpu.memref_squeeze %dma_wait3A_434 : memref<1x1x!tpu.dma_semaphore, #tpu.memory_space<semaphore_mem>> -> memref<!tpu.dma_semaphore, #tpu.memory_space<semaphore_mem>>
    %dma_wait3A_436 = arith.constant 0 : i32
    %dma_wait3A_437 = tpu.memref_slice %arg3[%dma_wait3A_424, %add3A_422, %dma_wait3A_436] : memref<4x8192x1024xf32, #tpu.memory_space<hbm>> -> memref<1x32x1024xf32, #tpu.memory_space<hbm>>
    %dma_wait3A_438 = tpu.memref_squeeze %dma_wait3A_437 : memref<1x32x1024xf32, #tpu.memory_space<hbm>> -> memref<32x1024xf32, #tpu.memory_space<hbm>>
    %dma_wait3A_439 = arith.constant 0 : i32
    %dma_wait3A_440 = arith.constant 0 : i32
    %dma_wait3A_441 = tpu.memref_slice %arg4[%dma_wait3A_423, %dma_wait3A_439, %dma_wait3A_440] : memref<2x32x1024xf32, #tpu.memory_space<vmem>> -> memref<1x32x1024xf32, #tpu.memory_space<vmem>>
    %dma_wait3A_442 = tpu.memref_squeeze %dma_wait3A_441 : memref<1x32x1024xf32, #tpu.memory_space<vmem>> -> memref<32x1024xf32, #tpu.memory_space<vmem>>
    tpu.wait_dma2 semaphore(%dma_wait3A_435 : memref<!tpu.dma_semaphore, #tpu.memory_space<semaphore_mem>>) src(%dma_wait3A_442 : memref<32x1024xf32, #tpu.memory_space<vmem>>) dst(%dma_wait3A_438 : memref<32x1024xf32, #tpu.memory_space<hbm>>)
    %add3A_443 = arith.constant 96 : i32
    %add3A_444 = arith.addi %mul3A_2, %add3A_443 : i32
    %dma_start3A_445 = arith.constant 1 : i32
    %dma_start3A_446 = arith.constant 1 : i32
    %dma_start3A_447 = arith.constant 0 : i32
    %dma_start3A_448 = arith.constant 0 : i32
    %dma_start3A_449 = tpu.memref_slice %arg4[%dma_start3A_445, %dma_start3A_447, %dma_start3A_448] : memref<2x32x1024xf32, #tpu.memory_space<vmem>> -> memref<1x32x1024xf32, #tpu.memory_space<vmem>>
    %dma_start3A_450 = tpu.memref_squeeze %dma_start3A_449 : memref<1x32x1024xf32, #tpu.memory_space<vmem>> -> memref<32x1024xf32, #tpu.memory_space<vmem>>
    %dma_start3A_451 = arith.constant 0 : i32
    %dma_start3A_452 = tpu.memref_slice %arg2[%add3A_444, %dma_start3A_451] : memref<8192x1024xf32, #tpu.memory_space<hbm>> -> memref<32x1024xf32, #tpu.memory_space<hbm>>
    %dma_start3A_453 = tpu.memref_slice %arg5[%dma_start3A_446] : memref<2x!tpu.dma_semaphore, #tpu.memory_space<semaphore_mem>> -> memref<1x!tpu.dma_semaphore, #tpu.memory_space<semaphore_mem>>
    %dma_start3A_454 = tpu.memref_squeeze %dma_start3A_453 : memref<1x!tpu.dma_semaphore, #tpu.memory_space<semaphore_mem>> -> memref<!tpu.dma_semaphore, #tpu.memory_space<semaphore_mem>>
    %dma_start3A_455 = arith.constant 0 : i32
    %dma_start3A_456 = arith.constant 0 : i32
    %dma_start3A_457 = tpu.memref_slice %arg4[%dma_start3A_445, %dma_start3A_455, %dma_start3A_456] : memref<2x32x1024xf32, #tpu.memory_space<vmem>> -> memref<1x32x1024xf32, #tpu.memory_space<vmem>>
    %dma_start3A_458 = tpu.memref_squeeze %dma_start3A_457 : memref<1x32x1024xf32, #tpu.memory_space<vmem>> -> memref<32x1024xf32, #tpu.memory_space<vmem>>
    %dma_start3A_459 = arith.constant 0 : i32
    %dma_start3A_460 = tpu.memref_slice %arg2[%add3A_444, %dma_start3A_459] : memref<8192x1024xf32, #tpu.memory_space<hbm>> -> memref<32x1024xf32, #tpu.memory_space<hbm>>
    tpu.enqueue_dma source(%dma_start3A_460 : memref<32x1024xf32, #tpu.memory_space<hbm>>) target(%dma_start3A_458 : memref<32x1024xf32, #tpu.memory_space<vmem>>) target_semaphore(%dma_start3A_454 : memref<!tpu.dma_semaphore, #tpu.memory_space<semaphore_mem>>)
    %add3A_461 = arith.constant 64 : i32
    %add3A_462 = arith.addi %mul3A_2, %add3A_461 : i32
    %dma_wait3A_463 = arith.constant 0 : i32
    %dma_wait3A_464 = arith.constant 0 : i32
    %dma_wait3A_465 = arith.constant 0 : i32
    %dma_wait3A_466 = arith.constant 0 : i32
    %dma_wait3A_467 = tpu.memref_slice %arg4[%dma_wait3A_463, %dma_wait3A_465, %dma_wait3A_466] : memref<2x32x1024xf32, #tpu.memory_space<vmem>> -> memref<1x32x1024xf32, #tpu.memory_space<vmem>>
    %dma_wait3A_468 = tpu.memref_squeeze %dma_wait3A_467 : memref<1x32x1024xf32, #tpu.memory_space<vmem>> -> memref<32x1024xf32, #tpu.memory_space<vmem>>
    %dma_wait3A_469 = arith.constant 0 : i32
    %dma_wait3A_470 = tpu.memref_slice %arg2[%add3A_462, %dma_wait3A_469] : memref<8192x1024xf32, #tpu.memory_space<hbm>> -> memref<32x1024xf32, #tpu.memory_space<hbm>>
    %dma_wait3A_471 = tpu.memref_slice %arg5[%dma_wait3A_464] : memref<2x!tpu.dma_semaphore, #tpu.memory_space<semaphore_mem>> -> memref<1x!tpu.dma_semaphore, #tpu.memory_space<semaphore_mem>>
    %dma_wait3A_472 = tpu.memref_squeeze %dma_wait3A_471 : memref<1x!tpu.dma_semaphore, #tpu.memory_space<semaphore_mem>> -> memref<!tpu.dma_semaphore, #tpu.memory_space<semaphore_mem>>
    %dma_wait3A_473 = arith.constant 0 : i32
    %dma_wait3A_474 = arith.constant 0 : i32
    %dma_wait3A_475 = tpu.memref_slice %arg4[%dma_wait3A_463, %dma_wait3A_473, %dma_wait3A_474] : memref<2x32x1024xf32, #tpu.memory_space<vmem>> -> memref<1x32x1024xf32, #tpu.memory_space<vmem>>
    %dma_wait3A_476 = tpu.memref_squeeze %dma_wait3A_475 : memref<1x32x1024xf32, #tpu.memory_space<vmem>> -> memref<32x1024xf32, #tpu.memory_space<vmem>>
    %dma_wait3A_477 = arith.constant 0 : i32
    %dma_wait3A_478 = tpu.memref_slice %arg2[%add3A_462, %dma_wait3A_477] : memref<8192x1024xf32, #tpu.memory_space<hbm>> -> memref<32x1024xf32, #tpu.memory_space<hbm>>
    tpu.wait_dma2 semaphore(%dma_wait3A_472 : memref<!tpu.dma_semaphore, #tpu.memory_space<semaphore_mem>>) src(%dma_wait3A_478 : memref<32x1024xf32, #tpu.memory_space<hbm>>) dst(%dma_wait3A_476 : memref<32x1024xf32, #tpu.memory_space<vmem>>)
    %add3A_479 = arith.constant 64 : i32
    %add3A_480 = arith.addi %mul3A_2, %add3A_479 : i32
    %dma_start3A_481 = arith.constant 0 : i32
    %dma_start3A_482 = arith.constant 0 : i32
    %dma_start3A_483 = arith.constant 0 : i32
    %dma_start3A_484 = arith.constant 0 : i32
    %dma_start3A_485 = arith.constant 0 : i32
    %dma_start3A_486 = arith.constant 0 : i32
    %dma_start3A_487 = tpu.memref_slice %arg4[%dma_start3A_481, %dma_start3A_485, %dma_start3A_486] : memref<2x32x1024xf32, #tpu.memory_space<vmem>> -> memref<1x32x1024xf32, #tpu.memory_space<vmem>>
    %dma_start3A_488 = tpu.memref_squeeze %dma_start3A_487 : memref<1x32x1024xf32, #tpu.memory_space<vmem>> -> memref<32x1024xf32, #tpu.memory_space<vmem>>
    %dma_start3A_489 = arith.constant 0 : i32
    %dma_start3A_490 = tpu.memref_slice %arg3[%dma_start3A_482, %add3A_480, %dma_start3A_489] : memref<4x8192x1024xf32, #tpu.memory_space<hbm>> -> memref<1x32x1024xf32, #tpu.memory_space<hbm>>
    %dma_start3A_491 = tpu.memref_squeeze %dma_start3A_490 : memref<1x32x1024xf32, #tpu.memory_space<hbm>> -> memref<32x1024xf32, #tpu.memory_space<hbm>>
    %dma_start3A_492 = tpu.memref_slice %arg6[%dma_start3A_483, %dma_start3A_484] : memref<2x4x!tpu.dma_semaphore, #tpu.memory_space<semaphore_mem>> -> memref<1x1x!tpu.dma_semaphore, #tpu.memory_space<semaphore_mem>>
    %dma_start3A_493 = tpu.memref_squeeze %dma_start3A_492 : memref<1x1x!tpu.dma_semaphore, #tpu.memory_space<semaphore_mem>> -> memref<!tpu.dma_semaphore, #tpu.memory_space<semaphore_mem>>
    %dma_start3A_494 = arith.constant 0 : i32
    %dma_start3A_495 = tpu.memref_slice %arg3[%dma_start3A_482, %add3A_480, %dma_start3A_494] : memref<4x8192x1024xf32, #tpu.memory_space<hbm>> -> memref<1x32x1024xf32, #tpu.memory_space<hbm>>
    %dma_start3A_496 = tpu.memref_squeeze %dma_start3A_495 : memref<1x32x1024xf32, #tpu.memory_space<hbm>> -> memref<32x1024xf32, #tpu.memory_space<hbm>>
    %dma_start3A_497 = arith.constant 0 : i32
    %dma_start3A_498 = arith.constant 0 : i32
    %dma_start3A_499 = tpu.memref_slice %arg4[%dma_start3A_481, %dma_start3A_497, %dma_start3A_498] : memref<2x32x1024xf32, #tpu.memory_space<vmem>> -> memref<1x32x1024xf32, #tpu.memory_space<vmem>>
    %dma_start3A_500 = tpu.memref_squeeze %dma_start3A_499 : memref<1x32x1024xf32, #tpu.memory_space<vmem>> -> memref<32x1024xf32, #tpu.memory_space<vmem>>
    tpu.enqueue_dma source(%dma_start3A_500 : memref<32x1024xf32, #tpu.memory_space<vmem>>) target(%dma_start3A_496 : memref<32x1024xf32, #tpu.memory_space<hbm>>) target_semaphore(%dma_start3A_493 : memref<!tpu.dma_semaphore, #tpu.memory_space<semaphore_mem>>)
    %add3A_501 = arith.constant 64 : i32
    %add3A_502 = arith.addi %mul3A_2, %add3A_501 : i32
    %dma_start3A_503 = arith.constant 0 : i32
    %dma_start3A_504 = arith.constant 1 : i32
    %dma_start3A_505 = arith.constant 0 : i32
    %dma_start3A_506 = arith.constant 1 : i32
    %dma_start3A_507 = arith.constant 0 : i32
    %dma_start3A_508 = arith.constant 0 : i32
    %dma_start3A_509 = tpu.memref_slice %arg4[%dma_start3A_503, %dma_start3A_507, %dma_start3A_508] : memref<2x32x1024xf32, #tpu.memory_space<vmem>> -> memref<1x32x1024xf32, #tpu.memory_space<vmem>>
    %dma_start3A_510 = tpu.memref_squeeze %dma_start3A_509 : memref<1x32x1024xf32, #tpu.memory_space<vmem>> -> memref<32x1024xf32, #tpu.memory_space<vmem>>
    %dma_start3A_511 = arith.constant 0 : i32
    %dma_start3A_512 = tpu.memref_slice %arg3[%dma_start3A_504, %add3A_502, %dma_start3A_511] : memref<4x8192x1024xf32, #tpu.memory_space<hbm>> -> memref<1x32x1024xf32, #tpu.memory_space<hbm>>
    %dma_start3A_513 = tpu.memref_squeeze %dma_start3A_512 : memref<1x32x1024xf32, #tpu.memory_space<hbm>> -> memref<32x1024xf32, #tpu.memory_space<hbm>>
    %dma_start3A_514 = tpu.memref_slice %arg6[%dma_start3A_505, %dma_start3A_506] : memref<2x4x!tpu.dma_semaphore, #tpu.memory_space<semaphore_mem>> -> memref<1x1x!tpu.dma_semaphore, #tpu.memory_space<semaphore_mem>>
    %dma_start3A_515 = tpu.memref_squeeze %dma_start3A_514 : memref<1x1x!tpu.dma_semaphore, #tpu.memory_space<semaphore_mem>> -> memref<!tpu.dma_semaphore, #tpu.memory_space<semaphore_mem>>
    %dma_start3A_516 = arith.constant 0 : i32
    %dma_start3A_517 = tpu.memref_slice %arg3[%dma_start3A_504, %add3A_502, %dma_start3A_516] : memref<4x8192x1024xf32, #tpu.memory_space<hbm>> -> memref<1x32x1024xf32, #tpu.memory_space<hbm>>
    %dma_start3A_518 = tpu.memref_squeeze %dma_start3A_517 : memref<1x32x1024xf32, #tpu.memory_space<hbm>> -> memref<32x1024xf32, #tpu.memory_space<hbm>>
    %dma_start3A_519 = arith.constant 0 : i32
    %dma_start3A_520 = arith.constant 0 : i32
    %dma_start3A_521 = tpu.memref_slice %arg4[%dma_start3A_503, %dma_start3A_519, %dma_start3A_520] : memref<2x32x1024xf32, #tpu.memory_space<vmem>> -> memref<1x32x1024xf32, #tpu.memory_space<vmem>>
    %dma_start3A_522 = tpu.memref_squeeze %dma_start3A_521 : memref<1x32x1024xf32, #tpu.memory_space<vmem>> -> memref<32x1024xf32, #tpu.memory_space<vmem>>
    tpu.enqueue_dma source(%dma_start3A_522 : memref<32x1024xf32, #tpu.memory_space<vmem>>) target(%dma_start3A_518 : memref<32x1024xf32, #tpu.memory_space<hbm>>) target_semaphore(%dma_start3A_515 : memref<!tpu.dma_semaphore, #tpu.memory_space<semaphore_mem>>)
    %add3A_523 = arith.constant 64 : i32
    %add3A_524 = arith.addi %mul3A_2, %add3A_523 : i32
    %dma_start3A_525 = arith.constant 0 : i32
    %dma_start3A_526 = arith.constant 2 : i32
    %dma_start3A_527 = arith.constant 0 : i32
    %dma_start3A_528 = arith.constant 2 : i32
    %dma_start3A_529 = arith.constant 0 : i32
    %dma_start3A_530 = arith.constant 0 : i32
    %dma_start3A_531 = tpu.memref_slice %arg4[%dma_start3A_525, %dma_start3A_529, %dma_start3A_530] : memref<2x32x1024xf32, #tpu.memory_space<vmem>> -> memref<1x32x1024xf32, #tpu.memory_space<vmem>>
    %dma_start3A_532 = tpu.memref_squeeze %dma_start3A_531 : memref<1x32x1024xf32, #tpu.memory_space<vmem>> -> memref<32x1024xf32, #tpu.memory_space<vmem>>
    %dma_start3A_533 = arith.constant 0 : i32
    %dma_start3A_534 = tpu.memref_slice %arg3[%dma_start3A_526, %add3A_524, %dma_start3A_533] : memref<4x8192x1024xf32, #tpu.memory_space<hbm>> -> memref<1x32x1024xf32, #tpu.memory_space<hbm>>
    %dma_start3A_535 = tpu.memref_squeeze %dma_start3A_534 : memref<1x32x1024xf32, #tpu.memory_space<hbm>> -> memref<32x1024xf32, #tpu.memory_space<hbm>>
    %dma_start3A_536 = tpu.memref_slice %arg6[%dma_start3A_527, %dma_start3A_528] : memref<2x4x!tpu.dma_semaphore, #tpu.memory_space<semaphore_mem>> -> memref<1x1x!tpu.dma_semaphore, #tpu.memory_space<semaphore_mem>>
    %dma_start3A_537 = tpu.memref_squeeze %dma_start3A_536 : memref<1x1x!tpu.dma_semaphore, #tpu.memory_space<semaphore_mem>> -> memref<!tpu.dma_semaphore, #tpu.memory_space<semaphore_mem>>
    %dma_start3A_538 = arith.constant 0 : i32
    %dma_start3A_539 = tpu.memref_slice %arg3[%dma_start3A_526, %add3A_524, %dma_start3A_538] : memref<4x8192x1024xf32, #tpu.memory_space<hbm>> -> memref<1x32x1024xf32, #tpu.memory_space<hbm>>
    %dma_start3A_540 = tpu.memref_squeeze %dma_start3A_539 : memref<1x32x1024xf32, #tpu.memory_space<hbm>> -> memref<32x1024xf32, #tpu.memory_space<hbm>>
    %dma_start3A_541 = arith.constant 0 : i32
    %dma_start3A_542 = arith.constant 0 : i32
    %dma_start3A_543 = tpu.memref_slice %arg4[%dma_start3A_525, %dma_start3A_541, %dma_start3A_542] : memref<2x32x1024xf32, #tpu.memory_space<vmem>> -> memref<1x32x1024xf32, #tpu.memory_space<vmem>>
    %dma_start3A_544 = tpu.memref_squeeze %dma_start3A_543 : memref<1x32x1024xf32, #tpu.memory_space<vmem>> -> memref<32x1024xf32, #tpu.memory_space<vmem>>
    tpu.enqueue_dma source(%dma_start3A_544 : memref<32x1024xf32, #tpu.memory_space<vmem>>) target(%dma_start3A_540 : memref<32x1024xf32, #tpu.memory_space<hbm>>) target_semaphore(%dma_start3A_537 : memref<!tpu.dma_semaphore, #tpu.memory_space<semaphore_mem>>)
    %add3A_545 = arith.constant 64 : i32
    %add3A_546 = arith.addi %mul3A_2, %add3A_545 : i32
    %dma_start3A_547 = arith.constant 0 : i32
    %dma_start3A_548 = arith.constant 3 : i32
    %dma_start3A_549 = arith.constant 0 : i32
    %dma_start3A_550 = arith.constant 3 : i32
    %dma_start3A_551 = arith.constant 0 : i32
    %dma_start3A_552 = arith.constant 0 : i32
    %dma_start3A_553 = tpu.memref_slice %arg4[%dma_start3A_547, %dma_start3A_551, %dma_start3A_552] : memref<2x32x1024xf32, #tpu.memory_space<vmem>> -> memref<1x32x1024xf32, #tpu.memory_space<vmem>>
    %dma_start3A_554 = tpu.memref_squeeze %dma_start3A_553 : memref<1x32x1024xf32, #tpu.memory_space<vmem>> -> memref<32x1024xf32, #tpu.memory_space<vmem>>
    %dma_start3A_555 = arith.constant 0 : i32
    %dma_start3A_556 = tpu.memref_slice %arg3[%dma_start3A_548, %add3A_546, %dma_start3A_555] : memref<4x8192x1024xf32, #tpu.memory_space<hbm>> -> memref<1x32x1024xf32, #tpu.memory_space<hbm>>
    %dma_start3A_557 = tpu.memref_squeeze %dma_start3A_556 : memref<1x32x1024xf32, #tpu.memory_space<hbm>> -> memref<32x1024xf32, #tpu.memory_space<hbm>>
    %dma_start3A_558 = tpu.memref_slice %arg6[%dma_start3A_549, %dma_start3A_550] : memref<2x4x!tpu.dma_semaphore, #tpu.memory_space<semaphore_mem>> -> memref<1x1x!tpu.dma_semaphore, #tpu.memory_space<semaphore_mem>>
    %dma_start3A_559 = tpu.memref_squeeze %dma_start3A_558 : memref<1x1x!tpu.dma_semaphore, #tpu.memory_space<semaphore_mem>> -> memref<!tpu.dma_semaphore, #tpu.memory_space<semaphore_mem>>
    %dma_start3A_560 = arith.constant 0 : i32
    %dma_start3A_561 = tpu.memref_slice %arg3[%dma_start3A_548, %add3A_546, %dma_start3A_560] : memref<4x8192x1024xf32, #tpu.memory_space<hbm>> -> memref<1x32x1024xf32, #tpu.memory_space<hbm>>
    %dma_start3A_562 = tpu.memref_squeeze %dma_start3A_561 : memref<1x32x1024xf32, #tpu.memory_space<hbm>> -> memref<32x1024xf32, #tpu.memory_space<hbm>>
    %dma_start3A_563 = arith.constant 0 : i32
    %dma_start3A_564 = arith.constant 0 : i32
    %dma_start3A_565 = tpu.memref_slice %arg4[%dma_start3A_547, %dma_start3A_563, %dma_start3A_564] : memref<2x32x1024xf32, #tpu.memory_space<vmem>> -> memref<1x32x1024xf32, #tpu.memory_space<vmem>>
    %dma_start3A_566 = tpu.memref_squeeze %dma_start3A_565 : memref<1x32x1024xf32, #tpu.memory_space<vmem>> -> memref<32x1024xf32, #tpu.memory_space<vmem>>
    tpu.enqueue_dma source(%dma_start3A_566 : memref<32x1024xf32, #tpu.memory_space<vmem>>) target(%dma_start3A_562 : memref<32x1024xf32, #tpu.memory_space<hbm>>) target_semaphore(%dma_start3A_559 : memref<!tpu.dma_semaphore, #tpu.memory_space<semaphore_mem>>)
    %add3A_567 = arith.constant 64 : i32
    %add3A_568 = arith.addi %mul3A_2, %add3A_567 : i32
    %dma_wait3A_569 = arith.constant 0 : i32
    %dma_wait3A_570 = arith.constant 0 : i32
    %dma_wait3A_571 = arith.constant 0 : i32
    %dma_wait3A_572 = arith.constant 0 : i32
    %dma_wait3A_573 = arith.constant 0 : i32
    %dma_wait3A_574 = arith.constant 0 : i32
    %dma_wait3A_575 = tpu.memref_slice %arg4[%dma_wait3A_569, %dma_wait3A_573, %dma_wait3A_574] : memref<2x32x1024xf32, #tpu.memory_space<vmem>> -> memref<1x32x1024xf32, #tpu.memory_space<vmem>>
    %dma_wait3A_576 = tpu.memref_squeeze %dma_wait3A_575 : memref<1x32x1024xf32, #tpu.memory_space<vmem>> -> memref<32x1024xf32, #tpu.memory_space<vmem>>
    %dma_wait3A_577 = arith.constant 0 : i32
    %dma_wait3A_578 = tpu.memref_slice %arg3[%dma_wait3A_570, %add3A_568, %dma_wait3A_577] : memref<4x8192x1024xf32, #tpu.memory_space<hbm>> -> memref<1x32x1024xf32, #tpu.memory_space<hbm>>
    %dma_wait3A_579 = tpu.memref_squeeze %dma_wait3A_578 : memref<1x32x1024xf32, #tpu.memory_space<hbm>> -> memref<32x1024xf32, #tpu.memory_space<hbm>>
    %dma_wait3A_580 = tpu.memref_slice %arg6[%dma_wait3A_571, %dma_wait3A_572] : memref<2x4x!tpu.dma_semaphore, #tpu.memory_space<semaphore_mem>> -> memref<1x1x!tpu.dma_semaphore, #tpu.memory_space<semaphore_mem>>
    %dma_wait3A_581 = tpu.memref_squeeze %dma_wait3A_580 : memref<1x1x!tpu.dma_semaphore, #tpu.memory_space<semaphore_mem>> -> memref<!tpu.dma_semaphore, #tpu.memory_space<semaphore_mem>>
    %dma_wait3A_582 = arith.constant 0 : i32
    %dma_wait3A_583 = tpu.memref_slice %arg3[%dma_wait3A_570, %add3A_568, %dma_wait3A_582] : memref<4x8192x1024xf32, #tpu.memory_space<hbm>> -> memref<1x32x1024xf32, #tpu.memory_space<hbm>>
    %dma_wait3A_584 = tpu.memref_squeeze %dma_wait3A_583 : memref<1x32x1024xf32, #tpu.memory_space<hbm>> -> memref<32x1024xf32, #tpu.memory_space<hbm>>
    %dma_wait3A_585 = arith.constant 0 : i32
    %dma_wait3A_586 = arith.constant 0 : i32
    %dma_wait3A_587 = tpu.memref_slice %arg4[%dma_wait3A_569, %dma_wait3A_585, %dma_wait3A_586] : memref<2x32x1024xf32, #tpu.memory_space<vmem>> -> memref<1x32x1024xf32, #tpu.memory_space<vmem>>
    %dma_wait3A_588 = tpu.memref_squeeze %dma_wait3A_587 : memref<1x32x1024xf32, #tpu.memory_space<vmem>> -> memref<32x1024xf32, #tpu.memory_space<vmem>>
    tpu.wait_dma2 semaphore(%dma_wait3A_581 : memref<!tpu.dma_semaphore, #tpu.memory_space<semaphore_mem>>) src(%dma_wait3A_588 : memref<32x1024xf32, #tpu.memory_space<vmem>>) dst(%dma_wait3A_584 : memref<32x1024xf32, #tpu.memory_space<hbm>>)
    %add3A_589 = arith.constant 64 : i32
    %add3A_590 = arith.addi %mul3A_2, %add3A_589 : i32
    %dma_wait3A_591 = arith.constant 0 : i32
    %dma_wait3A_592 = arith.constant 1 : i32
    %dma_wait3A_593 = arith.constant 0 : i32
    %dma_wait3A_594 = arith.constant 1 : i32
    %dma_wait3A_595 = arith.constant 0 : i32
    %dma_wait3A_596 = arith.constant 0 : i32
    %dma_wait3A_597 = tpu.memref_slice %arg4[%dma_wait3A_591, %dma_wait3A_595, %dma_wait3A_596] : memref<2x32x1024xf32, #tpu.memory_space<vmem>> -> memref<1x32x1024xf32, #tpu.memory_space<vmem>>
    %dma_wait3A_598 = tpu.memref_squeeze %dma_wait3A_597 : memref<1x32x1024xf32, #tpu.memory_space<vmem>> -> memref<32x1024xf32, #tpu.memory_space<vmem>>
    %dma_wait3A_599 = arith.constant 0 : i32
    %dma_wait3A_600 = tpu.memref_slice %arg3[%dma_wait3A_592, %add3A_590, %dma_wait3A_599] : memref<4x8192x1024xf32, #tpu.memory_space<hbm>> -> memref<1x32x1024xf32, #tpu.memory_space<hbm>>
    %dma_wait3A_601 = tpu.memref_squeeze %dma_wait3A_600 : memref<1x32x1024xf32, #tpu.memory_space<hbm>> -> memref<32x1024xf32, #tpu.memory_space<hbm>>
    %dma_wait3A_602 = tpu.memref_slice %arg6[%dma_wait3A_593, %dma_wait3A_594] : memref<2x4x!tpu.dma_semaphore, #tpu.memory_space<semaphore_mem>> -> memref<1x1x!tpu.dma_semaphore, #tpu.memory_space<semaphore_mem>>
    %dma_wait3A_603 = tpu.memref_squeeze %dma_wait3A_602 : memref<1x1x!tpu.dma_semaphore, #tpu.memory_space<semaphore_mem>> -> memref<!tpu.dma_semaphore, #tpu.memory_space<semaphore_mem>>
    %dma_wait3A_604 = arith.constant 0 : i32
    %dma_wait3A_605 = tpu.memref_slice %arg3[%dma_wait3A_592, %add3A_590, %dma_wait3A_604] : memref<4x8192x1024xf32, #tpu.memory_space<hbm>> -> memref<1x32x1024xf32, #tpu.memory_space<hbm>>
    %dma_wait3A_606 = tpu.memref_squeeze %dma_wait3A_605 : memref<1x32x1024xf32, #tpu.memory_space<hbm>> -> memref<32x1024xf32, #tpu.memory_space<hbm>>
    %dma_wait3A_607 = arith.constant 0 : i32
    %dma_wait3A_608 = arith.constant 0 : i32
    %dma_wait3A_609 = tpu.memref_slice %arg4[%dma_wait3A_591, %dma_wait3A_607, %dma_wait3A_608] : memref<2x32x1024xf32, #tpu.memory_space<vmem>> -> memref<1x32x1024xf32, #tpu.memory_space<vmem>>
    %dma_wait3A_610 = tpu.memref_squeeze %dma_wait3A_609 : memref<1x32x1024xf32, #tpu.memory_space<vmem>> -> memref<32x1024xf32, #tpu.memory_space<vmem>>
    tpu.wait_dma2 semaphore(%dma_wait3A_603 : memref<!tpu.dma_semaphore, #tpu.memory_space<semaphore_mem>>) src(%dma_wait3A_610 : memref<32x1024xf32, #tpu.memory_space<vmem>>) dst(%dma_wait3A_606 : memref<32x1024xf32, #tpu.memory_space<hbm>>)
    %add3A_611 = arith.constant 64 : i32
    %add3A_612 = arith.addi %mul3A_2, %add3A_611 : i32
    %dma_wait3A_613 = arith.constant 0 : i32
    %dma_wait3A_614 = arith.constant 2 : i32
    %dma_wait3A_615 = arith.constant 0 : i32
    %dma_wait3A_616 = arith.constant 2 : i32
    %dma_wait3A_617 = arith.constant 0 : i32
    %dma_wait3A_618 = arith.constant 0 : i32
    %dma_wait3A_619 = tpu.memref_slice %arg4[%dma_wait3A_613, %dma_wait3A_617, %dma_wait3A_618] : memref<2x32x1024xf32, #tpu.memory_space<vmem>> -> memref<1x32x1024xf32, #tpu.memory_space<vmem>>
    %dma_wait3A_620 = tpu.memref_squeeze %dma_wait3A_619 : memref<1x32x1024xf32, #tpu.memory_space<vmem>> -> memref<32x1024xf32, #tpu.memory_space<vmem>>
    %dma_wait3A_621 = arith.constant 0 : i32
    %dma_wait3A_622 = tpu.memref_slice %arg3[%dma_wait3A_614, %add3A_612, %dma_wait3A_621] : memref<4x8192x1024xf32, #tpu.memory_space<hbm>> -> memref<1x32x1024xf32, #tpu.memory_space<hbm>>
    %dma_wait3A_623 = tpu.memref_squeeze %dma_wait3A_622 : memref<1x32x1024xf32, #tpu.memory_space<hbm>> -> memref<32x1024xf32, #tpu.memory_space<hbm>>
    %dma_wait3A_624 = tpu.memref_slice %arg6[%dma_wait3A_615, %dma_wait3A_616] : memref<2x4x!tpu.dma_semaphore, #tpu.memory_space<semaphore_mem>> -> memref<1x1x!tpu.dma_semaphore, #tpu.memory_space<semaphore_mem>>
    %dma_wait3A_625 = tpu.memref_squeeze %dma_wait3A_624 : memref<1x1x!tpu.dma_semaphore, #tpu.memory_space<semaphore_mem>> -> memref<!tpu.dma_semaphore, #tpu.memory_space<semaphore_mem>>
    %dma_wait3A_626 = arith.constant 0 : i32
    %dma_wait3A_627 = tpu.memref_slice %arg3[%dma_wait3A_614, %add3A_612, %dma_wait3A_626] : memref<4x8192x1024xf32, #tpu.memory_space<hbm>> -> memref<1x32x1024xf32, #tpu.memory_space<hbm>>
    %dma_wait3A_628 = tpu.memref_squeeze %dma_wait3A_627 : memref<1x32x1024xf32, #tpu.memory_space<hbm>> -> memref<32x1024xf32, #tpu.memory_space<hbm>>
    %dma_wait3A_629 = arith.constant 0 : i32
    %dma_wait3A_630 = arith.constant 0 : i32
    %dma_wait3A_631 = tpu.memref_slice %arg4[%dma_wait3A_613, %dma_wait3A_629, %dma_wait3A_630] : memref<2x32x1024xf32, #tpu.memory_space<vmem>> -> memref<1x32x1024xf32, #tpu.memory_space<vmem>>
    %dma_wait3A_632 = tpu.memref_squeeze %dma_wait3A_631 : memref<1x32x1024xf32, #tpu.memory_space<vmem>> -> memref<32x1024xf32, #tpu.memory_space<vmem>>
    tpu.wait_dma2 semaphore(%dma_wait3A_625 : memref<!tpu.dma_semaphore, #tpu.memory_space<semaphore_mem>>) src(%dma_wait3A_632 : memref<32x1024xf32, #tpu.memory_space<vmem>>) dst(%dma_wait3A_628 : memref<32x1024xf32, #tpu.memory_space<hbm>>)
    %add3A_633 = arith.constant 64 : i32
    %add3A_634 = arith.addi %mul3A_2, %add3A_633 : i32
    %dma_wait3A_635 = arith.constant 0 : i32
    %dma_wait3A_636 = arith.constant 3 : i32
    %dma_wait3A_637 = arith.constant 0 : i32
    %dma_wait3A_638 = arith.constant 3 : i32
    %dma_wait3A_639 = arith.constant 0 : i32
    %dma_wait3A_640 = arith.constant 0 : i32
    %dma_wait3A_641 = tpu.memref_slice %arg4[%dma_wait3A_635, %dma_wait3A_639, %dma_wait3A_640] : memref<2x32x1024xf32, #tpu.memory_space<vmem>> -> memref<1x32x1024xf32, #tpu.memory_space<vmem>>
    %dma_wait3A_642 = tpu.memref_squeeze %dma_wait3A_641 : memref<1x32x1024xf32, #tpu.memory_space<vmem>> -> memref<32x1024xf32, #tpu.memory_space<vmem>>
    %dma_wait3A_643 = arith.constant 0 : i32
    %dma_wait3A_644 = tpu.memref_slice %arg3[%dma_wait3A_636, %add3A_634, %dma_wait3A_643] : memref<4x8192x1024xf32, #tpu.memory_space<hbm>> -> memref<1x32x1024xf32, #tpu.memory_space<hbm>>
    %dma_wait3A_645 = tpu.memref_squeeze %dma_wait3A_644 : memref<1x32x1024xf32, #tpu.memory_space<hbm>> -> memref<32x1024xf32, #tpu.memory_space<hbm>>
    %dma_wait3A_646 = tpu.memref_slice %arg6[%dma_wait3A_637, %dma_wait3A_638] : memref<2x4x!tpu.dma_semaphore, #tpu.memory_space<semaphore_mem>> -> memref<1x1x!tpu.dma_semaphore, #tpu.memory_space<semaphore_mem>>
    %dma_wait3A_647 = tpu.memref_squeeze %dma_wait3A_646 : memref<1x1x!tpu.dma_semaphore, #tpu.memory_space<semaphore_mem>> -> memref<!tpu.dma_semaphore, #tpu.memory_space<semaphore_mem>>
    %dma_wait3A_648 = arith.constant 0 : i32
    %dma_wait3A_649 = tpu.memref_slice %arg3[%dma_wait3A_636, %add3A_634, %dma_wait3A_648] : memref<4x8192x1024xf32, #tpu.memory_space<hbm>> -> memref<1x32x1024xf32, #tpu.memory_space<hbm>>
    %dma_wait3A_650 = tpu.memref_squeeze %dma_wait3A_649 : memref<1x32x1024xf32, #tpu.memory_space<hbm>> -> memref<32x1024xf32, #tpu.memory_space<hbm>>
    %dma_wait3A_651 = arith.constant 0 : i32
    %dma_wait3A_652 = arith.constant 0 : i32
    %dma_wait3A_653 = tpu.memref_slice %arg4[%dma_wait3A_635, %dma_wait3A_651, %dma_wait3A_652] : memref<2x32x1024xf32, #tpu.memory_space<vmem>> -> memref<1x32x1024xf32, #tpu.memory_space<vmem>>
    %dma_wait3A_654 = tpu.memref_squeeze %dma_wait3A_653 : memref<1x32x1024xf32, #tpu.memory_space<vmem>> -> memref<32x1024xf32, #tpu.memory_space<vmem>>
    tpu.wait_dma2 semaphore(%dma_wait3A_647 : memref<!tpu.dma_semaphore, #tpu.memory_space<semaphore_mem>>) src(%dma_wait3A_654 : memref<32x1024xf32, #tpu.memory_space<vmem>>) dst(%dma_wait3A_650 : memref<32x1024xf32, #tpu.memory_space<hbm>>)
    %add3A_655 = arith.constant 128 : i32
    %add3A_656 = arith.addi %mul3A_2, %add3A_655 : i32
    %dma_start3A_657 = arith.constant 0 : i32
    %dma_start3A_658 = arith.constant 0 : i32
    %dma_start3A_659 = arith.constant 0 : i32
    %dma_start3A_660 = arith.constant 0 : i32
    %dma_start3A_661 = tpu.memref_slice %arg4[%dma_start3A_657, %dma_start3A_659, %dma_start3A_660] : memref<2x32x1024xf32, #tpu.memory_space<vmem>> -> memref<1x32x1024xf32, #tpu.memory_space<vmem>>
    %dma_start3A_662 = tpu.memref_squeeze %dma_start3A_661 : memref<1x32x1024xf32, #tpu.memory_space<vmem>> -> memref<32x1024xf32, #tpu.memory_space<vmem>>
    %dma_start3A_663 = arith.constant 0 : i32
    %dma_start3A_664 = tpu.memref_slice %arg2[%add3A_656, %dma_start3A_663] : memref<8192x1024xf32, #tpu.memory_space<hbm>> -> memref<32x1024xf32, #tpu.memory_space<hbm>>
    %dma_start3A_665 = tpu.memref_slice %arg5[%dma_start3A_658] : memref<2x!tpu.dma_semaphore, #tpu.memory_space<semaphore_mem>> -> memref<1x!tpu.dma_semaphore, #tpu.memory_space<semaphore_mem>>
    %dma_start3A_666 = tpu.memref_squeeze %dma_start3A_665 : memref<1x!tpu.dma_semaphore, #tpu.memory_space<semaphore_mem>> -> memref<!tpu.dma_semaphore, #tpu.memory_space<semaphore_mem>>
    %dma_start3A_667 = arith.constant 0 : i32
    %dma_start3A_668 = arith.constant 0 : i32
    %dma_start3A_669 = tpu.memref_slice %arg4[%dma_start3A_657, %dma_start3A_667, %dma_start3A_668] : memref<2x32x1024xf32, #tpu.memory_space<vmem>> -> memref<1x32x1024xf32, #tpu.memory_space<vmem>>
    %dma_start3A_670 = tpu.memref_squeeze %dma_start3A_669 : memref<1x32x1024xf32, #tpu.memory_space<vmem>> -> memref<32x1024xf32, #tpu.memory_space<vmem>>
    %dma_start3A_671 = arith.constant 0 : i32
    %dma_start3A_672 = tpu.memref_slice %arg2[%add3A_656, %dma_start3A_671] : memref<8192x1024xf32, #tpu.memory_space<hbm>> -> memref<32x1024xf32, #tpu.memory_space<hbm>>
    tpu.enqueue_dma source(%dma_start3A_672 : memref<32x1024xf32, #tpu.memory_space<hbm>>) target(%dma_start3A_670 : memref<32x1024xf32, #tpu.memory_space<vmem>>) target_semaphore(%dma_start3A_666 : memref<!tpu.dma_semaphore, #tpu.memory_space<semaphore_mem>>)
    %add3A_673 = arith.constant 96 : i32
    %add3A_674 = arith.addi %mul3A_2, %add3A_673 : i32
    %dma_wait3A_675 = arith.constant 1 : i32
    %dma_wait3A_676 = arith.constant 1 : i32
    %dma_wait3A_677 = arith.constant 0 : i32
    %dma_wait3A_678 = arith.constant 0 : i32
    %dma_wait3A_679 = tpu.memref_slice %arg4[%dma_wait3A_675, %dma_wait3A_677, %dma_wait3A_678] : memref<2x32x1024xf32, #tpu.memory_space<vmem>> -> memref<1x32x1024xf32, #tpu.memory_space<vmem>>
    %dma_wait3A_680 = tpu.memref_squeeze %dma_wait3A_679 : memref<1x32x1024xf32, #tpu.memory_space<vmem>> -> memref<32x1024xf32, #tpu.memory_space<vmem>>
    %dma_wait3A_681 = arith.constant 0 : i32
    %dma_wait3A_682 = tpu.memref_slice %arg2[%add3A_674, %dma_wait3A_681] : memref<8192x1024xf32, #tpu.memory_space<hbm>> -> memref<32x1024xf32, #tpu.memory_space<hbm>>
    %dma_wait3A_683 = tpu.memref_slice %arg5[%dma_wait3A_676] : memref<2x!tpu.dma_semaphore, #tpu.memory_space<semaphore_mem>> -> memref<1x!tpu.dma_semaphore, #tpu.memory_space<semaphore_mem>>
    %dma_wait3A_684 = tpu.memref_squeeze %dma_wait3A_683 : memref<1x!tpu.dma_semaphore, #tpu.memory_space<semaphore_mem>> -> memref<!tpu.dma_semaphore, #tpu.memory_space<semaphore_mem>>
    %dma_wait3A_685 = arith.constant 0 : i32
    %dma_wait3A_686 = arith.constant 0 : i32
    %dma_wait3A_687 = tpu.memref_slice %arg4[%dma_wait3A_675, %dma_wait3A_685, %dma_wait3A_686] : memref<2x32x1024xf32, #tpu.memory_space<vmem>> -> memref<1x32x1024xf32, #tpu.memory_space<vmem>>
    %dma_wait3A_688 = tpu.memref_squeeze %dma_wait3A_687 : memref<1x32x1024xf32, #tpu.memory_space<vmem>> -> memref<32x1024xf32, #tpu.memory_space<vmem>>
    %dma_wait3A_689 = arith.constant 0 : i32
    %dma_wait3A_690 = tpu.memref_slice %arg2[%add3A_674, %dma_wait3A_689] : memref<8192x1024xf32, #tpu.memory_space<hbm>> -> memref<32x1024xf32, #tpu.memory_space<hbm>>
    tpu.wait_dma2 semaphore(%dma_wait3A_684 : memref<!tpu.dma_semaphore, #tpu.memory_space<semaphore_mem>>) src(%dma_wait3A_690 : memref<32x1024xf32, #tpu.memory_space<hbm>>) dst(%dma_wait3A_688 : memref<32x1024xf32, #tpu.memory_space<vmem>>)
    %add3A_691 = arith.constant 96 : i32
    %add3A_692 = arith.addi %mul3A_2, %add3A_691 : i32
    %dma_start3A_693 = arith.constant 1 : i32
    %dma_start3A_694 = arith.constant 0 : i32
    %dma_start3A_695 = arith.constant 1 : i32
    %dma_start3A_696 = arith.constant 0 : i32
    %dma_start3A_697 = arith.constant 0 : i32
    %dma_start3A_698 = arith.constant 0 : i32
    %dma_start3A_699 = tpu.memref_slice %arg4[%dma_start3A_693, %dma_start3A_697, %dma_start3A_698] : memref<2x32x1024xf32, #tpu.memory_space<vmem>> -> memref<1x32x1024xf32, #tpu.memory_space<vmem>>
    %dma_start3A_700 = tpu.memref_squeeze %dma_start3A_699 : memref<1x32x1024xf32, #tpu.memory_space<vmem>> -> memref<32x1024xf32, #tpu.memory_space<vmem>>
    %dma_start3A_701 = arith.constant 0 : i32
    %dma_start3A_702 = tpu.memref_slice %arg3[%dma_start3A_694, %add3A_692, %dma_start3A_701] : memref<4x8192x1024xf32, #tpu.memory_space<hbm>> -> memref<1x32x1024xf32, #tpu.memory_space<hbm>>
    %dma_start3A_703 = tpu.memref_squeeze %dma_start3A_702 : memref<1x32x1024xf32, #tpu.memory_space<hbm>> -> memref<32x1024xf32, #tpu.memory_space<hbm>>
    %dma_start3A_704 = tpu.memref_slice %arg6[%dma_start3A_695, %dma_start3A_696] : memref<2x4x!tpu.dma_semaphore, #tpu.memory_space<semaphore_mem>> -> memref<1x1x!tpu.dma_semaphore, #tpu.memory_space<semaphore_mem>>
    %dma_start3A_705 = tpu.memref_squeeze %dma_start3A_704 : memref<1x1x!tpu.dma_semaphore, #tpu.memory_space<semaphore_mem>> -> memref<!tpu.dma_semaphore, #tpu.memory_space<semaphore_mem>>
    %dma_start3A_706 = arith.constant 0 : i32
    %dma_start3A_707 = tpu.memref_slice %arg3[%dma_start3A_694, %add3A_692, %dma_start3A_706] : memref<4x8192x1024xf32, #tpu.memory_space<hbm>> -> memref<1x32x1024xf32, #tpu.memory_space<hbm>>
    %dma_start3A_708 = tpu.memref_squeeze %dma_start3A_707 : memref<1x32x1024xf32, #tpu.memory_space<hbm>> -> memref<32x1024xf32, #tpu.memory_space<hbm>>
    %dma_start3A_709 = arith.constant 0 : i32
    %dma_start3A_710 = arith.constant 0 : i32
    %dma_start3A_711 = tpu.memref_slice %arg4[%dma_start3A_693, %dma_start3A_709, %dma_start3A_710] : memref<2x32x1024xf32, #tpu.memory_space<vmem>> -> memref<1x32x1024xf32, #tpu.memory_space<vmem>>
    %dma_start3A_712 = tpu.memref_squeeze %dma_start3A_711 : memref<1x32x1024xf32, #tpu.memory_space<vmem>> -> memref<32x1024xf32, #tpu.memory_space<vmem>>
    tpu.enqueue_dma source(%dma_start3A_712 : memref<32x1024xf32, #tpu.memory_space<vmem>>) target(%dma_start3A_708 : memref<32x1024xf32, #tpu.memory_space<hbm>>) target_semaphore(%dma_start3A_705 : memref<!tpu.dma_semaphore, #tpu.memory_space<semaphore_mem>>)
    %add3A_713 = arith.constant 96 : i32
    %add3A_714 = arith.addi %mul3A_2, %add3A_713 : i32
    %dma_start3A_715 = arith.constant 1 : i32
    %dma_start3A_716 = arith.constant 1 : i32
    %dma_start3A_717 = arith.constant 1 : i32
    %dma_start3A_718 = arith.constant 1 : i32
    %dma_start3A_719 = arith.constant 0 : i32
    %dma_start3A_720 = arith.constant 0 : i32
    %dma_start3A_721 = tpu.memref_slice %arg4[%dma_start3A_715, %dma_start3A_719, %dma_start3A_720] : memref<2x32x1024xf32, #tpu.memory_space<vmem>> -> memref<1x32x1024xf32, #tpu.memory_space<vmem>>
    %dma_start3A_722 = tpu.memref_squeeze %dma_start3A_721 : memref<1x32x1024xf32, #tpu.memory_space<vmem>> -> memref<32x1024xf32, #tpu.memory_space<vmem>>
    %dma_start3A_723 = arith.constant 0 : i32
    %dma_start3A_724 = tpu.memref_slice %arg3[%dma_start3A_716, %add3A_714, %dma_start3A_723] : memref<4x8192x1024xf32, #tpu.memory_space<hbm>> -> memref<1x32x1024xf32, #tpu.memory_space<hbm>>
    %dma_start3A_725 = tpu.memref_squeeze %dma_start3A_724 : memref<1x32x1024xf32, #tpu.memory_space<hbm>> -> memref<32x1024xf32, #tpu.memory_space<hbm>>
    %dma_start3A_726 = tpu.memref_slice %arg6[%dma_start3A_717, %dma_start3A_718] : memref<2x4x!tpu.dma_semaphore, #tpu.memory_space<semaphore_mem>> -> memref<1x1x!tpu.dma_semaphore, #tpu.memory_space<semaphore_mem>>
    %dma_start3A_727 = tpu.memref_squeeze %dma_start3A_726 : memref<1x1x!tpu.dma_semaphore, #tpu.memory_space<semaphore_mem>> -> memref<!tpu.dma_semaphore, #tpu.memory_space<semaphore_mem>>
    %dma_start3A_728 = arith.constant 0 : i32
    %dma_start3A_729 = tpu.memref_slice %arg3[%dma_start3A_716, %add3A_714, %dma_start3A_728] : memref<4x8192x1024xf32, #tpu.memory_space<hbm>> -> memref<1x32x1024xf32, #tpu.memory_space<hbm>>
    %dma_start3A_730 = tpu.memref_squeeze %dma_start3A_729 : memref<1x32x1024xf32, #tpu.memory_space<hbm>> -> memref<32x1024xf32, #tpu.memory_space<hbm>>
    %dma_start3A_731 = arith.constant 0 : i32
    %dma_start3A_732 = arith.constant 0 : i32
    %dma_start3A_733 = tpu.memref_slice %arg4[%dma_start3A_715, %dma_start3A_731, %dma_start3A_732] : memref<2x32x1024xf32, #tpu.memory_space<vmem>> -> memref<1x32x1024xf32, #tpu.memory_space<vmem>>
    %dma_start3A_734 = tpu.memref_squeeze %dma_start3A_733 : memref<1x32x1024xf32, #tpu.memory_space<vmem>> -> memref<32x1024xf32, #tpu.memory_space<vmem>>
    tpu.enqueue_dma source(%dma_start3A_734 : memref<32x1024xf32, #tpu.memory_space<vmem>>) target(%dma_start3A_730 : memref<32x1024xf32, #tpu.memory_space<hbm>>) target_semaphore(%dma_start3A_727 : memref<!tpu.dma_semaphore, #tpu.memory_space<semaphore_mem>>)
    %add3A_735 = arith.constant 96 : i32
    %add3A_736 = arith.addi %mul3A_2, %add3A_735 : i32
    %dma_start3A_737 = arith.constant 1 : i32
    %dma_start3A_738 = arith.constant 2 : i32
    %dma_start3A_739 = arith.constant 1 : i32
    %dma_start3A_740 = arith.constant 2 : i32
    %dma_start3A_741 = arith.constant 0 : i32
    %dma_start3A_742 = arith.constant 0 : i32
    %dma_start3A_743 = tpu.memref_slice %arg4[%dma_start3A_737, %dma_start3A_741, %dma_start3A_742] : memref<2x32x1024xf32, #tpu.memory_space<vmem>> -> memref<1x32x1024xf32, #tpu.memory_space<vmem>>
    %dma_start3A_744 = tpu.memref_squeeze %dma_start3A_743 : memref<1x32x1024xf32, #tpu.memory_space<vmem>> -> memref<32x1024xf32, #tpu.memory_space<vmem>>
    %dma_start3A_745 = arith.constant 0 : i32
    %dma_start3A_746 = tpu.memref_slice %arg3[%dma_start3A_738, %add3A_736, %dma_start3A_745] : memref<4x8192x1024xf32, #tpu.memory_space<hbm>> -> memref<1x32x1024xf32, #tpu.memory_space<hbm>>
    %dma_start3A_747 = tpu.memref_squeeze %dma_start3A_746 : memref<1x32x1024xf32, #tpu.memory_space<hbm>> -> memref<32x1024xf32, #tpu.memory_space<hbm>>
    %dma_start3A_748 = tpu.memref_slice %arg6[%dma_start3A_739, %dma_start3A_740] : memref<2x4x!tpu.dma_semaphore, #tpu.memory_space<semaphore_mem>> -> memref<1x1x!tpu.dma_semaphore, #tpu.memory_space<semaphore_mem>>
    %dma_start3A_749 = tpu.memref_squeeze %dma_start3A_748 : memref<1x1x!tpu.dma_semaphore, #tpu.memory_space<semaphore_mem>> -> memref<!tpu.dma_semaphore, #tpu.memory_space<semaphore_mem>>
    %dma_start3A_750 = arith.constant 0 : i32
    %dma_start3A_751 = tpu.memref_slice %arg3[%dma_start3A_738, %add3A_736, %dma_start3A_750] : memref<4x8192x1024xf32, #tpu.memory_space<hbm>> -> memref<1x32x1024xf32, #tpu.memory_space<hbm>>
    %dma_start3A_752 = tpu.memref_squeeze %dma_start3A_751 : memref<1x32x1024xf32, #tpu.memory_space<hbm>> -> memref<32x1024xf32, #tpu.memory_space<hbm>>
    %dma_start3A_753 = arith.constant 0 : i32
    %dma_start3A_754 = arith.constant 0 : i32
    %dma_start3A_755 = tpu.memref_slice %arg4[%dma_start3A_737, %dma_start3A_753, %dma_start3A_754] : memref<2x32x1024xf32, #tpu.memory_space<vmem>> -> memref<1x32x1024xf32, #tpu.memory_space<vmem>>
    %dma_start3A_756 = tpu.memref_squeeze %dma_start3A_755 : memref<1x32x1024xf32, #tpu.memory_space<vmem>> -> memref<32x1024xf32, #tpu.memory_space<vmem>>
    tpu.enqueue_dma source(%dma_start3A_756 : memref<32x1024xf32, #tpu.memory_space<vmem>>) target(%dma_start3A_752 : memref<32x1024xf32, #tpu.memory_space<hbm>>) target_semaphore(%dma_start3A_749 : memref<!tpu.dma_semaphore, #tpu.memory_space<semaphore_mem>>)
    %add3A_757 = arith.constant 96 : i32
    %add3A_758 = arith.addi %mul3A_2, %add3A_757 : i32
    %dma_start3A_759 = arith.constant 1 : i32
    %dma_start3A_760 = arith.constant 3 : i32
    %dma_start3A_761 = arith.constant 1 : i32
    %dma_start3A_762 = arith.constant 3 : i32
    %dma_start3A_763 = arith.constant 0 : i32
    %dma_start3A_764 = arith.constant 0 : i32
    %dma_start3A_765 = tpu.memref_slice %arg4[%dma_start3A_759, %dma_start3A_763, %dma_start3A_764] : memref<2x32x1024xf32, #tpu.memory_space<vmem>> -> memref<1x32x1024xf32, #tpu.memory_space<vmem>>
    %dma_start3A_766 = tpu.memref_squeeze %dma_start3A_765 : memref<1x32x1024xf32, #tpu.memory_space<vmem>> -> memref<32x1024xf32, #tpu.memory_space<vmem>>
    %dma_start3A_767 = arith.constant 0 : i32
    %dma_start3A_768 = tpu.memref_slice %arg3[%dma_start3A_760, %add3A_758, %dma_start3A_767] : memref<4x8192x1024xf32, #tpu.memory_space<hbm>> -> memref<1x32x1024xf32, #tpu.memory_space<hbm>>
    %dma_start3A_769 = tpu.memref_squeeze %dma_start3A_768 : memref<1x32x1024xf32, #tpu.memory_space<hbm>> -> memref<32x1024xf32, #tpu.memory_space<hbm>>
    %dma_start3A_770 = tpu.memref_slice %arg6[%dma_start3A_761, %dma_start3A_762] : memref<2x4x!tpu.dma_semaphore, #tpu.memory_space<semaphore_mem>> -> memref<1x1x!tpu.dma_semaphore, #tpu.memory_space<semaphore_mem>>
    %dma_start3A_771 = tpu.memref_squeeze %dma_start3A_770 : memref<1x1x!tpu.dma_semaphore, #tpu.memory_space<semaphore_mem>> -> memref<!tpu.dma_semaphore, #tpu.memory_space<semaphore_mem>>
    %dma_start3A_772 = arith.constant 0 : i32
    %dma_start3A_773 = tpu.memref_slice %arg3[%dma_start3A_760, %add3A_758, %dma_start3A_772] : memref<4x8192x1024xf32, #tpu.memory_space<hbm>> -> memref<1x32x1024xf32, #tpu.memory_space<hbm>>
    %dma_start3A_774 = tpu.memref_squeeze %dma_start3A_773 : memref<1x32x1024xf32, #tpu.memory_space<hbm>> -> memref<32x1024xf32, #tpu.memory_space<hbm>>
    %dma_start3A_775 = arith.constant 0 : i32
    %dma_start3A_776 = arith.constant 0 : i32
    %dma_start3A_777 = tpu.memref_slice %arg4[%dma_start3A_759, %dma_start3A_775, %dma_start3A_776] : memref<2x32x1024xf32, #tpu.memory_space<vmem>> -> memref<1x32x1024xf32, #tpu.memory_space<vmem>>
    %dma_start3A_778 = tpu.memref_squeeze %dma_start3A_777 : memref<1x32x1024xf32, #tpu.memory_space<vmem>> -> memref<32x1024xf32, #tpu.memory_space<vmem>>
    tpu.enqueue_dma source(%dma_start3A_778 : memref<32x1024xf32, #tpu.memory_space<vmem>>) target(%dma_start3A_774 : memref<32x1024xf32, #tpu.memory_space<hbm>>) target_semaphore(%dma_start3A_771 : memref<!tpu.dma_semaphore, #tpu.memory_space<semaphore_mem>>)
    %add3A_779 = arith.constant 96 : i32
    %add3A_780 = arith.addi %mul3A_2, %add3A_779 : i32
    %dma_wait3A_781 = arith.constant 1 : i32
    %dma_wait3A_782 = arith.constant 0 : i32
    %dma_wait3A_783 = arith.constant 1 : i32
    %dma_wait3A_784 = arith.constant 0 : i32
    %dma_wait3A_785 = arith.constant 0 : i32
    %dma_wait3A_786 = arith.constant 0 : i32
    %dma_wait3A_787 = tpu.memref_slice %arg4[%dma_wait3A_781, %dma_wait3A_785, %dma_wait3A_786] : memref<2x32x1024xf32, #tpu.memory_space<vmem>> -> memref<1x32x1024xf32, #tpu.memory_space<vmem>>
    %dma_wait3A_788 = tpu.memref_squeeze %dma_wait3A_787 : memref<1x32x1024xf32, #tpu.memory_space<vmem>> -> memref<32x1024xf32, #tpu.memory_space<vmem>>
    %dma_wait3A_789 = arith.constant 0 : i32
    %dma_wait3A_790 = tpu.memref_slice %arg3[%dma_wait3A_782, %add3A_780, %dma_wait3A_789] : memref<4x8192x1024xf32, #tpu.memory_space<hbm>> -> memref<1x32x1024xf32, #tpu.memory_space<hbm>>
    %dma_wait3A_791 = tpu.memref_squeeze %dma_wait3A_790 : memref<1x32x1024xf32, #tpu.memory_space<hbm>> -> memref<32x1024xf32, #tpu.memory_space<hbm>>
    %dma_wait3A_792 = tpu.memref_slice %arg6[%dma_wait3A_783, %dma_wait3A_784] : memref<2x4x!tpu.dma_semaphore, #tpu.memory_space<semaphore_mem>> -> memref<1x1x!tpu.dma_semaphore, #tpu.memory_space<semaphore_mem>>
    %dma_wait3A_793 = tpu.memref_squeeze %dma_wait3A_792 : memref<1x1x!tpu.dma_semaphore, #tpu.memory_space<semaphore_mem>> -> memref<!tpu.dma_semaphore, #tpu.memory_space<semaphore_mem>>
    %dma_wait3A_794 = arith.constant 0 : i32
    %dma_wait3A_795 = tpu.memref_slice %arg3[%dma_wait3A_782, %add3A_780, %dma_wait3A_794] : memref<4x8192x1024xf32, #tpu.memory_space<hbm>> -> memref<1x32x1024xf32, #tpu.memory_space<hbm>>
    %dma_wait3A_796 = tpu.memref_squeeze %dma_wait3A_795 : memref<1x32x1024xf32, #tpu.memory_space<hbm>> -> memref<32x1024xf32, #tpu.memory_space<hbm>>
    %dma_wait3A_797 = arith.constant 0 : i32
    %dma_wait3A_798 = arith.constant 0 : i32
    %dma_wait3A_799 = tpu.memref_slice %arg4[%dma_wait3A_781, %dma_wait3A_797, %dma_wait3A_798] : memref<2x32x1024xf32, #tpu.memory_space<vmem>> -> memref<1x32x1024xf32, #tpu.memory_space<vmem>>
    %dma_wait3A_800 = tpu.memref_squeeze %dma_wait3A_799 : memref<1x32x1024xf32, #tpu.memory_space<vmem>> -> memref<32x1024xf32, #tpu.memory_space<vmem>>
    tpu.wait_dma2 semaphore(%dma_wait3A_793 : memref<!tpu.dma_semaphore, #tpu.memory_space<semaphore_mem>>) src(%dma_wait3A_800 : memref<32x1024xf32, #tpu.memory_space<vmem>>) dst(%dma_wait3A_796 : memref<32x1024xf32, #tpu.memory_space<hbm>>)
    %add3A_801 = arith.constant 96 : i32
    %add3A_802 = arith.addi %mul3A_2, %add3A_801 : i32
    %dma_wait3A_803 = arith.constant 1 : i32
    %dma_wait3A_804 = arith.constant 1 : i32
    %dma_wait3A_805 = arith.constant 1 : i32
    %dma_wait3A_806 = arith.constant 1 : i32
    %dma_wait3A_807 = arith.constant 0 : i32
    %dma_wait3A_808 = arith.constant 0 : i32
    %dma_wait3A_809 = tpu.memref_slice %arg4[%dma_wait3A_803, %dma_wait3A_807, %dma_wait3A_808] : memref<2x32x1024xf32, #tpu.memory_space<vmem>> -> memref<1x32x1024xf32, #tpu.memory_space<vmem>>
    %dma_wait3A_810 = tpu.memref_squeeze %dma_wait3A_809 : memref<1x32x1024xf32, #tpu.memory_space<vmem>> -> memref<32x1024xf32, #tpu.memory_space<vmem>>
    %dma_wait3A_811 = arith.constant 0 : i32
    %dma_wait3A_812 = tpu.memref_slice %arg3[%dma_wait3A_804, %add3A_802, %dma_wait3A_811] : memref<4x8192x1024xf32, #tpu.memory_space<hbm>> -> memref<1x32x1024xf32, #tpu.memory_space<hbm>>
    %dma_wait3A_813 = tpu.memref_squeeze %dma_wait3A_812 : memref<1x32x1024xf32, #tpu.memory_space<hbm>> -> memref<32x1024xf32, #tpu.memory_space<hbm>>
    %dma_wait3A_814 = tpu.memref_slice %arg6[%dma_wait3A_805, %dma_wait3A_806] : memref<2x4x!tpu.dma_semaphore, #tpu.memory_space<semaphore_mem>> -> memref<1x1x!tpu.dma_semaphore, #tpu.memory_space<semaphore_mem>>
    %dma_wait3A_815 = tpu.memref_squeeze %dma_wait3A_814 : memref<1x1x!tpu.dma_semaphore, #tpu.memory_space<semaphore_mem>> -> memref<!tpu.dma_semaphore, #tpu.memory_space<semaphore_mem>>
    %dma_wait3A_816 = arith.constant 0 : i32
    %dma_wait3A_817 = tpu.memref_slice %arg3[%dma_wait3A_804, %add3A_802, %dma_wait3A_816] : memref<4x8192x1024xf32, #tpu.memory_space<hbm>> -> memref<1x32x1024xf32, #tpu.memory_space<hbm>>
    %dma_wait3A_818 = tpu.memref_squeeze %dma_wait3A_817 : memref<1x32x1024xf32, #tpu.memory_space<hbm>> -> memref<32x1024xf32, #tpu.memory_space<hbm>>
    %dma_wait3A_819 = arith.constant 0 : i32
    %dma_wait3A_820 = arith.constant 0 : i32
    %dma_wait3A_821 = tpu.memref_slice %arg4[%dma_wait3A_803, %dma_wait3A_819, %dma_wait3A_820] : memref<2x32x1024xf32, #tpu.memory_space<vmem>> -> memref<1x32x1024xf32, #tpu.memory_space<vmem>>
    %dma_wait3A_822 = tpu.memref_squeeze %dma_wait3A_821 : memref<1x32x1024xf32, #tpu.memory_space<vmem>> -> memref<32x1024xf32, #tpu.memory_space<vmem>>
    tpu.wait_dma2 semaphore(%dma_wait3A_815 : memref<!tpu.dma_semaphore, #tpu.memory_space<semaphore_mem>>) src(%dma_wait3A_822 : memref<32x1024xf32, #tpu.memory_space<vmem>>) dst(%dma_wait3A_818 : memref<32x1024xf32, #tpu.memory_space<hbm>>)
    %add3A_823 = arith.constant 96 : i32
    %add3A_824 = arith.addi %mul3A_2, %add3A_823 : i32
    %dma_wait3A_825 = arith.constant 1 : i32
    %dma_wait3A_826 = arith.constant 2 : i32
    %dma_wait3A_827 = arith.constant 1 : i32
    %dma_wait3A_828 = arith.constant 2 : i32
    %dma_wait3A_829 = arith.constant 0 : i32
    %dma_wait3A_830 = arith.constant 0 : i32
    %dma_wait3A_831 = tpu.memref_slice %arg4[%dma_wait3A_825, %dma_wait3A_829, %dma_wait3A_830] : memref<2x32x1024xf32, #tpu.memory_space<vmem>> -> memref<1x32x1024xf32, #tpu.memory_space<vmem>>
    %dma_wait3A_832 = tpu.memref_squeeze %dma_wait3A_831 : memref<1x32x1024xf32, #tpu.memory_space<vmem>> -> memref<32x1024xf32, #tpu.memory_space<vmem>>
    %dma_wait3A_833 = arith.constant 0 : i32
    %dma_wait3A_834 = tpu.memref_slice %arg3[%dma_wait3A_826, %add3A_824, %dma_wait3A_833] : memref<4x8192x1024xf32, #tpu.memory_space<hbm>> -> memref<1x32x1024xf32, #tpu.memory_space<hbm>>
    %dma_wait3A_835 = tpu.memref_squeeze %dma_wait3A_834 : memref<1x32x1024xf32, #tpu.memory_space<hbm>> -> memref<32x1024xf32, #tpu.memory_space<hbm>>
    %dma_wait3A_836 = tpu.memref_slice %arg6[%dma_wait3A_827, %dma_wait3A_828] : memref<2x4x!tpu.dma_semaphore, #tpu.memory_space<semaphore_mem>> -> memref<1x1x!tpu.dma_semaphore, #tpu.memory_space<semaphore_mem>>
    %dma_wait3A_837 = tpu.memref_squeeze %dma_wait3A_836 : memref<1x1x!tpu.dma_semaphore, #tpu.memory_space<semaphore_mem>> -> memref<!tpu.dma_semaphore, #tpu.memory_space<semaphore_mem>>
    %dma_wait3A_838 = arith.constant 0 : i32
    %dma_wait3A_839 = tpu.memref_slice %arg3[%dma_wait3A_826, %add3A_824, %dma_wait3A_838] : memref<4x8192x1024xf32, #tpu.memory_space<hbm>> -> memref<1x32x1024xf32, #tpu.memory_space<hbm>>
    %dma_wait3A_840 = tpu.memref_squeeze %dma_wait3A_839 : memref<1x32x1024xf32, #tpu.memory_space<hbm>> -> memref<32x1024xf32, #tpu.memory_space<hbm>>
    %dma_wait3A_841 = arith.constant 0 : i32
    %dma_wait3A_842 = arith.constant 0 : i32
    %dma_wait3A_843 = tpu.memref_slice %arg4[%dma_wait3A_825, %dma_wait3A_841, %dma_wait3A_842] : memref<2x32x1024xf32, #tpu.memory_space<vmem>> -> memref<1x32x1024xf32, #tpu.memory_space<vmem>>
    %dma_wait3A_844 = tpu.memref_squeeze %dma_wait3A_843 : memref<1x32x1024xf32, #tpu.memory_space<vmem>> -> memref<32x1024xf32, #tpu.memory_space<vmem>>
    tpu.wait_dma2 semaphore(%dma_wait3A_837 : memref<!tpu.dma_semaphore, #tpu.memory_space<semaphore_mem>>) src(%dma_wait3A_844 : memref<32x1024xf32, #tpu.memory_space<vmem>>) dst(%dma_wait3A_840 : memref<32x1024xf32, #tpu.memory_space<hbm>>)
    %add3A_845 = arith.constant 96 : i32
    %add3A_846 = arith.addi %mul3A_2, %add3A_845 : i32
    %dma_wait3A_847 = arith.constant 1 : i32
    %dma_wait3A_848 = arith.constant 3 : i32
    %dma_wait3A_849 = arith.constant 1 : i32
    %dma_wait3A_850 = arith.constant 3 : i32
    %dma_wait3A_851 = arith.constant 0 : i32
    %dma_wait3A_852 = arith.constant 0 : i32
    %dma_wait3A_853 = tpu.memref_slice %arg4[%dma_wait3A_847, %dma_wait3A_851, %dma_wait3A_852] : memref<2x32x1024xf32, #tpu.memory_space<vmem>> -> memref<1x32x1024xf32, #tpu.memory_space<vmem>>
    %dma_wait3A_854 = tpu.memref_squeeze %dma_wait3A_853 : memref<1x32x1024xf32, #tpu.memory_space<vmem>> -> memref<32x1024xf32, #tpu.memory_space<vmem>>
    %dma_wait3A_855 = arith.constant 0 : i32
    %dma_wait3A_856 = tpu.memref_slice %arg3[%dma_wait3A_848, %add3A_846, %dma_wait3A_855] : memref<4x8192x1024xf32, #tpu.memory_space<hbm>> -> memref<1x32x1024xf32, #tpu.memory_space<hbm>>
    %dma_wait3A_857 = tpu.memref_squeeze %dma_wait3A_856 : memref<1x32x1024xf32, #tpu.memory_space<hbm>> -> memref<32x1024xf32, #tpu.memory_space<hbm>>
    %dma_wait3A_858 = tpu.memref_slice %arg6[%dma_wait3A_849, %dma_wait3A_850] : memref<2x4x!tpu.dma_semaphore, #tpu.memory_space<semaphore_mem>> -> memref<1x1x!tpu.dma_semaphore, #tpu.memory_space<semaphore_mem>>
    %dma_wait3A_859 = tpu.memref_squeeze %dma_wait3A_858 : memref<1x1x!tpu.dma_semaphore, #tpu.memory_space<semaphore_mem>> -> memref<!tpu.dma_semaphore, #tpu.memory_space<semaphore_mem>>
    %dma_wait3A_860 = arith.constant 0 : i32
    %dma_wait3A_861 = tpu.memref_slice %arg3[%dma_wait3A_848, %add3A_846, %dma_wait3A_860] : memref<4x8192x1024xf32, #tpu.memory_space<hbm>> -> memref<1x32x1024xf32, #tpu.memory_space<hbm>>
    %dma_wait3A_862 = tpu.memref_squeeze %dma_wait3A_861 : memref<1x32x1024xf32, #tpu.memory_space<hbm>> -> memref<32x1024xf32, #tpu.memory_space<hbm>>
    %dma_wait3A_863 = arith.constant 0 : i32
    %dma_wait3A_864 = arith.constant 0 : i32
    %dma_wait3A_865 = tpu.memref_slice %arg4[%dma_wait3A_847, %dma_wait3A_863, %dma_wait3A_864] : memref<2x32x1024xf32, #tpu.memory_space<vmem>> -> memref<1x32x1024xf32, #tpu.memory_space<vmem>>
    %dma_wait3A_866 = tpu.memref_squeeze %dma_wait3A_865 : memref<1x32x1024xf32, #tpu.memory_space<vmem>> -> memref<32x1024xf32, #tpu.memory_space<vmem>>
    tpu.wait_dma2 semaphore(%dma_wait3A_859 : memref<!tpu.dma_semaphore, #tpu.memory_space<semaphore_mem>>) src(%dma_wait3A_866 : memref<32x1024xf32, #tpu.memory_space<vmem>>) dst(%dma_wait3A_862 : memref<32x1024xf32, #tpu.memory_space<hbm>>)
    %add3A_867 = arith.constant 160 : i32
    %add3A_868 = arith.addi %mul3A_2, %add3A_867 : i32
    %dma_start3A_869 = arith.constant 1 : i32
    %dma_start3A_870 = arith.constant 1 : i32
    %dma_start3A_871 = arith.constant 0 : i32
    %dma_start3A_872 = arith.constant 0 : i32
    %dma_start3A_873 = tpu.memref_slice %arg4[%dma_start3A_869, %dma_start3A_871, %dma_start3A_872] : memref<2x32x1024xf32, #tpu.memory_space<vmem>> -> memref<1x32x1024xf32, #tpu.memory_space<vmem>>
    %dma_start3A_874 = tpu.memref_squeeze %dma_start3A_873 : memref<1x32x1024xf32, #tpu.memory_space<vmem>> -> memref<32x1024xf32, #tpu.memory_space<vmem>>
    %dma_start3A_875 = arith.constant 0 : i32
    %dma_start3A_876 = tpu.memref_slice %arg2[%add3A_868, %dma_start3A_875] : memref<8192x1024xf32, #tpu.memory_space<hbm>> -> memref<32x1024xf32, #tpu.memory_space<hbm>>
    %dma_start3A_877 = tpu.memref_slice %arg5[%dma_start3A_870] : memref<2x!tpu.dma_semaphore, #tpu.memory_space<semaphore_mem>> -> memref<1x!tpu.dma_semaphore, #tpu.memory_space<semaphore_mem>>
    %dma_start3A_878 = tpu.memref_squeeze %dma_start3A_877 : memref<1x!tpu.dma_semaphore, #tpu.memory_space<semaphore_mem>> -> memref<!tpu.dma_semaphore, #tpu.memory_space<semaphore_mem>>
    %dma_start3A_879 = arith.constant 0 : i32
    %dma_start3A_880 = arith.constant 0 : i32
    %dma_start3A_881 = tpu.memref_slice %arg4[%dma_start3A_869, %dma_start3A_879, %dma_start3A_880] : memref<2x32x1024xf32, #tpu.memory_space<vmem>> -> memref<1x32x1024xf32, #tpu.memory_space<vmem>>
    %dma_start3A_882 = tpu.memref_squeeze %dma_start3A_881 : memref<1x32x1024xf32, #tpu.memory_space<vmem>> -> memref<32x1024xf32, #tpu.memory_space<vmem>>
    %dma_start3A_883 = arith.constant 0 : i32
    %dma_start3A_884 = tpu.memref_slice %arg2[%add3A_868, %dma_start3A_883] : memref<8192x1024xf32, #tpu.memory_space<hbm>> -> memref<32x1024xf32, #tpu.memory_space<hbm>>
    tpu.enqueue_dma source(%dma_start3A_884 : memref<32x1024xf32, #tpu.memory_space<hbm>>) target(%dma_start3A_882 : memref<32x1024xf32, #tpu.memory_space<vmem>>) target_semaphore(%dma_start3A_878 : memref<!tpu.dma_semaphore, #tpu.memory_space<semaphore_mem>>)
    %add3A_885 = arith.constant 128 : i32
    %add3A_886 = arith.addi %mul3A_2, %add3A_885 : i32
    %dma_wait3A_887 = arith.constant 0 : i32
    %dma_wait3A_888 = arith.constant 0 : i32
    %dma_wait3A_889 = arith.constant 0 : i32
    %dma_wait3A_890 = arith.constant 0 : i32
    %dma_wait3A_891 = tpu.memref_slice %arg4[%dma_wait3A_887, %dma_wait3A_889, %dma_wait3A_890] : memref<2x32x1024xf32, #tpu.memory_space<vmem>> -> memref<1x32x1024xf32, #tpu.memory_space<vmem>>
    %dma_wait3A_892 = tpu.memref_squeeze %dma_wait3A_891 : memref<1x32x1024xf32, #tpu.memory_space<vmem>> -> memref<32x1024xf32, #tpu.memory_space<vmem>>
    %dma_wait3A_893 = arith.constant 0 : i32
    %dma_wait3A_894 = tpu.memref_slice %arg2[%add3A_886, %dma_wait3A_893] : memref<8192x1024xf32, #tpu.memory_space<hbm>> -> memref<32x1024xf32, #tpu.memory_space<hbm>>
    %dma_wait3A_895 = tpu.memref_slice %arg5[%dma_wait3A_888] : memref<2x!tpu.dma_semaphore, #tpu.memory_space<semaphore_mem>> -> memref<1x!tpu.dma_semaphore, #tpu.memory_space<semaphore_mem>>
    %dma_wait3A_896 = tpu.memref_squeeze %dma_wait3A_895 : memref<1x!tpu.dma_semaphore, #tpu.memory_space<semaphore_mem>> -> memref<!tpu.dma_semaphore, #tpu.memory_space<semaphore_mem>>
    %dma_wait3A_897 = arith.constant 0 : i32
    %dma_wait3A_898 = arith.constant 0 : i32
    %dma_wait3A_899 = tpu.memref_slice %arg4[%dma_wait3A_887, %dma_wait3A_897, %dma_wait3A_898] : memref<2x32x1024xf32, #tpu.memory_space<vmem>> -> memref<1x32x1024xf32, #tpu.memory_space<vmem>>
    %dma_wait3A_900 = tpu.memref_squeeze %dma_wait3A_899 : memref<1x32x1024xf32, #tpu.memory_space<vmem>> -> memref<32x1024xf32, #tpu.memory_space<vmem>>
    %dma_wait3A_901 = arith.constant 0 : i32
    %dma_wait3A_902 = tpu.memref_slice %arg2[%add3A_886, %dma_wait3A_901] : memref<8192x1024xf32, #tpu.memory_space<hbm>> -> memref<32x1024xf32, #tpu.memory_space<hbm>>
    tpu.wait_dma2 semaphore(%dma_wait3A_896 : memref<!tpu.dma_semaphore, #tpu.memory_space<semaphore_mem>>) src(%dma_wait3A_902 : memref<32x1024xf32, #tpu.memory_space<hbm>>) dst(%dma_wait3A_900 : memref<32x1024xf32, #tpu.memory_space<vmem>>)
    %add3A_903 = arith.constant 128 : i32
    %add3A_904 = arith.addi %mul3A_2, %add3A_903 : i32
    %dma_start3A_905 = arith.constant 0 : i32
    %dma_start3A_906 = arith.constant 0 : i32
    %dma_start3A_907 = arith.constant 0 : i32
    %dma_start3A_908 = arith.constant 0 : i32
    %dma_start3A_909 = arith.constant 0 : i32
    %dma_start3A_910 = arith.constant 0 : i32
    %dma_start3A_911 = tpu.memref_slice %arg4[%dma_start3A_905, %dma_start3A_909, %dma_start3A_910] : memref<2x32x1024xf32, #tpu.memory_space<vmem>> -> memref<1x32x1024xf32, #tpu.memory_space<vmem>>
    %dma_start3A_912 = tpu.memref_squeeze %dma_start3A_911 : memref<1x32x1024xf32, #tpu.memory_space<vmem>> -> memref<32x1024xf32, #tpu.memory_space<vmem>>
    %dma_start3A_913 = arith.constant 0 : i32
    %dma_start3A_914 = tpu.memref_slice %arg3[%dma_start3A_906, %add3A_904, %dma_start3A_913] : memref<4x8192x1024xf32, #tpu.memory_space<hbm>> -> memref<1x32x1024xf32, #tpu.memory_space<hbm>>
    %dma_start3A_915 = tpu.memref_squeeze %dma_start3A_914 : memref<1x32x1024xf32, #tpu.memory_space<hbm>> -> memref<32x1024xf32, #tpu.memory_space<hbm>>
    %dma_start3A_916 = tpu.memref_slice %arg6[%dma_start3A_907, %dma_start3A_908] : memref<2x4x!tpu.dma_semaphore, #tpu.memory_space<semaphore_mem>> -> memref<1x1x!tpu.dma_semaphore, #tpu.memory_space<semaphore_mem>>
    %dma_start3A_917 = tpu.memref_squeeze %dma_start3A_916 : memref<1x1x!tpu.dma_semaphore, #tpu.memory_space<semaphore_mem>> -> memref<!tpu.dma_semaphore, #tpu.memory_space<semaphore_mem>>
    %dma_start3A_918 = arith.constant 0 : i32
    %dma_start3A_919 = tpu.memref_slice %arg3[%dma_start3A_906, %add3A_904, %dma_start3A_918] : memref<4x8192x1024xf32, #tpu.memory_space<hbm>> -> memref<1x32x1024xf32, #tpu.memory_space<hbm>>
    %dma_start3A_920 = tpu.memref_squeeze %dma_start3A_919 : memref<1x32x1024xf32, #tpu.memory_space<hbm>> -> memref<32x1024xf32, #tpu.memory_space<hbm>>
    %dma_start3A_921 = arith.constant 0 : i32
    %dma_start3A_922 = arith.constant 0 : i32
    %dma_start3A_923 = tpu.memref_slice %arg4[%dma_start3A_905, %dma_start3A_921, %dma_start3A_922] : memref<2x32x1024xf32, #tpu.memory_space<vmem>> -> memref<1x32x1024xf32, #tpu.memory_space<vmem>>
    %dma_start3A_924 = tpu.memref_squeeze %dma_start3A_923 : memref<1x32x1024xf32, #tpu.memory_space<vmem>> -> memref<32x1024xf32, #tpu.memory_space<vmem>>
    tpu.enqueue_dma source(%dma_start3A_924 : memref<32x1024xf32, #tpu.memory_space<vmem>>) target(%dma_start3A_920 : memref<32x1024xf32, #tpu.memory_space<hbm>>) target_semaphore(%dma_start3A_917 : memref<!tpu.dma_semaphore, #tpu.memory_space<semaphore_mem>>)
    %add3A_925 = arith.constant 128 : i32
    %add3A_926 = arith.addi %mul3A_2, %add3A_925 : i32
    %dma_start3A_927 = arith.constant 0 : i32
    %dma_start3A_928 = arith.constant 1 : i32
    %dma_start3A_929 = arith.constant 0 : i32
    %dma_start3A_930 = arith.constant 1 : i32
    %dma_start3A_931 = arith.constant 0 : i32
    %dma_start3A_932 = arith.constant 0 : i32
    %dma_start3A_933 = tpu.memref_slice %arg4[%dma_start3A_927, %dma_start3A_931, %dma_start3A_932] : memref<2x32x1024xf32, #tpu.memory_space<vmem>> -> memref<1x32x1024xf32, #tpu.memory_space<vmem>>
    %dma_start3A_934 = tpu.memref_squeeze %dma_start3A_933 : memref<1x32x1024xf32, #tpu.memory_space<vmem>> -> memref<32x1024xf32, #tpu.memory_space<vmem>>
    %dma_start3A_935 = arith.constant 0 : i32
    %dma_start3A_936 = tpu.memref_slice %arg3[%dma_start3A_928, %add3A_926, %dma_start3A_935] : memref<4x8192x1024xf32, #tpu.memory_space<hbm>> -> memref<1x32x1024xf32, #tpu.memory_space<hbm>>
    %dma_start3A_937 = tpu.memref_squeeze %dma_start3A_936 : memref<1x32x1024xf32, #tpu.memory_space<hbm>> -> memref<32x1024xf32, #tpu.memory_space<hbm>>
    %dma_start3A_938 = tpu.memref_slice %arg6[%dma_start3A_929, %dma_start3A_930] : memref<2x4x!tpu.dma_semaphore, #tpu.memory_space<semaphore_mem>> -> memref<1x1x!tpu.dma_semaphore, #tpu.memory_space<semaphore_mem>>
    %dma_start3A_939 = tpu.memref_squeeze %dma_start3A_938 : memref<1x1x!tpu.dma_semaphore, #tpu.memory_space<semaphore_mem>> -> memref<!tpu.dma_semaphore, #tpu.memory_space<semaphore_mem>>
    %dma_start3A_940 = arith.constant 0 : i32
    %dma_start3A_941 = tpu.memref_slice %arg3[%dma_start3A_928, %add3A_926, %dma_start3A_940] : memref<4x8192x1024xf32, #tpu.memory_space<hbm>> -> memref<1x32x1024xf32, #tpu.memory_space<hbm>>
    %dma_start3A_942 = tpu.memref_squeeze %dma_start3A_941 : memref<1x32x1024xf32, #tpu.memory_space<hbm>> -> memref<32x1024xf32, #tpu.memory_space<hbm>>
    %dma_start3A_943 = arith.constant 0 : i32
    %dma_start3A_944 = arith.constant 0 : i32
    %dma_start3A_945 = tpu.memref_slice %arg4[%dma_start3A_927, %dma_start3A_943, %dma_start3A_944] : memref<2x32x1024xf32, #tpu.memory_space<vmem>> -> memref<1x32x1024xf32, #tpu.memory_space<vmem>>
    %dma_start3A_946 = tpu.memref_squeeze %dma_start3A_945 : memref<1x32x1024xf32, #tpu.memory_space<vmem>> -> memref<32x1024xf32, #tpu.memory_space<vmem>>
    tpu.enqueue_dma source(%dma_start3A_946 : memref<32x1024xf32, #tpu.memory_space<vmem>>) target(%dma_start3A_942 : memref<32x1024xf32, #tpu.memory_space<hbm>>) target_semaphore(%dma_start3A_939 : memref<!tpu.dma_semaphore, #tpu.memory_space<semaphore_mem>>)
    %add3A_947 = arith.constant 128 : i32
    %add3A_948 = arith.addi %mul3A_2, %add3A_947 : i32
    %dma_start3A_949 = arith.constant 0 : i32
    %dma_start3A_950 = arith.constant 2 : i32
    %dma_start3A_951 = arith.constant 0 : i32
    %dma_start3A_952 = arith.constant 2 : i32
    %dma_start3A_953 = arith.constant 0 : i32
    %dma_start3A_954 = arith.constant 0 : i32
    %dma_start3A_955 = tpu.memref_slice %arg4[%dma_start3A_949, %dma_start3A_953, %dma_start3A_954] : memref<2x32x1024xf32, #tpu.memory_space<vmem>> -> memref<1x32x1024xf32, #tpu.memory_space<vmem>>
    %dma_start3A_956 = tpu.memref_squeeze %dma_start3A_955 : memref<1x32x1024xf32, #tpu.memory_space<vmem>> -> memref<32x1024xf32, #tpu.memory_space<vmem>>
    %dma_start3A_957 = arith.constant 0 : i32
    %dma_start3A_958 = tpu.memref_slice %arg3[%dma_start3A_950, %add3A_948, %dma_start3A_957] : memref<4x8192x1024xf32, #tpu.memory_space<hbm>> -> memref<1x32x1024xf32, #tpu.memory_space<hbm>>
    %dma_start3A_959 = tpu.memref_squeeze %dma_start3A_958 : memref<1x32x1024xf32, #tpu.memory_space<hbm>> -> memref<32x1024xf32, #tpu.memory_space<hbm>>
    %dma_start3A_960 = tpu.memref_slice %arg6[%dma_start3A_951, %dma_start3A_952] : memref<2x4x!tpu.dma_semaphore, #tpu.memory_space<semaphore_mem>> -> memref<1x1x!tpu.dma_semaphore, #tpu.memory_space<semaphore_mem>>
    %dma_start3A_961 = tpu.memref_squeeze %dma_start3A_960 : memref<1x1x!tpu.dma_semaphore, #tpu.memory_space<semaphore_mem>> -> memref<!tpu.dma_semaphore, #tpu.memory_space<semaphore_mem>>
    %dma_start3A_962 = arith.constant 0 : i32
    %dma_start3A_963 = tpu.memref_slice %arg3[%dma_start3A_950, %add3A_948, %dma_start3A_962] : memref<4x8192x1024xf32, #tpu.memory_space<hbm>> -> memref<1x32x1024xf32, #tpu.memory_space<hbm>>
    %dma_start3A_964 = tpu.memref_squeeze %dma_start3A_963 : memref<1x32x1024xf32, #tpu.memory_space<hbm>> -> memref<32x1024xf32, #tpu.memory_space<hbm>>
    %dma_start3A_965 = arith.constant 0 : i32
    %dma_start3A_966 = arith.constant 0 : i32
    %dma_start3A_967 = tpu.memref_slice %arg4[%dma_start3A_949, %dma_start3A_965, %dma_start3A_966] : memref<2x32x1024xf32, #tpu.memory_space<vmem>> -> memref<1x32x1024xf32, #tpu.memory_space<vmem>>
    %dma_start3A_968 = tpu.memref_squeeze %dma_start3A_967 : memref<1x32x1024xf32, #tpu.memory_space<vmem>> -> memref<32x1024xf32, #tpu.memory_space<vmem>>
    tpu.enqueue_dma source(%dma_start3A_968 : memref<32x1024xf32, #tpu.memory_space<vmem>>) target(%dma_start3A_964 : memref<32x1024xf32, #tpu.memory_space<hbm>>) target_semaphore(%dma_start3A_961 : memref<!tpu.dma_semaphore, #tpu.memory_space<semaphore_mem>>)
    %add3A_969 = arith.constant 128 : i32
    %add3A_970 = arith.addi %mul3A_2, %add3A_969 : i32
    %dma_start3A_971 = arith.constant 0 : i32
    %dma_start3A_972 = arith.constant 3 : i32
    %dma_start3A_973 = arith.constant 0 : i32
    %dma_start3A_974 = arith.constant 3 : i32
    %dma_start3A_975 = arith.constant 0 : i32
    %dma_start3A_976 = arith.constant 0 : i32
    %dma_start3A_977 = tpu.memref_slice %arg4[%dma_start3A_971, %dma_start3A_975, %dma_start3A_976] : memref<2x32x1024xf32, #tpu.memory_space<vmem>> -> memref<1x32x1024xf32, #tpu.memory_space<vmem>>
    %dma_start3A_978 = tpu.memref_squeeze %dma_start3A_977 : memref<1x32x1024xf32, #tpu.memory_space<vmem>> -> memref<32x1024xf32, #tpu.memory_space<vmem>>
    %dma_start3A_979 = arith.constant 0 : i32
    %dma_start3A_980 = tpu.memref_slice %arg3[%dma_start3A_972, %add3A_970, %dma_start3A_979] : memref<4x8192x1024xf32, #tpu.memory_space<hbm>> -> memref<1x32x1024xf32, #tpu.memory_space<hbm>>
    %dma_start3A_981 = tpu.memref_squeeze %dma_start3A_980 : memref<1x32x1024xf32, #tpu.memory_space<hbm>> -> memref<32x1024xf32, #tpu.memory_space<hbm>>
    %dma_start3A_982 = tpu.memref_slice %arg6[%dma_start3A_973, %dma_start3A_974] : memref<2x4x!tpu.dma_semaphore, #tpu.memory_space<semaphore_mem>> -> memref<1x1x!tpu.dma_semaphore, #tpu.memory_space<semaphore_mem>>
    %dma_start3A_983 = tpu.memref_squeeze %dma_start3A_982 : memref<1x1x!tpu.dma_semaphore, #tpu.memory_space<semaphore_mem>> -> memref<!tpu.dma_semaphore, #tpu.memory_space<semaphore_mem>>
    %dma_start3A_984 = arith.constant 0 : i32
    %dma_start3A_985 = tpu.memref_slice %arg3[%dma_start3A_972, %add3A_970, %dma_start3A_984] : memref<4x8192x1024xf32, #tpu.memory_space<hbm>> -> memref<1x32x1024xf32, #tpu.memory_space<hbm>>
    %dma_start3A_986 = tpu.memref_squeeze %dma_start3A_985 : memref<1x32x1024xf32, #tpu.memory_space<hbm>> -> memref<32x1024xf32, #tpu.memory_space<hbm>>
    %dma_start3A_987 = arith.constant 0 : i32
    %dma_start3A_988 = arith.constant 0 : i32
    %dma_start3A_989 = tpu.memref_slice %arg4[%dma_start3A_971, %dma_start3A_987, %dma_start3A_988] : memref<2x32x1024xf32, #tpu.memory_space<vmem>> -> memref<1x32x1024xf32, #tpu.memory_space<vmem>>
    %dma_start3A_990 = tpu.memref_squeeze %dma_start3A_989 : memref<1x32x1024xf32, #tpu.memory_space<vmem>> -> memref<32x1024xf32, #tpu.memory_space<vmem>>
    tpu.enqueue_dma source(%dma_start3A_990 : memref<32x1024xf32, #tpu.memory_space<vmem>>) target(%dma_start3A_986 : memref<32x1024xf32, #tpu.memory_space<hbm>>) target_semaphore(%dma_start3A_983 : memref<!tpu.dma_semaphore, #tpu.memory_space<semaphore_mem>>)
    %add3A_991 = arith.constant 128 : i32
    %add3A_992 = arith.addi %mul3A_2, %add3A_991 : i32
    %dma_wait3A_993 = arith.constant 0 : i32
    %dma_wait3A_994 = arith.constant 0 : i32
    %dma_wait3A_995 = arith.constant 0 : i32
    %dma_wait3A_996 = arith.constant 0 : i32
    %dma_wait3A_997 = arith.constant 0 : i32
    %dma_wait3A_998 = arith.constant 0 : i32
    %dma_wait3A_999 = tpu.memref_slice %arg4[%dma_wait3A_993, %dma_wait3A_997, %dma_wait3A_998] : memref<2x32x1024xf32, #tpu.memory_space<vmem>> -> memref<1x32x1024xf32, #tpu.memory_space<vmem>>
    %dma_wait3A_1000 = tpu.memref_squeeze %dma_wait3A_999 : memref<1x32x1024xf32, #tpu.memory_space<vmem>> -> memref<32x1024xf32, #tpu.memory_space<vmem>>
    %dma_wait3A_1001 = arith.constant 0 : i32
    %dma_wait3A_1002 = tpu.memref_slice %arg3[%dma_wait3A_994, %add3A_992, %dma_wait3A_1001] : memref<4x8192x1024xf32, #tpu.memory_space<hbm>> -> memref<1x32x1024xf32, #tpu.memory_space<hbm>>
    %dma_wait3A_1003 = tpu.memref_squeeze %dma_wait3A_1002 : memref<1x32x1024xf32, #tpu.memory_space<hbm>> -> memref<32x1024xf32, #tpu.memory_space<hbm>>
    %dma_wait3A_1004 = tpu.memref_slice %arg6[%dma_wait3A_995, %dma_wait3A_996] : memref<2x4x!tpu.dma_semaphore, #tpu.memory_space<semaphore_mem>> -> memref<1x1x!tpu.dma_semaphore, #tpu.memory_space<semaphore_mem>>
    %dma_wait3A_1005 = tpu.memref_squeeze %dma_wait3A_1004 : memref<1x1x!tpu.dma_semaphore, #tpu.memory_space<semaphore_mem>> -> memref<!tpu.dma_semaphore, #tpu.memory_space<semaphore_mem>>
    %dma_wait3A_1006 = arith.constant 0 : i32
    %dma_wait3A_1007 = tpu.memref_slice %arg3[%dma_wait3A_994, %add3A_992, %dma_wait3A_1006] : memref<4x8192x1024xf32, #tpu.memory_space<hbm>> -> memref<1x32x1024xf32, #tpu.memory_space<hbm>>
    %dma_wait3A_1008 = tpu.memref_squeeze %dma_wait3A_1007 : memref<1x32x1024xf32, #tpu.memory_space<hbm>> -> memref<32x1024xf32, #tpu.memory_space<hbm>>
    %dma_wait3A_1009 = arith.constant 0 : i32
    %dma_wait3A_1010 = arith.constant 0 : i32
    %dma_wait3A_1011 = tpu.memref_slice %arg4[%dma_wait3A_993, %dma_wait3A_1009, %dma_wait3A_1010] : memref<2x32x1024xf32, #tpu.memory_space<vmem>> -> memref<1x32x1024xf32, #tpu.memory_space<vmem>>
    %dma_wait3A_1012 = tpu.memref_squeeze %dma_wait3A_1011 : memref<1x32x1024xf32, #tpu.memory_space<vmem>> -> memref<32x1024xf32, #tpu.memory_space<vmem>>
    tpu.wait_dma2 semaphore(%dma_wait3A_1005 : memref<!tpu.dma_semaphore, #tpu.memory_space<semaphore_mem>>) src(%dma_wait3A_1012 : memref<32x1024xf32, #tpu.memory_space<vmem>>) dst(%dma_wait3A_1008 : memref<32x1024xf32, #tpu.memory_space<hbm>>)
    %add3A_1013 = arith.constant 128 : i32
    %add3A_1014 = arith.addi %mul3A_2, %add3A_1013 : i32
    %dma_wait3A_1015 = arith.constant 0 : i32
    %dma_wait3A_1016 = arith.constant 1 : i32
    %dma_wait3A_1017 = arith.constant 0 : i32
    %dma_wait3A_1018 = arith.constant 1 : i32
    %dma_wait3A_1019 = arith.constant 0 : i32
    %dma_wait3A_1020 = arith.constant 0 : i32
    %dma_wait3A_1021 = tpu.memref_slice %arg4[%dma_wait3A_1015, %dma_wait3A_1019, %dma_wait3A_1020] : memref<2x32x1024xf32, #tpu.memory_space<vmem>> -> memref<1x32x1024xf32, #tpu.memory_space<vmem>>
    %dma_wait3A_1022 = tpu.memref_squeeze %dma_wait3A_1021 : memref<1x32x1024xf32, #tpu.memory_space<vmem>> -> memref<32x1024xf32, #tpu.memory_space<vmem>>
    %dma_wait3A_1023 = arith.constant 0 : i32
    %dma_wait3A_1024 = tpu.memref_slice %arg3[%dma_wait3A_1016, %add3A_1014, %dma_wait3A_1023] : memref<4x8192x1024xf32, #tpu.memory_space<hbm>> -> memref<1x32x1024xf32, #tpu.memory_space<hbm>>
    %dma_wait3A_1025 = tpu.memref_squeeze %dma_wait3A_1024 : memref<1x32x1024xf32, #tpu.memory_space<hbm>> -> memref<32x1024xf32, #tpu.memory_space<hbm>>
    %dma_wait3A_1026 = tpu.memref_slice %arg6[%dma_wait3A_1017, %dma_wait3A_1018] : memref<2x4x!tpu.dma_semaphore, #tpu.memory_space<semaphore_mem>> -> memref<1x1x!tpu.dma_semaphore, #tpu.memory_space<semaphore_mem>>
    %dma_wait3A_1027 = tpu.memref_squeeze %dma_wait3A_1026 : memref<1x1x!tpu.dma_semaphore, #tpu.memory_space<semaphore_mem>> -> memref<!tpu.dma_semaphore, #tpu.memory_space<semaphore_mem>>
    %dma_wait3A_1028 = arith.constant 0 : i32
    %dma_wait3A_1029 = tpu.memref_slice %arg3[%dma_wait3A_1016, %add3A_1014, %dma_wait3A_1028] : memref<4x8192x1024xf32, #tpu.memory_space<hbm>> -> memref<1x32x1024xf32, #tpu.memory_space<hbm>>
    %dma_wait3A_1030 = tpu.memref_squeeze %dma_wait3A_1029 : memref<1x32x1024xf32, #tpu.memory_space<hbm>> -> memref<32x1024xf32, #tpu.memory_space<hbm>>
    %dma_wait3A_1031 = arith.constant 0 : i32
    %dma_wait3A_1032 = arith.constant 0 : i32
    %dma_wait3A_1033 = tpu.memref_slice %arg4[%dma_wait3A_1015, %dma_wait3A_1031, %dma_wait3A_1032] : memref<2x32x1024xf32, #tpu.memory_space<vmem>> -> memref<1x32x1024xf32, #tpu.memory_space<vmem>>
    %dma_wait3A_1034 = tpu.memref_squeeze %dma_wait3A_1033 : memref<1x32x1024xf32, #tpu.memory_space<vmem>> -> memref<32x1024xf32, #tpu.memory_space<vmem>>
    tpu.wait_dma2 semaphore(%dma_wait3A_1027 : memref<!tpu.dma_semaphore, #tpu.memory_space<semaphore_mem>>) src(%dma_wait3A_1034 : memref<32x1024xf32, #tpu.memory_space<vmem>>) dst(%dma_wait3A_1030 : memref<32x1024xf32, #tpu.memory_space<hbm>>)
    %add3A_1035 = arith.constant 128 : i32
    %add3A_1036 = arith.addi %mul3A_2, %add3A_1035 : i32
    %dma_wait3A_1037 = arith.constant 0 : i32
    %dma_wait3A_1038 = arith.constant 2 : i32
    %dma_wait3A_1039 = arith.constant 0 : i32
    %dma_wait3A_1040 = arith.constant 2 : i32
    %dma_wait3A_1041 = arith.constant 0 : i32
    %dma_wait3A_1042 = arith.constant 0 : i32
    %dma_wait3A_1043 = tpu.memref_slice %arg4[%dma_wait3A_1037, %dma_wait3A_1041, %dma_wait3A_1042] : memref<2x32x1024xf32, #tpu.memory_space<vmem>> -> memref<1x32x1024xf32, #tpu.memory_space<vmem>>
    %dma_wait3A_1044 = tpu.memref_squeeze %dma_wait3A_1043 : memref<1x32x1024xf32, #tpu.memory_space<vmem>> -> memref<32x1024xf32, #tpu.memory_space<vmem>>
    %dma_wait3A_1045 = arith.constant 0 : i32
    %dma_wait3A_1046 = tpu.memref_slice %arg3[%dma_wait3A_1038, %add3A_1036, %dma_wait3A_1045] : memref<4x8192x1024xf32, #tpu.memory_space<hbm>> -> memref<1x32x1024xf32, #tpu.memory_space<hbm>>
    %dma_wait3A_1047 = tpu.memref_squeeze %dma_wait3A_1046 : memref<1x32x1024xf32, #tpu.memory_space<hbm>> -> memref<32x1024xf32, #tpu.memory_space<hbm>>
    %dma_wait3A_1048 = tpu.memref_slice %arg6[%dma_wait3A_1039, %dma_wait3A_1040] : memref<2x4x!tpu.dma_semaphore, #tpu.memory_space<semaphore_mem>> -> memref<1x1x!tpu.dma_semaphore, #tpu.memory_space<semaphore_mem>>
    %dma_wait3A_1049 = tpu.memref_squeeze %dma_wait3A_1048 : memref<1x1x!tpu.dma_semaphore, #tpu.memory_space<semaphore_mem>> -> memref<!tpu.dma_semaphore, #tpu.memory_space<semaphore_mem>>
    %dma_wait3A_1050 = arith.constant 0 : i32
    %dma_wait3A_1051 = tpu.memref_slice %arg3[%dma_wait3A_1038, %add3A_1036, %dma_wait3A_1050] : memref<4x8192x1024xf32, #tpu.memory_space<hbm>> -> memref<1x32x1024xf32, #tpu.memory_space<hbm>>
    %dma_wait3A_1052 = tpu.memref_squeeze %dma_wait3A_1051 : memref<1x32x1024xf32, #tpu.memory_space<hbm>> -> memref<32x1024xf32, #tpu.memory_space<hbm>>
    %dma_wait3A_1053 = arith.constant 0 : i32
    %dma_wait3A_1054 = arith.constant 0 : i32
    %dma_wait3A_1055 = tpu.memref_slice %arg4[%dma_wait3A_1037, %dma_wait3A_1053, %dma_wait3A_1054] : memref<2x32x1024xf32, #tpu.memory_space<vmem>> -> memref<1x32x1024xf32, #tpu.memory_space<vmem>>
    %dma_wait3A_1056 = tpu.memref_squeeze %dma_wait3A_1055 : memref<1x32x1024xf32, #tpu.memory_space<vmem>> -> memref<32x1024xf32, #tpu.memory_space<vmem>>
    tpu.wait_dma2 semaphore(%dma_wait3A_1049 : memref<!tpu.dma_semaphore, #tpu.memory_space<semaphore_mem>>) src(%dma_wait3A_1056 : memref<32x1024xf32, #tpu.memory_space<vmem>>) dst(%dma_wait3A_1052 : memref<32x1024xf32, #tpu.memory_space<hbm>>)
    %add3A_1057 = arith.constant 128 : i32
    %add3A_1058 = arith.addi %mul3A_2, %add3A_1057 : i32
    %dma_wait3A_1059 = arith.constant 0 : i32
    %dma_wait3A_1060 = arith.constant 3 : i32
    %dma_wait3A_1061 = arith.constant 0 : i32
    %dma_wait3A_1062 = arith.constant 3 : i32
    %dma_wait3A_1063 = arith.constant 0 : i32
    %dma_wait3A_1064 = arith.constant 0 : i32
    %dma_wait3A_1065 = tpu.memref_slice %arg4[%dma_wait3A_1059, %dma_wait3A_1063, %dma_wait3A_1064] : memref<2x32x1024xf32, #tpu.memory_space<vmem>> -> memref<1x32x1024xf32, #tpu.memory_space<vmem>>
    %dma_wait3A_1066 = tpu.memref_squeeze %dma_wait3A_1065 : memref<1x32x1024xf32, #tpu.memory_space<vmem>> -> memref<32x1024xf32, #tpu.memory_space<vmem>>
    %dma_wait3A_1067 = arith.constant 0 : i32
    %dma_wait3A_1068 = tpu.memref_slice %arg3[%dma_wait3A_1060, %add3A_1058, %dma_wait3A_1067] : memref<4x8192x1024xf32, #tpu.memory_space<hbm>> -> memref<1x32x1024xf32, #tpu.memory_space<hbm>>
    %dma_wait3A_1069 = tpu.memref_squeeze %dma_wait3A_1068 : memref<1x32x1024xf32, #tpu.memory_space<hbm>> -> memref<32x1024xf32, #tpu.memory_space<hbm>>
    %dma_wait3A_1070 = tpu.memref_slice %arg6[%dma_wait3A_1061, %dma_wait3A_1062] : memref<2x4x!tpu.dma_semaphore, #tpu.memory_space<semaphore_mem>> -> memref<1x1x!tpu.dma_semaphore, #tpu.memory_space<semaphore_mem>>
    %dma_wait3A_1071 = tpu.memref_squeeze %dma_wait3A_1070 : memref<1x1x!tpu.dma_semaphore, #tpu.memory_space<semaphore_mem>> -> memref<!tpu.dma_semaphore, #tpu.memory_space<semaphore_mem>>
    %dma_wait3A_1072 = arith.constant 0 : i32
    %dma_wait3A_1073 = tpu.memref_slice %arg3[%dma_wait3A_1060, %add3A_1058, %dma_wait3A_1072] : memref<4x8192x1024xf32, #tpu.memory_space<hbm>> -> memref<1x32x1024xf32, #tpu.memory_space<hbm>>
    %dma_wait3A_1074 = tpu.memref_squeeze %dma_wait3A_1073 : memref<1x32x1024xf32, #tpu.memory_space<hbm>> -> memref<32x1024xf32, #tpu.memory_space<hbm>>
    %dma_wait3A_1075 = arith.constant 0 : i32
    %dma_wait3A_1076 = arith.constant 0 : i32
    %dma_wait3A_1077 = tpu.memref_slice %arg4[%dma_wait3A_1059, %dma_wait3A_1075, %dma_wait3A_1076] : memref<2x32x1024xf32, #tpu.memory_space<vmem>> -> memref<1x32x1024xf32, #tpu.memory_space<vmem>>
    %dma_wait3A_1078 = tpu.memref_squeeze %dma_wait3A_1077 : memref<1x32x1024xf32, #tpu.memory_space<vmem>> -> memref<32x1024xf32, #tpu.memory_space<vmem>>
    tpu.wait_dma2 semaphore(%dma_wait3A_1071 : memref<!tpu.dma_semaphore, #tpu.memory_space<semaphore_mem>>) src(%dma_wait3A_1078 : memref<32x1024xf32, #tpu.memory_space<vmem>>) dst(%dma_wait3A_1074 : memref<32x1024xf32, #tpu.memory_space<hbm>>)
    %add3A_1079 = arith.constant 192 : i32
    %add3A_1080 = arith.addi %mul3A_2, %add3A_1079 : i32
    %dma_start3A_1081 = arith.constant 0 : i32
    %dma_start3A_1082 = arith.constant 0 : i32
    %dma_start3A_1083 = arith.constant 0 : i32
    %dma_start3A_1084 = arith.constant 0 : i32
    %dma_start3A_1085 = tpu.memref_slice %arg4[%dma_start3A_1081, %dma_start3A_1083, %dma_start3A_1084] : memref<2x32x1024xf32, #tpu.memory_space<vmem>> -> memref<1x32x1024xf32, #tpu.memory_space<vmem>>
    %dma_start3A_1086 = tpu.memref_squeeze %dma_start3A_1085 : memref<1x32x1024xf32, #tpu.memory_space<vmem>> -> memref<32x1024xf32, #tpu.memory_space<vmem>>
    %dma_start3A_1087 = arith.constant 0 : i32
    %dma_start3A_1088 = tpu.memref_slice %arg2[%add3A_1080, %dma_start3A_1087] : memref<8192x1024xf32, #tpu.memory_space<hbm>> -> memref<32x1024xf32, #tpu.memory_space<hbm>>
    %dma_start3A_1089 = tpu.memref_slice %arg5[%dma_start3A_1082] : memref<2x!tpu.dma_semaphore, #tpu.memory_space<semaphore_mem>> -> memref<1x!tpu.dma_semaphore, #tpu.memory_space<semaphore_mem>>
    %dma_start3A_1090 = tpu.memref_squeeze %dma_start3A_1089 : memref<1x!tpu.dma_semaphore, #tpu.memory_space<semaphore_mem>> -> memref<!tpu.dma_semaphore, #tpu.memory_space<semaphore_mem>>
    %dma_start3A_1091 = arith.constant 0 : i32
    %dma_start3A_1092 = arith.constant 0 : i32
    %dma_start3A_1093 = tpu.memref_slice %arg4[%dma_start3A_1081, %dma_start3A_1091, %dma_start3A_1092] : memref<2x32x1024xf32, #tpu.memory_space<vmem>> -> memref<1x32x1024xf32, #tpu.memory_space<vmem>>
    %dma_start3A_1094 = tpu.memref_squeeze %dma_start3A_1093 : memref<1x32x1024xf32, #tpu.memory_space<vmem>> -> memref<32x1024xf32, #tpu.memory_space<vmem>>
    %dma_start3A_1095 = arith.constant 0 : i32
    %dma_start3A_1096 = tpu.memref_slice %arg2[%add3A_1080, %dma_start3A_1095] : memref<8192x1024xf32, #tpu.memory_space<hbm>> -> memref<32x1024xf32, #tpu.memory_space<hbm>>
    tpu.enqueue_dma source(%dma_start3A_1096 : memref<32x1024xf32, #tpu.memory_space<hbm>>) target(%dma_start3A_1094 : memref<32x1024xf32, #tpu.memory_space<vmem>>) target_semaphore(%dma_start3A_1090 : memref<!tpu.dma_semaphore, #tpu.memory_space<semaphore_mem>>)
    %add3A_1097 = arith.constant 160 : i32
    %add3A_1098 = arith.addi %mul3A_2, %add3A_1097 : i32
    %dma_wait3A_1099 = arith.constant 1 : i32
    %dma_wait3A_1100 = arith.constant 1 : i32
    %dma_wait3A_1101 = arith.constant 0 : i32
    %dma_wait3A_1102 = arith.constant 0 : i32
    %dma_wait3A_1103 = tpu.memref_slice %arg4[%dma_wait3A_1099, %dma_wait3A_1101, %dma_wait3A_1102] : memref<2x32x1024xf32, #tpu.memory_space<vmem>> -> memref<1x32x1024xf32, #tpu.memory_space<vmem>>
    %dma_wait3A_1104 = tpu.memref_squeeze %dma_wait3A_1103 : memref<1x32x1024xf32, #tpu.memory_space<vmem>> -> memref<32x1024xf32, #tpu.memory_space<vmem>>
    %dma_wait3A_1105 = arith.constant 0 : i32
    %dma_wait3A_1106 = tpu.memref_slice %arg2[%add3A_1098, %dma_wait3A_1105] : memref<8192x1024xf32, #tpu.memory_space<hbm>> -> memref<32x1024xf32, #tpu.memory_space<hbm>>
    %dma_wait3A_1107 = tpu.memref_slice %arg5[%dma_wait3A_1100] : memref<2x!tpu.dma_semaphore, #tpu.memory_space<semaphore_mem>> -> memref<1x!tpu.dma_semaphore, #tpu.memory_space<semaphore_mem>>
    %dma_wait3A_1108 = tpu.memref_squeeze %dma_wait3A_1107 : memref<1x!tpu.dma_semaphore, #tpu.memory_space<semaphore_mem>> -> memref<!tpu.dma_semaphore, #tpu.memory_space<semaphore_mem>>
    %dma_wait3A_1109 = arith.constant 0 : i32
    %dma_wait3A_1110 = arith.constant 0 : i32
    %dma_wait3A_1111 = tpu.memref_slice %arg4[%dma_wait3A_1099, %dma_wait3A_1109, %dma_wait3A_1110] : memref<2x32x1024xf32, #tpu.memory_space<vmem>> -> memref<1x32x1024xf32, #tpu.memory_space<vmem>>
    %dma_wait3A_1112 = tpu.memref_squeeze %dma_wait3A_1111 : memref<1x32x1024xf32, #tpu.memory_space<vmem>> -> memref<32x1024xf32, #tpu.memory_space<vmem>>
    %dma_wait3A_1113 = arith.constant 0 : i32
    %dma_wait3A_1114 = tpu.memref_slice %arg2[%add3A_1098, %dma_wait3A_1113] : memref<8192x1024xf32, #tpu.memory_space<hbm>> -> memref<32x1024xf32, #tpu.memory_space<hbm>>
    tpu.wait_dma2 semaphore(%dma_wait3A_1108 : memref<!tpu.dma_semaphore, #tpu.memory_space<semaphore_mem>>) src(%dma_wait3A_1114 : memref<32x1024xf32, #tpu.memory_space<hbm>>) dst(%dma_wait3A_1112 : memref<32x1024xf32, #tpu.memory_space<vmem>>)
    %add3A_1115 = arith.constant 160 : i32
    %add3A_1116 = arith.addi %mul3A_2, %add3A_1115 : i32
    %dma_start3A_1117 = arith.constant 1 : i32
    %dma_start3A_1118 = arith.constant 0 : i32
    %dma_start3A_1119 = arith.constant 1 : i32
    %dma_start3A_1120 = arith.constant 0 : i32
    %dma_start3A_1121 = arith.constant 0 : i32
    %dma_start3A_1122 = arith.constant 0 : i32
    %dma_start3A_1123 = tpu.memref_slice %arg4[%dma_start3A_1117, %dma_start3A_1121, %dma_start3A_1122] : memref<2x32x1024xf32, #tpu.memory_space<vmem>> -> memref<1x32x1024xf32, #tpu.memory_space<vmem>>
    %dma_start3A_1124 = tpu.memref_squeeze %dma_start3A_1123 : memref<1x32x1024xf32, #tpu.memory_space<vmem>> -> memref<32x1024xf32, #tpu.memory_space<vmem>>
    %dma_start3A_1125 = arith.constant 0 : i32
    %dma_start3A_1126 = tpu.memref_slice %arg3[%dma_start3A_1118, %add3A_1116, %dma_start3A_1125] : memref<4x8192x1024xf32, #tpu.memory_space<hbm>> -> memref<1x32x1024xf32, #tpu.memory_space<hbm>>
    %dma_start3A_1127 = tpu.memref_squeeze %dma_start3A_1126 : memref<1x32x1024xf32, #tpu.memory_space<hbm>> -> memref<32x1024xf32, #tpu.memory_space<hbm>>
    %dma_start3A_1128 = tpu.memref_slice %arg6[%dma_start3A_1119, %dma_start3A_1120] : memref<2x4x!tpu.dma_semaphore, #tpu.memory_space<semaphore_mem>> -> memref<1x1x!tpu.dma_semaphore, #tpu.memory_space<semaphore_mem>>
    %dma_start3A_1129 = tpu.memref_squeeze %dma_start3A_1128 : memref<1x1x!tpu.dma_semaphore, #tpu.memory_space<semaphore_mem>> -> memref<!tpu.dma_semaphore, #tpu.memory_space<semaphore_mem>>
    %dma_start3A_1130 = arith.constant 0 : i32
    %dma_start3A_1131 = tpu.memref_slice %arg3[%dma_start3A_1118, %add3A_1116, %dma_start3A_1130] : memref<4x8192x1024xf32, #tpu.memory_space<hbm>> -> memref<1x32x1024xf32, #tpu.memory_space<hbm>>
    %dma_start3A_1132 = tpu.memref_squeeze %dma_start3A_1131 : memref<1x32x1024xf32, #tpu.memory_space<hbm>> -> memref<32x1024xf32, #tpu.memory_space<hbm>>
    %dma_start3A_1133 = arith.constant 0 : i32
    %dma_start3A_1134 = arith.constant 0 : i32
    %dma_start3A_1135 = tpu.memref_slice %arg4[%dma_start3A_1117, %dma_start3A_1133, %dma_start3A_1134] : memref<2x32x1024xf32, #tpu.memory_space<vmem>> -> memref<1x32x1024xf32, #tpu.memory_space<vmem>>
    %dma_start3A_1136 = tpu.memref_squeeze %dma_start3A_1135 : memref<1x32x1024xf32, #tpu.memory_space<vmem>> -> memref<32x1024xf32, #tpu.memory_space<vmem>>
    tpu.enqueue_dma source(%dma_start3A_1136 : memref<32x1024xf32, #tpu.memory_space<vmem>>) target(%dma_start3A_1132 : memref<32x1024xf32, #tpu.memory_space<hbm>>) target_semaphore(%dma_start3A_1129 : memref<!tpu.dma_semaphore, #tpu.memory_space<semaphore_mem>>)
    %add3A_1137 = arith.constant 160 : i32
    %add3A_1138 = arith.addi %mul3A_2, %add3A_1137 : i32
    %dma_start3A_1139 = arith.constant 1 : i32
    %dma_start3A_1140 = arith.constant 1 : i32
    %dma_start3A_1141 = arith.constant 1 : i32
    %dma_start3A_1142 = arith.constant 1 : i32
    %dma_start3A_1143 = arith.constant 0 : i32
    %dma_start3A_1144 = arith.constant 0 : i32
    %dma_start3A_1145 = tpu.memref_slice %arg4[%dma_start3A_1139, %dma_start3A_1143, %dma_start3A_1144] : memref<2x32x1024xf32, #tpu.memory_space<vmem>> -> memref<1x32x1024xf32, #tpu.memory_space<vmem>>
    %dma_start3A_1146 = tpu.memref_squeeze %dma_start3A_1145 : memref<1x32x1024xf32, #tpu.memory_space<vmem>> -> memref<32x1024xf32, #tpu.memory_space<vmem>>
    %dma_start3A_1147 = arith.constant 0 : i32
    %dma_start3A_1148 = tpu.memref_slice %arg3[%dma_start3A_1140, %add3A_1138, %dma_start3A_1147] : memref<4x8192x1024xf32, #tpu.memory_space<hbm>> -> memref<1x32x1024xf32, #tpu.memory_space<hbm>>
    %dma_start3A_1149 = tpu.memref_squeeze %dma_start3A_1148 : memref<1x32x1024xf32, #tpu.memory_space<hbm>> -> memref<32x1024xf32, #tpu.memory_space<hbm>>
    %dma_start3A_1150 = tpu.memref_slice %arg6[%dma_start3A_1141, %dma_start3A_1142] : memref<2x4x!tpu.dma_semaphore, #tpu.memory_space<semaphore_mem>> -> memref<1x1x!tpu.dma_semaphore, #tpu.memory_space<semaphore_mem>>
    %dma_start3A_1151 = tpu.memref_squeeze %dma_start3A_1150 : memref<1x1x!tpu.dma_semaphore, #tpu.memory_space<semaphore_mem>> -> memref<!tpu.dma_semaphore, #tpu.memory_space<semaphore_mem>>
    %dma_start3A_1152 = arith.constant 0 : i32
    %dma_start3A_1153 = tpu.memref_slice %arg3[%dma_start3A_1140, %add3A_1138, %dma_start3A_1152] : memref<4x8192x1024xf32, #tpu.memory_space<hbm>> -> memref<1x32x1024xf32, #tpu.memory_space<hbm>>
    %dma_start3A_1154 = tpu.memref_squeeze %dma_start3A_1153 : memref<1x32x1024xf32, #tpu.memory_space<hbm>> -> memref<32x1024xf32, #tpu.memory_space<hbm>>
    %dma_start3A_1155 = arith.constant 0 : i32
    %dma_start3A_1156 = arith.constant 0 : i32
    %dma_start3A_1157 = tpu.memref_slice %arg4[%dma_start3A_1139, %dma_start3A_1155, %dma_start3A_1156] : memref<2x32x1024xf32, #tpu.memory_space<vmem>> -> memref<1x32x1024xf32, #tpu.memory_space<vmem>>
    %dma_start3A_1158 = tpu.memref_squeeze %dma_start3A_1157 : memref<1x32x1024xf32, #tpu.memory_space<vmem>> -> memref<32x1024xf32, #tpu.memory_space<vmem>>
    tpu.enqueue_dma source(%dma_start3A_1158 : memref<32x1024xf32, #tpu.memory_space<vmem>>) target(%dma_start3A_1154 : memref<32x1024xf32, #tpu.memory_space<hbm>>) target_semaphore(%dma_start3A_1151 : memref<!tpu.dma_semaphore, #tpu.memory_space<semaphore_mem>>)
    %add3A_1159 = arith.constant 160 : i32
    %add3A_1160 = arith.addi %mul3A_2, %add3A_1159 : i32
    %dma_start3A_1161 = arith.constant 1 : i32
    %dma_start3A_1162 = arith.constant 2 : i32
    %dma_start3A_1163 = arith.constant 1 : i32
    %dma_start3A_1164 = arith.constant 2 : i32
    %dma_start3A_1165 = arith.constant 0 : i32
    %dma_start3A_1166 = arith.constant 0 : i32
    %dma_start3A_1167 = tpu.memref_slice %arg4[%dma_start3A_1161, %dma_start3A_1165, %dma_start3A_1166] : memref<2x32x1024xf32, #tpu.memory_space<vmem>> -> memref<1x32x1024xf32, #tpu.memory_space<vmem>>
    %dma_start3A_1168 = tpu.memref_squeeze %dma_start3A_1167 : memref<1x32x1024xf32, #tpu.memory_space<vmem>> -> memref<32x1024xf32, #tpu.memory_space<vmem>>
    %dma_start3A_1169 = arith.constant 0 : i32
    %dma_start3A_1170 = tpu.memref_slice %arg3[%dma_start3A_1162, %add3A_1160, %dma_start3A_1169] : memref<4x8192x1024xf32, #tpu.memory_space<hbm>> -> memref<1x32x1024xf32, #tpu.memory_space<hbm>>
    %dma_start3A_1171 = tpu.memref_squeeze %dma_start3A_1170 : memref<1x32x1024xf32, #tpu.memory_space<hbm>> -> memref<32x1024xf32, #tpu.memory_space<hbm>>
    %dma_start3A_1172 = tpu.memref_slice %arg6[%dma_start3A_1163, %dma_start3A_1164] : memref<2x4x!tpu.dma_semaphore, #tpu.memory_space<semaphore_mem>> -> memref<1x1x!tpu.dma_semaphore, #tpu.memory_space<semaphore_mem>>
    %dma_start3A_1173 = tpu.memref_squeeze %dma_start3A_1172 : memref<1x1x!tpu.dma_semaphore, #tpu.memory_space<semaphore_mem>> -> memref<!tpu.dma_semaphore, #tpu.memory_space<semaphore_mem>>
    %dma_start3A_1174 = arith.constant 0 : i32
    %dma_start3A_1175 = tpu.memref_slice %arg3[%dma_start3A_1162, %add3A_1160, %dma_start3A_1174] : memref<4x8192x1024xf32, #tpu.memory_space<hbm>> -> memref<1x32x1024xf32, #tpu.memory_space<hbm>>
    %dma_start3A_1176 = tpu.memref_squeeze %dma_start3A_1175 : memref<1x32x1024xf32, #tpu.memory_space<hbm>> -> memref<32x1024xf32, #tpu.memory_space<hbm>>
    %dma_start3A_1177 = arith.constant 0 : i32
    %dma_start3A_1178 = arith.constant 0 : i32
    %dma_start3A_1179 = tpu.memref_slice %arg4[%dma_start3A_1161, %dma_start3A_1177, %dma_start3A_1178] : memref<2x32x1024xf32, #tpu.memory_space<vmem>> -> memref<1x32x1024xf32, #tpu.memory_space<vmem>>
    %dma_start3A_1180 = tpu.memref_squeeze %dma_start3A_1179 : memref<1x32x1024xf32, #tpu.memory_space<vmem>> -> memref<32x1024xf32, #tpu.memory_space<vmem>>
    tpu.enqueue_dma source(%dma_start3A_1180 : memref<32x1024xf32, #tpu.memory_space<vmem>>) target(%dma_start3A_1176 : memref<32x1024xf32, #tpu.memory_space<hbm>>) target_semaphore(%dma_start3A_1173 : memref<!tpu.dma_semaphore, #tpu.memory_space<semaphore_mem>>)
    %add3A_1181 = arith.constant 160 : i32
    %add3A_1182 = arith.addi %mul3A_2, %add3A_1181 : i32
    %dma_start3A_1183 = arith.constant 1 : i32
    %dma_start3A_1184 = arith.constant 3 : i32
    %dma_start3A_1185 = arith.constant 1 : i32
    %dma_start3A_1186 = arith.constant 3 : i32
    %dma_start3A_1187 = arith.constant 0 : i32
    %dma_start3A_1188 = arith.constant 0 : i32
    %dma_start3A_1189 = tpu.memref_slice %arg4[%dma_start3A_1183, %dma_start3A_1187, %dma_start3A_1188] : memref<2x32x1024xf32, #tpu.memory_space<vmem>> -> memref<1x32x1024xf32, #tpu.memory_space<vmem>>
    %dma_start3A_1190 = tpu.memref_squeeze %dma_start3A_1189 : memref<1x32x1024xf32, #tpu.memory_space<vmem>> -> memref<32x1024xf32, #tpu.memory_space<vmem>>
    %dma_start3A_1191 = arith.constant 0 : i32
    %dma_start3A_1192 = tpu.memref_slice %arg3[%dma_start3A_1184, %add3A_1182, %dma_start3A_1191] : memref<4x8192x1024xf32, #tpu.memory_space<hbm>> -> memref<1x32x1024xf32, #tpu.memory_space<hbm>>
    %dma_start3A_1193 = tpu.memref_squeeze %dma_start3A_1192 : memref<1x32x1024xf32, #tpu.memory_space<hbm>> -> memref<32x1024xf32, #tpu.memory_space<hbm>>
    %dma_start3A_1194 = tpu.memref_slice %arg6[%dma_start3A_1185, %dma_start3A_1186] : memref<2x4x!tpu.dma_semaphore, #tpu.memory_space<semaphore_mem>> -> memref<1x1x!tpu.dma_semaphore, #tpu.memory_space<semaphore_mem>>
    %dma_start3A_1195 = tpu.memref_squeeze %dma_start3A_1194 : memref<1x1x!tpu.dma_semaphore, #tpu.memory_space<semaphore_mem>> -> memref<!tpu.dma_semaphore, #tpu.memory_space<semaphore_mem>>
    %dma_start3A_1196 = arith.constant 0 : i32
    %dma_start3A_1197 = tpu.memref_slice %arg3[%dma_start3A_1184, %add3A_1182, %dma_start3A_1196] : memref<4x8192x1024xf32, #tpu.memory_space<hbm>> -> memref<1x32x1024xf32, #tpu.memory_space<hbm>>
    %dma_start3A_1198 = tpu.memref_squeeze %dma_start3A_1197 : memref<1x32x1024xf32, #tpu.memory_space<hbm>> -> memref<32x1024xf32, #tpu.memory_space<hbm>>
    %dma_start3A_1199 = arith.constant 0 : i32
    %dma_start3A_1200 = arith.constant 0 : i32
    %dma_start3A_1201 = tpu.memref_slice %arg4[%dma_start3A_1183, %dma_start3A_1199, %dma_start3A_1200] : memref<2x32x1024xf32, #tpu.memory_space<vmem>> -> memref<1x32x1024xf32, #tpu.memory_space<vmem>>
    %dma_start3A_1202 = tpu.memref_squeeze %dma_start3A_1201 : memref<1x32x1024xf32, #tpu.memory_space<vmem>> -> memref<32x1024xf32, #tpu.memory_space<vmem>>
    tpu.enqueue_dma source(%dma_start3A_1202 : memref<32x1024xf32, #tpu.memory_space<vmem>>) target(%dma_start3A_1198 : memref<32x1024xf32, #tpu.memory_space<hbm>>) target_semaphore(%dma_start3A_1195 : memref<!tpu.dma_semaphore, #tpu.memory_space<semaphore_mem>>)
    %add3A_1203 = arith.constant 160 : i32
    %add3A_1204 = arith.addi %mul3A_2, %add3A_1203 : i32
    %dma_wait3A_1205 = arith.constant 1 : i32
    %dma_wait3A_1206 = arith.constant 0 : i32
    %dma_wait3A_1207 = arith.constant 1 : i32
    %dma_wait3A_1208 = arith.constant 0 : i32
    %dma_wait3A_1209 = arith.constant 0 : i32
    %dma_wait3A_1210 = arith.constant 0 : i32
    %dma_wait3A_1211 = tpu.memref_slice %arg4[%dma_wait3A_1205, %dma_wait3A_1209, %dma_wait3A_1210] : memref<2x32x1024xf32, #tpu.memory_space<vmem>> -> memref<1x32x1024xf32, #tpu.memory_space<vmem>>
    %dma_wait3A_1212 = tpu.memref_squeeze %dma_wait3A_1211 : memref<1x32x1024xf32, #tpu.memory_space<vmem>> -> memref<32x1024xf32, #tpu.memory_space<vmem>>
    %dma_wait3A_1213 = arith.constant 0 : i32
    %dma_wait3A_1214 = tpu.memref_slice %arg3[%dma_wait3A_1206, %add3A_1204, %dma_wait3A_1213] : memref<4x8192x1024xf32, #tpu.memory_space<hbm>> -> memref<1x32x1024xf32, #tpu.memory_space<hbm>>
    %dma_wait3A_1215 = tpu.memref_squeeze %dma_wait3A_1214 : memref<1x32x1024xf32, #tpu.memory_space<hbm>> -> memref<32x1024xf32, #tpu.memory_space<hbm>>
    %dma_wait3A_1216 = tpu.memref_slice %arg6[%dma_wait3A_1207, %dma_wait3A_1208] : memref<2x4x!tpu.dma_semaphore, #tpu.memory_space<semaphore_mem>> -> memref<1x1x!tpu.dma_semaphore, #tpu.memory_space<semaphore_mem>>
    %dma_wait3A_1217 = tpu.memref_squeeze %dma_wait3A_1216 : memref<1x1x!tpu.dma_semaphore, #tpu.memory_space<semaphore_mem>> -> memref<!tpu.dma_semaphore, #tpu.memory_space<semaphore_mem>>
    %dma_wait3A_1218 = arith.constant 0 : i32
    %dma_wait3A_1219 = tpu.memref_slice %arg3[%dma_wait3A_1206, %add3A_1204, %dma_wait3A_1218] : memref<4x8192x1024xf32, #tpu.memory_space<hbm>> -> memref<1x32x1024xf32, #tpu.memory_space<hbm>>
    %dma_wait3A_1220 = tpu.memref_squeeze %dma_wait3A_1219 : memref<1x32x1024xf32, #tpu.memory_space<hbm>> -> memref<32x1024xf32, #tpu.memory_space<hbm>>
    %dma_wait3A_1221 = arith.constant 0 : i32
    %dma_wait3A_1222 = arith.constant 0 : i32
    %dma_wait3A_1223 = tpu.memref_slice %arg4[%dma_wait3A_1205, %dma_wait3A_1221, %dma_wait3A_1222] : memref<2x32x1024xf32, #tpu.memory_space<vmem>> -> memref<1x32x1024xf32, #tpu.memory_space<vmem>>
    %dma_wait3A_1224 = tpu.memref_squeeze %dma_wait3A_1223 : memref<1x32x1024xf32, #tpu.memory_space<vmem>> -> memref<32x1024xf32, #tpu.memory_space<vmem>>
    tpu.wait_dma2 semaphore(%dma_wait3A_1217 : memref<!tpu.dma_semaphore, #tpu.memory_space<semaphore_mem>>) src(%dma_wait3A_1224 : memref<32x1024xf32, #tpu.memory_space<vmem>>) dst(%dma_wait3A_1220 : memref<32x1024xf32, #tpu.memory_space<hbm>>)
    %add3A_1225 = arith.constant 160 : i32
    %add3A_1226 = arith.addi %mul3A_2, %add3A_1225 : i32
    %dma_wait3A_1227 = arith.constant 1 : i32
    %dma_wait3A_1228 = arith.constant 1 : i32
    %dma_wait3A_1229 = arith.constant 1 : i32
    %dma_wait3A_1230 = arith.constant 1 : i32
    %dma_wait3A_1231 = arith.constant 0 : i32
    %dma_wait3A_1232 = arith.constant 0 : i32
    %dma_wait3A_1233 = tpu.memref_slice %arg4[%dma_wait3A_1227, %dma_wait3A_1231, %dma_wait3A_1232] : memref<2x32x1024xf32, #tpu.memory_space<vmem>> -> memref<1x32x1024xf32, #tpu.memory_space<vmem>>
    %dma_wait3A_1234 = tpu.memref_squeeze %dma_wait3A_1233 : memref<1x32x1024xf32, #tpu.memory_space<vmem>> -> memref<32x1024xf32, #tpu.memory_space<vmem>>
    %dma_wait3A_1235 = arith.constant 0 : i32
    %dma_wait3A_1236 = tpu.memref_slice %arg3[%dma_wait3A_1228, %add3A_1226, %dma_wait3A_1235] : memref<4x8192x1024xf32, #tpu.memory_space<hbm>> -> memref<1x32x1024xf32, #tpu.memory_space<hbm>>
    %dma_wait3A_1237 = tpu.memref_squeeze %dma_wait3A_1236 : memref<1x32x1024xf32, #tpu.memory_space<hbm>> -> memref<32x1024xf32, #tpu.memory_space<hbm>>
    %dma_wait3A_1238 = tpu.memref_slice %arg6[%dma_wait3A_1229, %dma_wait3A_1230] : memref<2x4x!tpu.dma_semaphore, #tpu.memory_space<semaphore_mem>> -> memref<1x1x!tpu.dma_semaphore, #tpu.memory_space<semaphore_mem>>
    %dma_wait3A_1239 = tpu.memref_squeeze %dma_wait3A_1238 : memref<1x1x!tpu.dma_semaphore, #tpu.memory_space<semaphore_mem>> -> memref<!tpu.dma_semaphore, #tpu.memory_space<semaphore_mem>>
    %dma_wait3A_1240 = arith.constant 0 : i32
    %dma_wait3A_1241 = tpu.memref_slice %arg3[%dma_wait3A_1228, %add3A_1226, %dma_wait3A_1240] : memref<4x8192x1024xf32, #tpu.memory_space<hbm>> -> memref<1x32x1024xf32, #tpu.memory_space<hbm>>
    %dma_wait3A_1242 = tpu.memref_squeeze %dma_wait3A_1241 : memref<1x32x1024xf32, #tpu.memory_space<hbm>> -> memref<32x1024xf32, #tpu.memory_space<hbm>>
    %dma_wait3A_1243 = arith.constant 0 : i32
    %dma_wait3A_1244 = arith.constant 0 : i32
    %dma_wait3A_1245 = tpu.memref_slice %arg4[%dma_wait3A_1227, %dma_wait3A_1243, %dma_wait3A_1244] : memref<2x32x1024xf32, #tpu.memory_space<vmem>> -> memref<1x32x1024xf32, #tpu.memory_space<vmem>>
    %dma_wait3A_1246 = tpu.memref_squeeze %dma_wait3A_1245 : memref<1x32x1024xf32, #tpu.memory_space<vmem>> -> memref<32x1024xf32, #tpu.memory_space<vmem>>
    tpu.wait_dma2 semaphore(%dma_wait3A_1239 : memref<!tpu.dma_semaphore, #tpu.memory_space<semaphore_mem>>) src(%dma_wait3A_1246 : memref<32x1024xf32, #tpu.memory_space<vmem>>) dst(%dma_wait3A_1242 : memref<32x1024xf32, #tpu.memory_space<hbm>>)
    %add3A_1247 = arith.constant 160 : i32
    %add3A_1248 = arith.addi %mul3A_2, %add3A_1247 : i32
    %dma_wait3A_1249 = arith.constant 1 : i32
    %dma_wait3A_1250 = arith.constant 2 : i32
    %dma_wait3A_1251 = arith.constant 1 : i32
    %dma_wait3A_1252 = arith.constant 2 : i32
    %dma_wait3A_1253 = arith.constant 0 : i32
    %dma_wait3A_1254 = arith.constant 0 : i32
    %dma_wait3A_1255 = tpu.memref_slice %arg4[%dma_wait3A_1249, %dma_wait3A_1253, %dma_wait3A_1254] : memref<2x32x1024xf32, #tpu.memory_space<vmem>> -> memref<1x32x1024xf32, #tpu.memory_space<vmem>>
    %dma_wait3A_1256 = tpu.memref_squeeze %dma_wait3A_1255 : memref<1x32x1024xf32, #tpu.memory_space<vmem>> -> memref<32x1024xf32, #tpu.memory_space<vmem>>
    %dma_wait3A_1257 = arith.constant 0 : i32
    %dma_wait3A_1258 = tpu.memref_slice %arg3[%dma_wait3A_1250, %add3A_1248, %dma_wait3A_1257] : memref<4x8192x1024xf32, #tpu.memory_space<hbm>> -> memref<1x32x1024xf32, #tpu.memory_space<hbm>>
    %dma_wait3A_1259 = tpu.memref_squeeze %dma_wait3A_1258 : memref<1x32x1024xf32, #tpu.memory_space<hbm>> -> memref<32x1024xf32, #tpu.memory_space<hbm>>
    %dma_wait3A_1260 = tpu.memref_slice %arg6[%dma_wait3A_1251, %dma_wait3A_1252] : memref<2x4x!tpu.dma_semaphore, #tpu.memory_space<semaphore_mem>> -> memref<1x1x!tpu.dma_semaphore, #tpu.memory_space<semaphore_mem>>
    %dma_wait3A_1261 = tpu.memref_squeeze %dma_wait3A_1260 : memref<1x1x!tpu.dma_semaphore, #tpu.memory_space<semaphore_mem>> -> memref<!tpu.dma_semaphore, #tpu.memory_space<semaphore_mem>>
    %dma_wait3A_1262 = arith.constant 0 : i32
    %dma_wait3A_1263 = tpu.memref_slice %arg3[%dma_wait3A_1250, %add3A_1248, %dma_wait3A_1262] : memref<4x8192x1024xf32, #tpu.memory_space<hbm>> -> memref<1x32x1024xf32, #tpu.memory_space<hbm>>
    %dma_wait3A_1264 = tpu.memref_squeeze %dma_wait3A_1263 : memref<1x32x1024xf32, #tpu.memory_space<hbm>> -> memref<32x1024xf32, #tpu.memory_space<hbm>>
    %dma_wait3A_1265 = arith.constant 0 : i32
    %dma_wait3A_1266 = arith.constant 0 : i32
    %dma_wait3A_1267 = tpu.memref_slice %arg4[%dma_wait3A_1249, %dma_wait3A_1265, %dma_wait3A_1266] : memref<2x32x1024xf32, #tpu.memory_space<vmem>> -> memref<1x32x1024xf32, #tpu.memory_space<vmem>>
    %dma_wait3A_1268 = tpu.memref_squeeze %dma_wait3A_1267 : memref<1x32x1024xf32, #tpu.memory_space<vmem>> -> memref<32x1024xf32, #tpu.memory_space<vmem>>
    tpu.wait_dma2 semaphore(%dma_wait3A_1261 : memref<!tpu.dma_semaphore, #tpu.memory_space<semaphore_mem>>) src(%dma_wait3A_1268 : memref<32x1024xf32, #tpu.memory_space<vmem>>) dst(%dma_wait3A_1264 : memref<32x1024xf32, #tpu.memory_space<hbm>>)
    %add3A_1269 = arith.constant 160 : i32
    %add3A_1270 = arith.addi %mul3A_2, %add3A_1269 : i32
    %dma_wait3A_1271 = arith.constant 1 : i32
    %dma_wait3A_1272 = arith.constant 3 : i32
    %dma_wait3A_1273 = arith.constant 1 : i32
    %dma_wait3A_1274 = arith.constant 3 : i32
    %dma_wait3A_1275 = arith.constant 0 : i32
    %dma_wait3A_1276 = arith.constant 0 : i32
    %dma_wait3A_1277 = tpu.memref_slice %arg4[%dma_wait3A_1271, %dma_wait3A_1275, %dma_wait3A_1276] : memref<2x32x1024xf32, #tpu.memory_space<vmem>> -> memref<1x32x1024xf32, #tpu.memory_space<vmem>>
    %dma_wait3A_1278 = tpu.memref_squeeze %dma_wait3A_1277 : memref<1x32x1024xf32, #tpu.memory_space<vmem>> -> memref<32x1024xf32, #tpu.memory_space<vmem>>
    %dma_wait3A_1279 = arith.constant 0 : i32
    %dma_wait3A_1280 = tpu.memref_slice %arg3[%dma_wait3A_1272, %add3A_1270, %dma_wait3A_1279] : memref<4x8192x1024xf32, #tpu.memory_space<hbm>> -> memref<1x32x1024xf32, #tpu.memory_space<hbm>>
    %dma_wait3A_1281 = tpu.memref_squeeze %dma_wait3A_1280 : memref<1x32x1024xf32, #tpu.memory_space<hbm>> -> memref<32x1024xf32, #tpu.memory_space<hbm>>
    %dma_wait3A_1282 = tpu.memref_slice %arg6[%dma_wait3A_1273, %dma_wait3A_1274] : memref<2x4x!tpu.dma_semaphore, #tpu.memory_space<semaphore_mem>> -> memref<1x1x!tpu.dma_semaphore, #tpu.memory_space<semaphore_mem>>
    %dma_wait3A_1283 = tpu.memref_squeeze %dma_wait3A_1282 : memref<1x1x!tpu.dma_semaphore, #tpu.memory_space<semaphore_mem>> -> memref<!tpu.dma_semaphore, #tpu.memory_space<semaphore_mem>>
    %dma_wait3A_1284 = arith.constant 0 : i32
    %dma_wait3A_1285 = tpu.memref_slice %arg3[%dma_wait3A_1272, %add3A_1270, %dma_wait3A_1284] : memref<4x8192x1024xf32, #tpu.memory_space<hbm>> -> memref<1x32x1024xf32, #tpu.memory_space<hbm>>
    %dma_wait3A_1286 = tpu.memref_squeeze %dma_wait3A_1285 : memref<1x32x1024xf32, #tpu.memory_space<hbm>> -> memref<32x1024xf32, #tpu.memory_space<hbm>>
    %dma_wait3A_1287 = arith.constant 0 : i32
    %dma_wait3A_1288 = arith.constant 0 : i32
    %dma_wait3A_1289 = tpu.memref_slice %arg4[%dma_wait3A_1271, %dma_wait3A_1287, %dma_wait3A_1288] : memref<2x32x1024xf32, #tpu.memory_space<vmem>> -> memref<1x32x1024xf32, #tpu.memory_space<vmem>>
    %dma_wait3A_1290 = tpu.memref_squeeze %dma_wait3A_1289 : memref<1x32x1024xf32, #tpu.memory_space<vmem>> -> memref<32x1024xf32, #tpu.memory_space<vmem>>
    tpu.wait_dma2 semaphore(%dma_wait3A_1283 : memref<!tpu.dma_semaphore, #tpu.memory_space<semaphore_mem>>) src(%dma_wait3A_1290 : memref<32x1024xf32, #tpu.memory_space<vmem>>) dst(%dma_wait3A_1286 : memref<32x1024xf32, #tpu.memory_space<hbm>>)
    %add3A_1291 = arith.constant 224 : i32
    %add3A_1292 = arith.addi %mul3A_2, %add3A_1291 : i32
    %dma_start3A_1293 = arith.constant 1 : i32
    %dma_start3A_1294 = arith.constant 1 : i32
    %dma_start3A_1295 = arith.constant 0 : i32
    %dma_start3A_1296 = arith.constant 0 : i32
    %dma_start3A_1297 = tpu.memref_slice %arg4[%dma_start3A_1293, %dma_start3A_1295, %dma_start3A_1296] : memref<2x32x1024xf32, #tpu.memory_space<vmem>> -> memref<1x32x1024xf32, #tpu.memory_space<vmem>>
    %dma_start3A_1298 = tpu.memref_squeeze %dma_start3A_1297 : memref<1x32x1024xf32, #tpu.memory_space<vmem>> -> memref<32x1024xf32, #tpu.memory_space<vmem>>
    %dma_start3A_1299 = arith.constant 0 : i32
    %dma_start3A_1300 = tpu.memref_slice %arg2[%add3A_1292, %dma_start3A_1299] : memref<8192x1024xf32, #tpu.memory_space<hbm>> -> memref<32x1024xf32, #tpu.memory_space<hbm>>
    %dma_start3A_1301 = tpu.memref_slice %arg5[%dma_start3A_1294] : memref<2x!tpu.dma_semaphore, #tpu.memory_space<semaphore_mem>> -> memref<1x!tpu.dma_semaphore, #tpu.memory_space<semaphore_mem>>
    %dma_start3A_1302 = tpu.memref_squeeze %dma_start3A_1301 : memref<1x!tpu.dma_semaphore, #tpu.memory_space<semaphore_mem>> -> memref<!tpu.dma_semaphore, #tpu.memory_space<semaphore_mem>>
    %dma_start3A_1303 = arith.constant 0 : i32
    %dma_start3A_1304 = arith.constant 0 : i32
    %dma_start3A_1305 = tpu.memref_slice %arg4[%dma_start3A_1293, %dma_start3A_1303, %dma_start3A_1304] : memref<2x32x1024xf32, #tpu.memory_space<vmem>> -> memref<1x32x1024xf32, #tpu.memory_space<vmem>>
    %dma_start3A_1306 = tpu.memref_squeeze %dma_start3A_1305 : memref<1x32x1024xf32, #tpu.memory_space<vmem>> -> memref<32x1024xf32, #tpu.memory_space<vmem>>
    %dma_start3A_1307 = arith.constant 0 : i32
    %dma_start3A_1308 = tpu.memref_slice %arg2[%add3A_1292, %dma_start3A_1307] : memref<8192x1024xf32, #tpu.memory_space<hbm>> -> memref<32x1024xf32, #tpu.memory_space<hbm>>
    tpu.enqueue_dma source(%dma_start3A_1308 : memref<32x1024xf32, #tpu.memory_space<hbm>>) target(%dma_start3A_1306 : memref<32x1024xf32, #tpu.memory_space<vmem>>) target_semaphore(%dma_start3A_1302 : memref<!tpu.dma_semaphore, #tpu.memory_space<semaphore_mem>>)
    %add3A_1309 = arith.constant 192 : i32
    %add3A_1310 = arith.addi %mul3A_2, %add3A_1309 : i32
    %dma_wait3A_1311 = arith.constant 0 : i32
    %dma_wait3A_1312 = arith.constant 0 : i32
    %dma_wait3A_1313 = arith.constant 0 : i32
    %dma_wait3A_1314 = arith.constant 0 : i32
    %dma_wait3A_1315 = tpu.memref_slice %arg4[%dma_wait3A_1311, %dma_wait3A_1313, %dma_wait3A_1314] : memref<2x32x1024xf32, #tpu.memory_space<vmem>> -> memref<1x32x1024xf32, #tpu.memory_space<vmem>>
    %dma_wait3A_1316 = tpu.memref_squeeze %dma_wait3A_1315 : memref<1x32x1024xf32, #tpu.memory_space<vmem>> -> memref<32x1024xf32, #tpu.memory_space<vmem>>
    %dma_wait3A_1317 = arith.constant 0 : i32
    %dma_wait3A_1318 = tpu.memref_slice %arg2[%add3A_1310, %dma_wait3A_1317] : memref<8192x1024xf32, #tpu.memory_space<hbm>> -> memref<32x1024xf32, #tpu.memory_space<hbm>>
    %dma_wait3A_1319 = tpu.memref_slice %arg5[%dma_wait3A_1312] : memref<2x!tpu.dma_semaphore, #tpu.memory_space<semaphore_mem>> -> memref<1x!tpu.dma_semaphore, #tpu.memory_space<semaphore_mem>>
    %dma_wait3A_1320 = tpu.memref_squeeze %dma_wait3A_1319 : memref<1x!tpu.dma_semaphore, #tpu.memory_space<semaphore_mem>> -> memref<!tpu.dma_semaphore, #tpu.memory_space<semaphore_mem>>
    %dma_wait3A_1321 = arith.constant 0 : i32
    %dma_wait3A_1322 = arith.constant 0 : i32
    %dma_wait3A_1323 = tpu.memref_slice %arg4[%dma_wait3A_1311, %dma_wait3A_1321, %dma_wait3A_1322] : memref<2x32x1024xf32, #tpu.memory_space<vmem>> -> memref<1x32x1024xf32, #tpu.memory_space<vmem>>
    %dma_wait3A_1324 = tpu.memref_squeeze %dma_wait3A_1323 : memref<1x32x1024xf32, #tpu.memory_space<vmem>> -> memref<32x1024xf32, #tpu.memory_space<vmem>>
    %dma_wait3A_1325 = arith.constant 0 : i32
    %dma_wait3A_1326 = tpu.memref_slice %arg2[%add3A_1310, %dma_wait3A_1325] : memref<8192x1024xf32, #tpu.memory_space<hbm>> -> memref<32x1024xf32, #tpu.memory_space<hbm>>
    tpu.wait_dma2 semaphore(%dma_wait3A_1320 : memref<!tpu.dma_semaphore, #tpu.memory_space<semaphore_mem>>) src(%dma_wait3A_1326 : memref<32x1024xf32, #tpu.memory_space<hbm>>) dst(%dma_wait3A_1324 : memref<32x1024xf32, #tpu.memory_space<vmem>>)
    %add3A_1327 = arith.constant 192 : i32
    %add3A_1328 = arith.addi %mul3A_2, %add3A_1327 : i32
    %dma_start3A_1329 = arith.constant 0 : i32
    %dma_start3A_1330 = arith.constant 0 : i32
    %dma_start3A_1331 = arith.constant 0 : i32
    %dma_start3A_1332 = arith.constant 0 : i32
    %dma_start3A_1333 = arith.constant 0 : i32
    %dma_start3A_1334 = arith.constant 0 : i32
    %dma_start3A_1335 = tpu.memref_slice %arg4[%dma_start3A_1329, %dma_start3A_1333, %dma_start3A_1334] : memref<2x32x1024xf32, #tpu.memory_space<vmem>> -> memref<1x32x1024xf32, #tpu.memory_space<vmem>>
    %dma_start3A_1336 = tpu.memref_squeeze %dma_start3A_1335 : memref<1x32x1024xf32, #tpu.memory_space<vmem>> -> memref<32x1024xf32, #tpu.memory_space<vmem>>
    %dma_start3A_1337 = arith.constant 0 : i32
    %dma_start3A_1338 = tpu.memref_slice %arg3[%dma_start3A_1330, %add3A_1328, %dma_start3A_1337] : memref<4x8192x1024xf32, #tpu.memory_space<hbm>> -> memref<1x32x1024xf32, #tpu.memory_space<hbm>>
    %dma_start3A_1339 = tpu.memref_squeeze %dma_start3A_1338 : memref<1x32x1024xf32, #tpu.memory_space<hbm>> -> memref<32x1024xf32, #tpu.memory_space<hbm>>
    %dma_start3A_1340 = tpu.memref_slice %arg6[%dma_start3A_1331, %dma_start3A_1332] : memref<2x4x!tpu.dma_semaphore, #tpu.memory_space<semaphore_mem>> -> memref<1x1x!tpu.dma_semaphore, #tpu.memory_space<semaphore_mem>>
    %dma_start3A_1341 = tpu.memref_squeeze %dma_start3A_1340 : memref<1x1x!tpu.dma_semaphore, #tpu.memory_space<semaphore_mem>> -> memref<!tpu.dma_semaphore, #tpu.memory_space<semaphore_mem>>
    %dma_start3A_1342 = arith.constant 0 : i32
    %dma_start3A_1343 = tpu.memref_slice %arg3[%dma_start3A_1330, %add3A_1328, %dma_start3A_1342] : memref<4x8192x1024xf32, #tpu.memory_space<hbm>> -> memref<1x32x1024xf32, #tpu.memory_space<hbm>>
    %dma_start3A_1344 = tpu.memref_squeeze %dma_start3A_1343 : memref<1x32x1024xf32, #tpu.memory_space<hbm>> -> memref<32x1024xf32, #tpu.memory_space<hbm>>
    %dma_start3A_1345 = arith.constant 0 : i32
    %dma_start3A_1346 = arith.constant 0 : i32
    %dma_start3A_1347 = tpu.memref_slice %arg4[%dma_start3A_1329, %dma_start3A_1345, %dma_start3A_1346] : memref<2x32x1024xf32, #tpu.memory_space<vmem>> -> memref<1x32x1024xf32, #tpu.memory_space<vmem>>
    %dma_start3A_1348 = tpu.memref_squeeze %dma_start3A_1347 : memref<1x32x1024xf32, #tpu.memory_space<vmem>> -> memref<32x1024xf32, #tpu.memory_space<vmem>>
    tpu.enqueue_dma source(%dma_start3A_1348 : memref<32x1024xf32, #tpu.memory_space<vmem>>) target(%dma_start3A_1344 : memref<32x1024xf32, #tpu.memory_space<hbm>>) target_semaphore(%dma_start3A_1341 : memref<!tpu.dma_semaphore, #tpu.memory_space<semaphore_mem>>)
    %add3A_1349 = arith.constant 192 : i32
    %add3A_1350 = arith.addi %mul3A_2, %add3A_1349 : i32
    %dma_start3A_1351 = arith.constant 0 : i32
    %dma_start3A_1352 = arith.constant 1 : i32
    %dma_start3A_1353 = arith.constant 0 : i32
    %dma_start3A_1354 = arith.constant 1 : i32
    %dma_start3A_1355 = arith.constant 0 : i32
    %dma_start3A_1356 = arith.constant 0 : i32
    %dma_start3A_1357 = tpu.memref_slice %arg4[%dma_start3A_1351, %dma_start3A_1355, %dma_start3A_1356] : memref<2x32x1024xf32, #tpu.memory_space<vmem>> -> memref<1x32x1024xf32, #tpu.memory_space<vmem>>
    %dma_start3A_1358 = tpu.memref_squeeze %dma_start3A_1357 : memref<1x32x1024xf32, #tpu.memory_space<vmem>> -> memref<32x1024xf32, #tpu.memory_space<vmem>>
    %dma_start3A_1359 = arith.constant 0 : i32
    %dma_start3A_1360 = tpu.memref_slice %arg3[%dma_start3A_1352, %add3A_1350, %dma_start3A_1359] : memref<4x8192x1024xf32, #tpu.memory_space<hbm>> -> memref<1x32x1024xf32, #tpu.memory_space<hbm>>
    %dma_start3A_1361 = tpu.memref_squeeze %dma_start3A_1360 : memref<1x32x1024xf32, #tpu.memory_space<hbm>> -> memref<32x1024xf32, #tpu.memory_space<hbm>>
    %dma_start3A_1362 = tpu.memref_slice %arg6[%dma_start3A_1353, %dma_start3A_1354] : memref<2x4x!tpu.dma_semaphore, #tpu.memory_space<semaphore_mem>> -> memref<1x1x!tpu.dma_semaphore, #tpu.memory_space<semaphore_mem>>
    %dma_start3A_1363 = tpu.memref_squeeze %dma_start3A_1362 : memref<1x1x!tpu.dma_semaphore, #tpu.memory_space<semaphore_mem>> -> memref<!tpu.dma_semaphore, #tpu.memory_space<semaphore_mem>>
    %dma_start3A_1364 = arith.constant 0 : i32
    %dma_start3A_1365 = tpu.memref_slice %arg3[%dma_start3A_1352, %add3A_1350, %dma_start3A_1364] : memref<4x8192x1024xf32, #tpu.memory_space<hbm>> -> memref<1x32x1024xf32, #tpu.memory_space<hbm>>
    %dma_start3A_1366 = tpu.memref_squeeze %dma_start3A_1365 : memref<1x32x1024xf32, #tpu.memory_space<hbm>> -> memref<32x1024xf32, #tpu.memory_space<hbm>>
    %dma_start3A_1367 = arith.constant 0 : i32
    %dma_start3A_1368 = arith.constant 0 : i32
    %dma_start3A_1369 = tpu.memref_slice %arg4[%dma_start3A_1351, %dma_start3A_1367, %dma_start3A_1368] : memref<2x32x1024xf32, #tpu.memory_space<vmem>> -> memref<1x32x1024xf32, #tpu.memory_space<vmem>>
    %dma_start3A_1370 = tpu.memref_squeeze %dma_start3A_1369 : memref<1x32x1024xf32, #tpu.memory_space<vmem>> -> memref<32x1024xf32, #tpu.memory_space<vmem>>
    tpu.enqueue_dma source(%dma_start3A_1370 : memref<32x1024xf32, #tpu.memory_space<vmem>>) target(%dma_start3A_1366 : memref<32x1024xf32, #tpu.memory_space<hbm>>) target_semaphore(%dma_start3A_1363 : memref<!tpu.dma_semaphore, #tpu.memory_space<semaphore_mem>>)
    %add3A_1371 = arith.constant 192 : i32
    %add3A_1372 = arith.addi %mul3A_2, %add3A_1371 : i32
    %dma_start3A_1373 = arith.constant 0 : i32
    %dma_start3A_1374 = arith.constant 2 : i32
    %dma_start3A_1375 = arith.constant 0 : i32
    %dma_start3A_1376 = arith.constant 2 : i32
    %dma_start3A_1377 = arith.constant 0 : i32
    %dma_start3A_1378 = arith.constant 0 : i32
    %dma_start3A_1379 = tpu.memref_slice %arg4[%dma_start3A_1373, %dma_start3A_1377, %dma_start3A_1378] : memref<2x32x1024xf32, #tpu.memory_space<vmem>> -> memref<1x32x1024xf32, #tpu.memory_space<vmem>>
    %dma_start3A_1380 = tpu.memref_squeeze %dma_start3A_1379 : memref<1x32x1024xf32, #tpu.memory_space<vmem>> -> memref<32x1024xf32, #tpu.memory_space<vmem>>
    %dma_start3A_1381 = arith.constant 0 : i32
    %dma_start3A_1382 = tpu.memref_slice %arg3[%dma_start3A_1374, %add3A_1372, %dma_start3A_1381] : memref<4x8192x1024xf32, #tpu.memory_space<hbm>> -> memref<1x32x1024xf32, #tpu.memory_space<hbm>>
    %dma_start3A_1383 = tpu.memref_squeeze %dma_start3A_1382 : memref<1x32x1024xf32, #tpu.memory_space<hbm>> -> memref<32x1024xf32, #tpu.memory_space<hbm>>
    %dma_start3A_1384 = tpu.memref_slice %arg6[%dma_start3A_1375, %dma_start3A_1376] : memref<2x4x!tpu.dma_semaphore, #tpu.memory_space<semaphore_mem>> -> memref<1x1x!tpu.dma_semaphore, #tpu.memory_space<semaphore_mem>>
    %dma_start3A_1385 = tpu.memref_squeeze %dma_start3A_1384 : memref<1x1x!tpu.dma_semaphore, #tpu.memory_space<semaphore_mem>> -> memref<!tpu.dma_semaphore, #tpu.memory_space<semaphore_mem>>
    %dma_start3A_1386 = arith.constant 0 : i32
    %dma_start3A_1387 = tpu.memref_slice %arg3[%dma_start3A_1374, %add3A_1372, %dma_start3A_1386] : memref<4x8192x1024xf32, #tpu.memory_space<hbm>> -> memref<1x32x1024xf32, #tpu.memory_space<hbm>>
    %dma_start3A_1388 = tpu.memref_squeeze %dma_start3A_1387 : memref<1x32x1024xf32, #tpu.memory_space<hbm>> -> memref<32x1024xf32, #tpu.memory_space<hbm>>
    %dma_start3A_1389 = arith.constant 0 : i32
    %dma_start3A_1390 = arith.constant 0 : i32
    %dma_start3A_1391 = tpu.memref_slice %arg4[%dma_start3A_1373, %dma_start3A_1389, %dma_start3A_1390] : memref<2x32x1024xf32, #tpu.memory_space<vmem>> -> memref<1x32x1024xf32, #tpu.memory_space<vmem>>
    %dma_start3A_1392 = tpu.memref_squeeze %dma_start3A_1391 : memref<1x32x1024xf32, #tpu.memory_space<vmem>> -> memref<32x1024xf32, #tpu.memory_space<vmem>>
    tpu.enqueue_dma source(%dma_start3A_1392 : memref<32x1024xf32, #tpu.memory_space<vmem>>) target(%dma_start3A_1388 : memref<32x1024xf32, #tpu.memory_space<hbm>>) target_semaphore(%dma_start3A_1385 : memref<!tpu.dma_semaphore, #tpu.memory_space<semaphore_mem>>)
    %add3A_1393 = arith.constant 192 : i32
    %add3A_1394 = arith.addi %mul3A_2, %add3A_1393 : i32
    %dma_start3A_1395 = arith.constant 0 : i32
    %dma_start3A_1396 = arith.constant 3 : i32
    %dma_start3A_1397 = arith.constant 0 : i32
    %dma_start3A_1398 = arith.constant 3 : i32
    %dma_start3A_1399 = arith.constant 0 : i32
    %dma_start3A_1400 = arith.constant 0 : i32
    %dma_start3A_1401 = tpu.memref_slice %arg4[%dma_start3A_1395, %dma_start3A_1399, %dma_start3A_1400] : memref<2x32x1024xf32, #tpu.memory_space<vmem>> -> memref<1x32x1024xf32, #tpu.memory_space<vmem>>
    %dma_start3A_1402 = tpu.memref_squeeze %dma_start3A_1401 : memref<1x32x1024xf32, #tpu.memory_space<vmem>> -> memref<32x1024xf32, #tpu.memory_space<vmem>>
    %dma_start3A_1403 = arith.constant 0 : i32
    %dma_start3A_1404 = tpu.memref_slice %arg3[%dma_start3A_1396, %add3A_1394, %dma_start3A_1403] : memref<4x8192x1024xf32, #tpu.memory_space<hbm>> -> memref<1x32x1024xf32, #tpu.memory_space<hbm>>
    %dma_start3A_1405 = tpu.memref_squeeze %dma_start3A_1404 : memref<1x32x1024xf32, #tpu.memory_space<hbm>> -> memref<32x1024xf32, #tpu.memory_space<hbm>>
    %dma_start3A_1406 = tpu.memref_slice %arg6[%dma_start3A_1397, %dma_start3A_1398] : memref<2x4x!tpu.dma_semaphore, #tpu.memory_space<semaphore_mem>> -> memref<1x1x!tpu.dma_semaphore, #tpu.memory_space<semaphore_mem>>
    %dma_start3A_1407 = tpu.memref_squeeze %dma_start3A_1406 : memref<1x1x!tpu.dma_semaphore, #tpu.memory_space<semaphore_mem>> -> memref<!tpu.dma_semaphore, #tpu.memory_space<semaphore_mem>>
    %dma_start3A_1408 = arith.constant 0 : i32
    %dma_start3A_1409 = tpu.memref_slice %arg3[%dma_start3A_1396, %add3A_1394, %dma_start3A_1408] : memref<4x8192x1024xf32, #tpu.memory_space<hbm>> -> memref<1x32x1024xf32, #tpu.memory_space<hbm>>
    %dma_start3A_1410 = tpu.memref_squeeze %dma_start3A_1409 : memref<1x32x1024xf32, #tpu.memory_space<hbm>> -> memref<32x1024xf32, #tpu.memory_space<hbm>>
    %dma_start3A_1411 = arith.constant 0 : i32
    %dma_start3A_1412 = arith.constant 0 : i32
    %dma_start3A_1413 = tpu.memref_slice %arg4[%dma_start3A_1395, %dma_start3A_1411, %dma_start3A_1412] : memref<2x32x1024xf32, #tpu.memory_space<vmem>> -> memref<1x32x1024xf32, #tpu.memory_space<vmem>>
    %dma_start3A_1414 = tpu.memref_squeeze %dma_start3A_1413 : memref<1x32x1024xf32, #tpu.memory_space<vmem>> -> memref<32x1024xf32, #tpu.memory_space<vmem>>
    tpu.enqueue_dma source(%dma_start3A_1414 : memref<32x1024xf32, #tpu.memory_space<vmem>>) target(%dma_start3A_1410 : memref<32x1024xf32, #tpu.memory_space<hbm>>) target_semaphore(%dma_start3A_1407 : memref<!tpu.dma_semaphore, #tpu.memory_space<semaphore_mem>>)
    %add3A_1415 = arith.constant 224 : i32
    %add3A_1416 = arith.addi %mul3A_2, %add3A_1415 : i32
    %dma_wait3A_1417 = arith.constant 1 : i32
    %dma_wait3A_1418 = arith.constant 1 : i32
    %dma_wait3A_1419 = arith.constant 0 : i32
    %dma_wait3A_1420 = arith.constant 0 : i32
    %dma_wait3A_1421 = tpu.memref_slice %arg4[%dma_wait3A_1417, %dma_wait3A_1419, %dma_wait3A_1420] : memref<2x32x1024xf32, #tpu.memory_space<vmem>> -> memref<1x32x1024xf32, #tpu.memory_space<vmem>>
    %dma_wait3A_1422 = tpu.memref_squeeze %dma_wait3A_1421 : memref<1x32x1024xf32, #tpu.memory_space<vmem>> -> memref<32x1024xf32, #tpu.memory_space<vmem>>
    %dma_wait3A_1423 = arith.constant 0 : i32
    %dma_wait3A_1424 = tpu.memref_slice %arg2[%add3A_1416, %dma_wait3A_1423] : memref<8192x1024xf32, #tpu.memory_space<hbm>> -> memref<32x1024xf32, #tpu.memory_space<hbm>>
    %dma_wait3A_1425 = tpu.memref_slice %arg5[%dma_wait3A_1418] : memref<2x!tpu.dma_semaphore, #tpu.memory_space<semaphore_mem>> -> memref<1x!tpu.dma_semaphore, #tpu.memory_space<semaphore_mem>>
    %dma_wait3A_1426 = tpu.memref_squeeze %dma_wait3A_1425 : memref<1x!tpu.dma_semaphore, #tpu.memory_space<semaphore_mem>> -> memref<!tpu.dma_semaphore, #tpu.memory_space<semaphore_mem>>
    %dma_wait3A_1427 = arith.constant 0 : i32
    %dma_wait3A_1428 = arith.constant 0 : i32
    %dma_wait3A_1429 = tpu.memref_slice %arg4[%dma_wait3A_1417, %dma_wait3A_1427, %dma_wait3A_1428] : memref<2x32x1024xf32, #tpu.memory_space<vmem>> -> memref<1x32x1024xf32, #tpu.memory_space<vmem>>
    %dma_wait3A_1430 = tpu.memref_squeeze %dma_wait3A_1429 : memref<1x32x1024xf32, #tpu.memory_space<vmem>> -> memref<32x1024xf32, #tpu.memory_space<vmem>>
    %dma_wait3A_1431 = arith.constant 0 : i32
    %dma_wait3A_1432 = tpu.memref_slice %arg2[%add3A_1416, %dma_wait3A_1431] : memref<8192x1024xf32, #tpu.memory_space<hbm>> -> memref<32x1024xf32, #tpu.memory_space<hbm>>
    tpu.wait_dma2 semaphore(%dma_wait3A_1426 : memref<!tpu.dma_semaphore, #tpu.memory_space<semaphore_mem>>) src(%dma_wait3A_1432 : memref<32x1024xf32, #tpu.memory_space<hbm>>) dst(%dma_wait3A_1430 : memref<32x1024xf32, #tpu.memory_space<vmem>>)
    %add3A_1433 = arith.constant 224 : i32
    %add3A_1434 = arith.addi %mul3A_2, %add3A_1433 : i32
    %dma_start3A_1435 = arith.constant 1 : i32
    %dma_start3A_1436 = arith.constant 0 : i32
    %dma_start3A_1437 = arith.constant 1 : i32
    %dma_start3A_1438 = arith.constant 0 : i32
    %dma_start3A_1439 = arith.constant 0 : i32
    %dma_start3A_1440 = arith.constant 0 : i32
    %dma_start3A_1441 = tpu.memref_slice %arg4[%dma_start3A_1435, %dma_start3A_1439, %dma_start3A_1440] : memref<2x32x1024xf32, #tpu.memory_space<vmem>> -> memref<1x32x1024xf32, #tpu.memory_space<vmem>>
    %dma_start3A_1442 = tpu.memref_squeeze %dma_start3A_1441 : memref<1x32x1024xf32, #tpu.memory_space<vmem>> -> memref<32x1024xf32, #tpu.memory_space<vmem>>
    %dma_start3A_1443 = arith.constant 0 : i32
    %dma_start3A_1444 = tpu.memref_slice %arg3[%dma_start3A_1436, %add3A_1434, %dma_start3A_1443] : memref<4x8192x1024xf32, #tpu.memory_space<hbm>> -> memref<1x32x1024xf32, #tpu.memory_space<hbm>>
    %dma_start3A_1445 = tpu.memref_squeeze %dma_start3A_1444 : memref<1x32x1024xf32, #tpu.memory_space<hbm>> -> memref<32x1024xf32, #tpu.memory_space<hbm>>
    %dma_start3A_1446 = tpu.memref_slice %arg6[%dma_start3A_1437, %dma_start3A_1438] : memref<2x4x!tpu.dma_semaphore, #tpu.memory_space<semaphore_mem>> -> memref<1x1x!tpu.dma_semaphore, #tpu.memory_space<semaphore_mem>>
    %dma_start3A_1447 = tpu.memref_squeeze %dma_start3A_1446 : memref<1x1x!tpu.dma_semaphore, #tpu.memory_space<semaphore_mem>> -> memref<!tpu.dma_semaphore, #tpu.memory_space<semaphore_mem>>
    %dma_start3A_1448 = arith.constant 0 : i32
    %dma_start3A_1449 = tpu.memref_slice %arg3[%dma_start3A_1436, %add3A_1434, %dma_start3A_1448] : memref<4x8192x1024xf32, #tpu.memory_space<hbm>> -> memref<1x32x1024xf32, #tpu.memory_space<hbm>>
    %dma_start3A_1450 = tpu.memref_squeeze %dma_start3A_1449 : memref<1x32x1024xf32, #tpu.memory_space<hbm>> -> memref<32x1024xf32, #tpu.memory_space<hbm>>
    %dma_start3A_1451 = arith.constant 0 : i32
    %dma_start3A_1452 = arith.constant 0 : i32
    %dma_start3A_1453 = tpu.memref_slice %arg4[%dma_start3A_1435, %dma_start3A_1451, %dma_start3A_1452] : memref<2x32x1024xf32, #tpu.memory_space<vmem>> -> memref<1x32x1024xf32, #tpu.memory_space<vmem>>
    %dma_start3A_1454 = tpu.memref_squeeze %dma_start3A_1453 : memref<1x32x1024xf32, #tpu.memory_space<vmem>> -> memref<32x1024xf32, #tpu.memory_space<vmem>>
    tpu.enqueue_dma source(%dma_start3A_1454 : memref<32x1024xf32, #tpu.memory_space<vmem>>) target(%dma_start3A_1450 : memref<32x1024xf32, #tpu.memory_space<hbm>>) target_semaphore(%dma_start3A_1447 : memref<!tpu.dma_semaphore, #tpu.memory_space<semaphore_mem>>)
    %add3A_1455 = arith.constant 224 : i32
    %add3A_1456 = arith.addi %mul3A_2, %add3A_1455 : i32
    %dma_start3A_1457 = arith.constant 1 : i32
    %dma_start3A_1458 = arith.constant 1 : i32
    %dma_start3A_1459 = arith.constant 1 : i32
    %dma_start3A_1460 = arith.constant 1 : i32
    %dma_start3A_1461 = arith.constant 0 : i32
    %dma_start3A_1462 = arith.constant 0 : i32
    %dma_start3A_1463 = tpu.memref_slice %arg4[%dma_start3A_1457, %dma_start3A_1461, %dma_start3A_1462] : memref<2x32x1024xf32, #tpu.memory_space<vmem>> -> memref<1x32x1024xf32, #tpu.memory_space<vmem>>
    %dma_start3A_1464 = tpu.memref_squeeze %dma_start3A_1463 : memref<1x32x1024xf32, #tpu.memory_space<vmem>> -> memref<32x1024xf32, #tpu.memory_space<vmem>>
    %dma_start3A_1465 = arith.constant 0 : i32
    %dma_start3A_1466 = tpu.memref_slice %arg3[%dma_start3A_1458, %add3A_1456, %dma_start3A_1465] : memref<4x8192x1024xf32, #tpu.memory_space<hbm>> -> memref<1x32x1024xf32, #tpu.memory_space<hbm>>
    %dma_start3A_1467 = tpu.memref_squeeze %dma_start3A_1466 : memref<1x32x1024xf32, #tpu.memory_space<hbm>> -> memref<32x1024xf32, #tpu.memory_space<hbm>>
    %dma_start3A_1468 = tpu.memref_slice %arg6[%dma_start3A_1459, %dma_start3A_1460] : memref<2x4x!tpu.dma_semaphore, #tpu.memory_space<semaphore_mem>> -> memref<1x1x!tpu.dma_semaphore, #tpu.memory_space<semaphore_mem>>
    %dma_start3A_1469 = tpu.memref_squeeze %dma_start3A_1468 : memref<1x1x!tpu.dma_semaphore, #tpu.memory_space<semaphore_mem>> -> memref<!tpu.dma_semaphore, #tpu.memory_space<semaphore_mem>>
    %dma_start3A_1470 = arith.constant 0 : i32
    %dma_start3A_1471 = tpu.memref_slice %arg3[%dma_start3A_1458, %add3A_1456, %dma_start3A_1470] : memref<4x8192x1024xf32, #tpu.memory_space<hbm>> -> memref<1x32x1024xf32, #tpu.memory_space<hbm>>
    %dma_start3A_1472 = tpu.memref_squeeze %dma_start3A_1471 : memref<1x32x1024xf32, #tpu.memory_space<hbm>> -> memref<32x1024xf32, #tpu.memory_space<hbm>>
    %dma_start3A_1473 = arith.constant 0 : i32
    %dma_start3A_1474 = arith.constant 0 : i32
    %dma_start3A_1475 = tpu.memref_slice %arg4[%dma_start3A_1457, %dma_start3A_1473, %dma_start3A_1474] : memref<2x32x1024xf32, #tpu.memory_space<vmem>> -> memref<1x32x1024xf32, #tpu.memory_space<vmem>>
    %dma_start3A_1476 = tpu.memref_squeeze %dma_start3A_1475 : memref<1x32x1024xf32, #tpu.memory_space<vmem>> -> memref<32x1024xf32, #tpu.memory_space<vmem>>
    tpu.enqueue_dma source(%dma_start3A_1476 : memref<32x1024xf32, #tpu.memory_space<vmem>>) target(%dma_start3A_1472 : memref<32x1024xf32, #tpu.memory_space<hbm>>) target_semaphore(%dma_start3A_1469 : memref<!tpu.dma_semaphore, #tpu.memory_space<semaphore_mem>>)
    %add3A_1477 = arith.constant 224 : i32
    %add3A_1478 = arith.addi %mul3A_2, %add3A_1477 : i32
    %dma_start3A_1479 = arith.constant 1 : i32
    %dma_start3A_1480 = arith.constant 2 : i32
    %dma_start3A_1481 = arith.constant 1 : i32
    %dma_start3A_1482 = arith.constant 2 : i32
    %dma_start3A_1483 = arith.constant 0 : i32
    %dma_start3A_1484 = arith.constant 0 : i32
    %dma_start3A_1485 = tpu.memref_slice %arg4[%dma_start3A_1479, %dma_start3A_1483, %dma_start3A_1484] : memref<2x32x1024xf32, #tpu.memory_space<vmem>> -> memref<1x32x1024xf32, #tpu.memory_space<vmem>>
    %dma_start3A_1486 = tpu.memref_squeeze %dma_start3A_1485 : memref<1x32x1024xf32, #tpu.memory_space<vmem>> -> memref<32x1024xf32, #tpu.memory_space<vmem>>
    %dma_start3A_1487 = arith.constant 0 : i32
    %dma_start3A_1488 = tpu.memref_slice %arg3[%dma_start3A_1480, %add3A_1478, %dma_start3A_1487] : memref<4x8192x1024xf32, #tpu.memory_space<hbm>> -> memref<1x32x1024xf32, #tpu.memory_space<hbm>>
    %dma_start3A_1489 = tpu.memref_squeeze %dma_start3A_1488 : memref<1x32x1024xf32, #tpu.memory_space<hbm>> -> memref<32x1024xf32, #tpu.memory_space<hbm>>
    %dma_start3A_1490 = tpu.memref_slice %arg6[%dma_start3A_1481, %dma_start3A_1482] : memref<2x4x!tpu.dma_semaphore, #tpu.memory_space<semaphore_mem>> -> memref<1x1x!tpu.dma_semaphore, #tpu.memory_space<semaphore_mem>>
    %dma_start3A_1491 = tpu.memref_squeeze %dma_start3A_1490 : memref<1x1x!tpu.dma_semaphore, #tpu.memory_space<semaphore_mem>> -> memref<!tpu.dma_semaphore, #tpu.memory_space<semaphore_mem>>
    %dma_start3A_1492 = arith.constant 0 : i32
    %dma_start3A_1493 = tpu.memref_slice %arg3[%dma_start3A_1480, %add3A_1478, %dma_start3A_1492] : memref<4x8192x1024xf32, #tpu.memory_space<hbm>> -> memref<1x32x1024xf32, #tpu.memory_space<hbm>>
    %dma_start3A_1494 = tpu.memref_squeeze %dma_start3A_1493 : memref<1x32x1024xf32, #tpu.memory_space<hbm>> -> memref<32x1024xf32, #tpu.memory_space<hbm>>
    %dma_start3A_1495 = arith.constant 0 : i32
    %dma_start3A_1496 = arith.constant 0 : i32
    %dma_start3A_1497 = tpu.memref_slice %arg4[%dma_start3A_1479, %dma_start3A_1495, %dma_start3A_1496] : memref<2x32x1024xf32, #tpu.memory_space<vmem>> -> memref<1x32x1024xf32, #tpu.memory_space<vmem>>
    %dma_start3A_1498 = tpu.memref_squeeze %dma_start3A_1497 : memref<1x32x1024xf32, #tpu.memory_space<vmem>> -> memref<32x1024xf32, #tpu.memory_space<vmem>>
    tpu.enqueue_dma source(%dma_start3A_1498 : memref<32x1024xf32, #tpu.memory_space<vmem>>) target(%dma_start3A_1494 : memref<32x1024xf32, #tpu.memory_space<hbm>>) target_semaphore(%dma_start3A_1491 : memref<!tpu.dma_semaphore, #tpu.memory_space<semaphore_mem>>)
    %add3A_1499 = arith.constant 224 : i32
    %add3A_1500 = arith.addi %mul3A_2, %add3A_1499 : i32
    %dma_start3A_1501 = arith.constant 1 : i32
    %dma_start3A_1502 = arith.constant 3 : i32
    %dma_start3A_1503 = arith.constant 1 : i32
    %dma_start3A_1504 = arith.constant 3 : i32
    %dma_start3A_1505 = arith.constant 0 : i32
    %dma_start3A_1506 = arith.constant 0 : i32
    %dma_start3A_1507 = tpu.memref_slice %arg4[%dma_start3A_1501, %dma_start3A_1505, %dma_start3A_1506] : memref<2x32x1024xf32, #tpu.memory_space<vmem>> -> memref<1x32x1024xf32, #tpu.memory_space<vmem>>
    %dma_start3A_1508 = tpu.memref_squeeze %dma_start3A_1507 : memref<1x32x1024xf32, #tpu.memory_space<vmem>> -> memref<32x1024xf32, #tpu.memory_space<vmem>>
    %dma_start3A_1509 = arith.constant 0 : i32
    %dma_start3A_1510 = tpu.memref_slice %arg3[%dma_start3A_1502, %add3A_1500, %dma_start3A_1509] : memref<4x8192x1024xf32, #tpu.memory_space<hbm>> -> memref<1x32x1024xf32, #tpu.memory_space<hbm>>
    %dma_start3A_1511 = tpu.memref_squeeze %dma_start3A_1510 : memref<1x32x1024xf32, #tpu.memory_space<hbm>> -> memref<32x1024xf32, #tpu.memory_space<hbm>>
    %dma_start3A_1512 = tpu.memref_slice %arg6[%dma_start3A_1503, %dma_start3A_1504] : memref<2x4x!tpu.dma_semaphore, #tpu.memory_space<semaphore_mem>> -> memref<1x1x!tpu.dma_semaphore, #tpu.memory_space<semaphore_mem>>
    %dma_start3A_1513 = tpu.memref_squeeze %dma_start3A_1512 : memref<1x1x!tpu.dma_semaphore, #tpu.memory_space<semaphore_mem>> -> memref<!tpu.dma_semaphore, #tpu.memory_space<semaphore_mem>>
    %dma_start3A_1514 = arith.constant 0 : i32
    %dma_start3A_1515 = tpu.memref_slice %arg3[%dma_start3A_1502, %add3A_1500, %dma_start3A_1514] : memref<4x8192x1024xf32, #tpu.memory_space<hbm>> -> memref<1x32x1024xf32, #tpu.memory_space<hbm>>
    %dma_start3A_1516 = tpu.memref_squeeze %dma_start3A_1515 : memref<1x32x1024xf32, #tpu.memory_space<hbm>> -> memref<32x1024xf32, #tpu.memory_space<hbm>>
    %dma_start3A_1517 = arith.constant 0 : i32
    %dma_start3A_1518 = arith.constant 0 : i32
    %dma_start3A_1519 = tpu.memref_slice %arg4[%dma_start3A_1501, %dma_start3A_1517, %dma_start3A_1518] : memref<2x32x1024xf32, #tpu.memory_space<vmem>> -> memref<1x32x1024xf32, #tpu.memory_space<vmem>>
    %dma_start3A_1520 = tpu.memref_squeeze %dma_start3A_1519 : memref<1x32x1024xf32, #tpu.memory_space<vmem>> -> memref<32x1024xf32, #tpu.memory_space<vmem>>
    tpu.enqueue_dma source(%dma_start3A_1520 : memref<32x1024xf32, #tpu.memory_space<vmem>>) target(%dma_start3A_1516 : memref<32x1024xf32, #tpu.memory_space<hbm>>) target_semaphore(%dma_start3A_1513 : memref<!tpu.dma_semaphore, #tpu.memory_space<semaphore_mem>>)
    %add3A_1521 = arith.constant 192 : i32
    %add3A_1522 = arith.addi %mul3A_2, %add3A_1521 : i32
    %dma_wait3A_1523 = arith.constant 0 : i32
    %dma_wait3A_1524 = arith.constant 0 : i32
    %dma_wait3A_1525 = arith.constant 0 : i32
    %dma_wait3A_1526 = arith.constant 0 : i32
    %dma_wait3A_1527 = arith.constant 0 : i32
    %dma_wait3A_1528 = arith.constant 0 : i32
    %dma_wait3A_1529 = tpu.memref_slice %arg4[%dma_wait3A_1523, %dma_wait3A_1527, %dma_wait3A_1528] : memref<2x32x1024xf32, #tpu.memory_space<vmem>> -> memref<1x32x1024xf32, #tpu.memory_space<vmem>>
    %dma_wait3A_1530 = tpu.memref_squeeze %dma_wait3A_1529 : memref<1x32x1024xf32, #tpu.memory_space<vmem>> -> memref<32x1024xf32, #tpu.memory_space<vmem>>
    %dma_wait3A_1531 = arith.constant 0 : i32
    %dma_wait3A_1532 = tpu.memref_slice %arg3[%dma_wait3A_1524, %add3A_1522, %dma_wait3A_1531] : memref<4x8192x1024xf32, #tpu.memory_space<hbm>> -> memref<1x32x1024xf32, #tpu.memory_space<hbm>>
    %dma_wait3A_1533 = tpu.memref_squeeze %dma_wait3A_1532 : memref<1x32x1024xf32, #tpu.memory_space<hbm>> -> memref<32x1024xf32, #tpu.memory_space<hbm>>
    %dma_wait3A_1534 = tpu.memref_slice %arg6[%dma_wait3A_1525, %dma_wait3A_1526] : memref<2x4x!tpu.dma_semaphore, #tpu.memory_space<semaphore_mem>> -> memref<1x1x!tpu.dma_semaphore, #tpu.memory_space<semaphore_mem>>
    %dma_wait3A_1535 = tpu.memref_squeeze %dma_wait3A_1534 : memref<1x1x!tpu.dma_semaphore, #tpu.memory_space<semaphore_mem>> -> memref<!tpu.dma_semaphore, #tpu.memory_space<semaphore_mem>>
    %dma_wait3A_1536 = arith.constant 0 : i32
    %dma_wait3A_1537 = tpu.memref_slice %arg3[%dma_wait3A_1524, %add3A_1522, %dma_wait3A_1536] : memref<4x8192x1024xf32, #tpu.memory_space<hbm>> -> memref<1x32x1024xf32, #tpu.memory_space<hbm>>
    %dma_wait3A_1538 = tpu.memref_squeeze %dma_wait3A_1537 : memref<1x32x1024xf32, #tpu.memory_space<hbm>> -> memref<32x1024xf32, #tpu.memory_space<hbm>>
    %dma_wait3A_1539 = arith.constant 0 : i32
    %dma_wait3A_1540 = arith.constant 0 : i32
    %dma_wait3A_1541 = tpu.memref_slice %arg4[%dma_wait3A_1523, %dma_wait3A_1539, %dma_wait3A_1540] : memref<2x32x1024xf32, #tpu.memory_space<vmem>> -> memref<1x32x1024xf32, #tpu.memory_space<vmem>>
    %dma_wait3A_1542 = tpu.memref_squeeze %dma_wait3A_1541 : memref<1x32x1024xf32, #tpu.memory_space<vmem>> -> memref<32x1024xf32, #tpu.memory_space<vmem>>
    tpu.wait_dma2 semaphore(%dma_wait3A_1535 : memref<!tpu.dma_semaphore, #tpu.memory_space<semaphore_mem>>) src(%dma_wait3A_1542 : memref<32x1024xf32, #tpu.memory_space<vmem>>) dst(%dma_wait3A_1538 : memref<32x1024xf32, #tpu.memory_space<hbm>>)
    %add3A_1543 = arith.constant 192 : i32
    %add3A_1544 = arith.addi %mul3A_2, %add3A_1543 : i32
    %dma_wait3A_1545 = arith.constant 0 : i32
    %dma_wait3A_1546 = arith.constant 1 : i32
    %dma_wait3A_1547 = arith.constant 0 : i32
    %dma_wait3A_1548 = arith.constant 1 : i32
    %dma_wait3A_1549 = arith.constant 0 : i32
    %dma_wait3A_1550 = arith.constant 0 : i32
    %dma_wait3A_1551 = tpu.memref_slice %arg4[%dma_wait3A_1545, %dma_wait3A_1549, %dma_wait3A_1550] : memref<2x32x1024xf32, #tpu.memory_space<vmem>> -> memref<1x32x1024xf32, #tpu.memory_space<vmem>>
    %dma_wait3A_1552 = tpu.memref_squeeze %dma_wait3A_1551 : memref<1x32x1024xf32, #tpu.memory_space<vmem>> -> memref<32x1024xf32, #tpu.memory_space<vmem>>
    %dma_wait3A_1553 = arith.constant 0 : i32
    %dma_wait3A_1554 = tpu.memref_slice %arg3[%dma_wait3A_1546, %add3A_1544, %dma_wait3A_1553] : memref<4x8192x1024xf32, #tpu.memory_space<hbm>> -> memref<1x32x1024xf32, #tpu.memory_space<hbm>>
    %dma_wait3A_1555 = tpu.memref_squeeze %dma_wait3A_1554 : memref<1x32x1024xf32, #tpu.memory_space<hbm>> -> memref<32x1024xf32, #tpu.memory_space<hbm>>
    %dma_wait3A_1556 = tpu.memref_slice %arg6[%dma_wait3A_1547, %dma_wait3A_1548] : memref<2x4x!tpu.dma_semaphore, #tpu.memory_space<semaphore_mem>> -> memref<1x1x!tpu.dma_semaphore, #tpu.memory_space<semaphore_mem>>
    %dma_wait3A_1557 = tpu.memref_squeeze %dma_wait3A_1556 : memref<1x1x!tpu.dma_semaphore, #tpu.memory_space<semaphore_mem>> -> memref<!tpu.dma_semaphore, #tpu.memory_space<semaphore_mem>>
    %dma_wait3A_1558 = arith.constant 0 : i32
    %dma_wait3A_1559 = tpu.memref_slice %arg3[%dma_wait3A_1546, %add3A_1544, %dma_wait3A_1558] : memref<4x8192x1024xf32, #tpu.memory_space<hbm>> -> memref<1x32x1024xf32, #tpu.memory_space<hbm>>
    %dma_wait3A_1560 = tpu.memref_squeeze %dma_wait3A_1559 : memref<1x32x1024xf32, #tpu.memory_space<hbm>> -> memref<32x1024xf32, #tpu.memory_space<hbm>>
    %dma_wait3A_1561 = arith.constant 0 : i32
    %dma_wait3A_1562 = arith.constant 0 : i32
    %dma_wait3A_1563 = tpu.memref_slice %arg4[%dma_wait3A_1545, %dma_wait3A_1561, %dma_wait3A_1562] : memref<2x32x1024xf32, #tpu.memory_space<vmem>> -> memref<1x32x1024xf32, #tpu.memory_space<vmem>>
    %dma_wait3A_1564 = tpu.memref_squeeze %dma_wait3A_1563 : memref<1x32x1024xf32, #tpu.memory_space<vmem>> -> memref<32x1024xf32, #tpu.memory_space<vmem>>
    tpu.wait_dma2 semaphore(%dma_wait3A_1557 : memref<!tpu.dma_semaphore, #tpu.memory_space<semaphore_mem>>) src(%dma_wait3A_1564 : memref<32x1024xf32, #tpu.memory_space<vmem>>) dst(%dma_wait3A_1560 : memref<32x1024xf32, #tpu.memory_space<hbm>>)
    %add3A_1565 = arith.constant 192 : i32
    %add3A_1566 = arith.addi %mul3A_2, %add3A_1565 : i32
    %dma_wait3A_1567 = arith.constant 0 : i32
    %dma_wait3A_1568 = arith.constant 2 : i32
    %dma_wait3A_1569 = arith.constant 0 : i32
    %dma_wait3A_1570 = arith.constant 2 : i32
    %dma_wait3A_1571 = arith.constant 0 : i32
    %dma_wait3A_1572 = arith.constant 0 : i32
    %dma_wait3A_1573 = tpu.memref_slice %arg4[%dma_wait3A_1567, %dma_wait3A_1571, %dma_wait3A_1572] : memref<2x32x1024xf32, #tpu.memory_space<vmem>> -> memref<1x32x1024xf32, #tpu.memory_space<vmem>>
    %dma_wait3A_1574 = tpu.memref_squeeze %dma_wait3A_1573 : memref<1x32x1024xf32, #tpu.memory_space<vmem>> -> memref<32x1024xf32, #tpu.memory_space<vmem>>
    %dma_wait3A_1575 = arith.constant 0 : i32
    %dma_wait3A_1576 = tpu.memref_slice %arg3[%dma_wait3A_1568, %add3A_1566, %dma_wait3A_1575] : memref<4x8192x1024xf32, #tpu.memory_space<hbm>> -> memref<1x32x1024xf32, #tpu.memory_space<hbm>>
    %dma_wait3A_1577 = tpu.memref_squeeze %dma_wait3A_1576 : memref<1x32x1024xf32, #tpu.memory_space<hbm>> -> memref<32x1024xf32, #tpu.memory_space<hbm>>
    %dma_wait3A_1578 = tpu.memref_slice %arg6[%dma_wait3A_1569, %dma_wait3A_1570] : memref<2x4x!tpu.dma_semaphore, #tpu.memory_space<semaphore_mem>> -> memref<1x1x!tpu.dma_semaphore, #tpu.memory_space<semaphore_mem>>
    %dma_wait3A_1579 = tpu.memref_squeeze %dma_wait3A_1578 : memref<1x1x!tpu.dma_semaphore, #tpu.memory_space<semaphore_mem>> -> memref<!tpu.dma_semaphore, #tpu.memory_space<semaphore_mem>>
    %dma_wait3A_1580 = arith.constant 0 : i32
    %dma_wait3A_1581 = tpu.memref_slice %arg3[%dma_wait3A_1568, %add3A_1566, %dma_wait3A_1580] : memref<4x8192x1024xf32, #tpu.memory_space<hbm>> -> memref<1x32x1024xf32, #tpu.memory_space<hbm>>
    %dma_wait3A_1582 = tpu.memref_squeeze %dma_wait3A_1581 : memref<1x32x1024xf32, #tpu.memory_space<hbm>> -> memref<32x1024xf32, #tpu.memory_space<hbm>>
    %dma_wait3A_1583 = arith.constant 0 : i32
    %dma_wait3A_1584 = arith.constant 0 : i32
    %dma_wait3A_1585 = tpu.memref_slice %arg4[%dma_wait3A_1567, %dma_wait3A_1583, %dma_wait3A_1584] : memref<2x32x1024xf32, #tpu.memory_space<vmem>> -> memref<1x32x1024xf32, #tpu.memory_space<vmem>>
    %dma_wait3A_1586 = tpu.memref_squeeze %dma_wait3A_1585 : memref<1x32x1024xf32, #tpu.memory_space<vmem>> -> memref<32x1024xf32, #tpu.memory_space<vmem>>
    tpu.wait_dma2 semaphore(%dma_wait3A_1579 : memref<!tpu.dma_semaphore, #tpu.memory_space<semaphore_mem>>) src(%dma_wait3A_1586 : memref<32x1024xf32, #tpu.memory_space<vmem>>) dst(%dma_wait3A_1582 : memref<32x1024xf32, #tpu.memory_space<hbm>>)
    %add3A_1587 = arith.constant 192 : i32
    %add3A_1588 = arith.addi %mul3A_2, %add3A_1587 : i32
    %dma_wait3A_1589 = arith.constant 0 : i32
    %dma_wait3A_1590 = arith.constant 3 : i32
    %dma_wait3A_1591 = arith.constant 0 : i32
    %dma_wait3A_1592 = arith.constant 3 : i32
    %dma_wait3A_1593 = arith.constant 0 : i32
    %dma_wait3A_1594 = arith.constant 0 : i32
    %dma_wait3A_1595 = tpu.memref_slice %arg4[%dma_wait3A_1589, %dma_wait3A_1593, %dma_wait3A_1594] : memref<2x32x1024xf32, #tpu.memory_space<vmem>> -> memref<1x32x1024xf32, #tpu.memory_space<vmem>>
    %dma_wait3A_1596 = tpu.memref_squeeze %dma_wait3A_1595 : memref<1x32x1024xf32, #tpu.memory_space<vmem>> -> memref<32x1024xf32, #tpu.memory_space<vmem>>
    %dma_wait3A_1597 = arith.constant 0 : i32
    %dma_wait3A_1598 = tpu.memref_slice %arg3[%dma_wait3A_1590, %add3A_1588, %dma_wait3A_1597] : memref<4x8192x1024xf32, #tpu.memory_space<hbm>> -> memref<1x32x1024xf32, #tpu.memory_space<hbm>>
    %dma_wait3A_1599 = tpu.memref_squeeze %dma_wait3A_1598 : memref<1x32x1024xf32, #tpu.memory_space<hbm>> -> memref<32x1024xf32, #tpu.memory_space<hbm>>
    %dma_wait3A_1600 = tpu.memref_slice %arg6[%dma_wait3A_1591, %dma_wait3A_1592] : memref<2x4x!tpu.dma_semaphore, #tpu.memory_space<semaphore_mem>> -> memref<1x1x!tpu.dma_semaphore, #tpu.memory_space<semaphore_mem>>
    %dma_wait3A_1601 = tpu.memref_squeeze %dma_wait3A_1600 : memref<1x1x!tpu.dma_semaphore, #tpu.memory_space<semaphore_mem>> -> memref<!tpu.dma_semaphore, #tpu.memory_space<semaphore_mem>>
    %dma_wait3A_1602 = arith.constant 0 : i32
    %dma_wait3A_1603 = tpu.memref_slice %arg3[%dma_wait3A_1590, %add3A_1588, %dma_wait3A_1602] : memref<4x8192x1024xf32, #tpu.memory_space<hbm>> -> memref<1x32x1024xf32, #tpu.memory_space<hbm>>
    %dma_wait3A_1604 = tpu.memref_squeeze %dma_wait3A_1603 : memref<1x32x1024xf32, #tpu.memory_space<hbm>> -> memref<32x1024xf32, #tpu.memory_space<hbm>>
    %dma_wait3A_1605 = arith.constant 0 : i32
    %dma_wait3A_1606 = arith.constant 0 : i32
    %dma_wait3A_1607 = tpu.memref_slice %arg4[%dma_wait3A_1589, %dma_wait3A_1605, %dma_wait3A_1606] : memref<2x32x1024xf32, #tpu.memory_space<vmem>> -> memref<1x32x1024xf32, #tpu.memory_space<vmem>>
    %dma_wait3A_1608 = tpu.memref_squeeze %dma_wait3A_1607 : memref<1x32x1024xf32, #tpu.memory_space<vmem>> -> memref<32x1024xf32, #tpu.memory_space<vmem>>
    tpu.wait_dma2 semaphore(%dma_wait3A_1601 : memref<!tpu.dma_semaphore, #tpu.memory_space<semaphore_mem>>) src(%dma_wait3A_1608 : memref<32x1024xf32, #tpu.memory_space<vmem>>) dst(%dma_wait3A_1604 : memref<32x1024xf32, #tpu.memory_space<hbm>>)
    %add3A_1609 = arith.constant 224 : i32
    %add3A_1610 = arith.addi %mul3A_2, %add3A_1609 : i32
    %dma_wait3A_1611 = arith.constant 1 : i32
    %dma_wait3A_1612 = arith.constant 0 : i32
    %dma_wait3A_1613 = arith.constant 1 : i32
    %dma_wait3A_1614 = arith.constant 0 : i32
    %dma_wait3A_1615 = arith.constant 0 : i32
    %dma_wait3A_1616 = arith.constant 0 : i32
    %dma_wait3A_1617 = tpu.memref_slice %arg4[%dma_wait3A_1611, %dma_wait3A_1615, %dma_wait3A_1616] : memref<2x32x1024xf32, #tpu.memory_space<vmem>> -> memref<1x32x1024xf32, #tpu.memory_space<vmem>>
    %dma_wait3A_1618 = tpu.memref_squeeze %dma_wait3A_1617 : memref<1x32x1024xf32, #tpu.memory_space<vmem>> -> memref<32x1024xf32, #tpu.memory_space<vmem>>
    %dma_wait3A_1619 = arith.constant 0 : i32
    %dma_wait3A_1620 = tpu.memref_slice %arg3[%dma_wait3A_1612, %add3A_1610, %dma_wait3A_1619] : memref<4x8192x1024xf32, #tpu.memory_space<hbm>> -> memref<1x32x1024xf32, #tpu.memory_space<hbm>>
    %dma_wait3A_1621 = tpu.memref_squeeze %dma_wait3A_1620 : memref<1x32x1024xf32, #tpu.memory_space<hbm>> -> memref<32x1024xf32, #tpu.memory_space<hbm>>
    %dma_wait3A_1622 = tpu.memref_slice %arg6[%dma_wait3A_1613, %dma_wait3A_1614] : memref<2x4x!tpu.dma_semaphore, #tpu.memory_space<semaphore_mem>> -> memref<1x1x!tpu.dma_semaphore, #tpu.memory_space<semaphore_mem>>
    %dma_wait3A_1623 = tpu.memref_squeeze %dma_wait3A_1622 : memref<1x1x!tpu.dma_semaphore, #tpu.memory_space<semaphore_mem>> -> memref<!tpu.dma_semaphore, #tpu.memory_space<semaphore_mem>>
    %dma_wait3A_1624 = arith.constant 0 : i32
    %dma_wait3A_1625 = tpu.memref_slice %arg3[%dma_wait3A_1612, %add3A_1610, %dma_wait3A_1624] : memref<4x8192x1024xf32, #tpu.memory_space<hbm>> -> memref<1x32x1024xf32, #tpu.memory_space<hbm>>
    %dma_wait3A_1626 = tpu.memref_squeeze %dma_wait3A_1625 : memref<1x32x1024xf32, #tpu.memory_space<hbm>> -> memref<32x1024xf32, #tpu.memory_space<hbm>>
    %dma_wait3A_1627 = arith.constant 0 : i32
    %dma_wait3A_1628 = arith.constant 0 : i32
    %dma_wait3A_1629 = tpu.memref_slice %arg4[%dma_wait3A_1611, %dma_wait3A_1627, %dma_wait3A_1628] : memref<2x32x1024xf32, #tpu.memory_space<vmem>> -> memref<1x32x1024xf32, #tpu.memory_space<vmem>>
    %dma_wait3A_1630 = tpu.memref_squeeze %dma_wait3A_1629 : memref<1x32x1024xf32, #tpu.memory_space<vmem>> -> memref<32x1024xf32, #tpu.memory_space<vmem>>
    tpu.wait_dma2 semaphore(%dma_wait3A_1623 : memref<!tpu.dma_semaphore, #tpu.memory_space<semaphore_mem>>) src(%dma_wait3A_1630 : memref<32x1024xf32, #tpu.memory_space<vmem>>) dst(%dma_wait3A_1626 : memref<32x1024xf32, #tpu.memory_space<hbm>>)
    %add3A_1631 = arith.constant 224 : i32
    %add3A_1632 = arith.addi %mul3A_2, %add3A_1631 : i32
    %dma_wait3A_1633 = arith.constant 1 : i32
    %dma_wait3A_1634 = arith.constant 1 : i32
    %dma_wait3A_1635 = arith.constant 1 : i32
    %dma_wait3A_1636 = arith.constant 1 : i32
    %dma_wait3A_1637 = arith.constant 0 : i32
    %dma_wait3A_1638 = arith.constant 0 : i32
    %dma_wait3A_1639 = tpu.memref_slice %arg4[%dma_wait3A_1633, %dma_wait3A_1637, %dma_wait3A_1638] : memref<2x32x1024xf32, #tpu.memory_space<vmem>> -> memref<1x32x1024xf32, #tpu.memory_space<vmem>>
    %dma_wait3A_1640 = tpu.memref_squeeze %dma_wait3A_1639 : memref<1x32x1024xf32, #tpu.memory_space<vmem>> -> memref<32x1024xf32, #tpu.memory_space<vmem>>
    %dma_wait3A_1641 = arith.constant 0 : i32
    %dma_wait3A_1642 = tpu.memref_slice %arg3[%dma_wait3A_1634, %add3A_1632, %dma_wait3A_1641] : memref<4x8192x1024xf32, #tpu.memory_space<hbm>> -> memref<1x32x1024xf32, #tpu.memory_space<hbm>>
    %dma_wait3A_1643 = tpu.memref_squeeze %dma_wait3A_1642 : memref<1x32x1024xf32, #tpu.memory_space<hbm>> -> memref<32x1024xf32, #tpu.memory_space<hbm>>
    %dma_wait3A_1644 = tpu.memref_slice %arg6[%dma_wait3A_1635, %dma_wait3A_1636] : memref<2x4x!tpu.dma_semaphore, #tpu.memory_space<semaphore_mem>> -> memref<1x1x!tpu.dma_semaphore, #tpu.memory_space<semaphore_mem>>
    %dma_wait3A_1645 = tpu.memref_squeeze %dma_wait3A_1644 : memref<1x1x!tpu.dma_semaphore, #tpu.memory_space<semaphore_mem>> -> memref<!tpu.dma_semaphore, #tpu.memory_space<semaphore_mem>>
    %dma_wait3A_1646 = arith.constant 0 : i32
    %dma_wait3A_1647 = tpu.memref_slice %arg3[%dma_wait3A_1634, %add3A_1632, %dma_wait3A_1646] : memref<4x8192x1024xf32, #tpu.memory_space<hbm>> -> memref<1x32x1024xf32, #tpu.memory_space<hbm>>
    %dma_wait3A_1648 = tpu.memref_squeeze %dma_wait3A_1647 : memref<1x32x1024xf32, #tpu.memory_space<hbm>> -> memref<32x1024xf32, #tpu.memory_space<hbm>>
    %dma_wait3A_1649 = arith.constant 0 : i32
    %dma_wait3A_1650 = arith.constant 0 : i32
    %dma_wait3A_1651 = tpu.memref_slice %arg4[%dma_wait3A_1633, %dma_wait3A_1649, %dma_wait3A_1650] : memref<2x32x1024xf32, #tpu.memory_space<vmem>> -> memref<1x32x1024xf32, #tpu.memory_space<vmem>>
    %dma_wait3A_1652 = tpu.memref_squeeze %dma_wait3A_1651 : memref<1x32x1024xf32, #tpu.memory_space<vmem>> -> memref<32x1024xf32, #tpu.memory_space<vmem>>
    tpu.wait_dma2 semaphore(%dma_wait3A_1645 : memref<!tpu.dma_semaphore, #tpu.memory_space<semaphore_mem>>) src(%dma_wait3A_1652 : memref<32x1024xf32, #tpu.memory_space<vmem>>) dst(%dma_wait3A_1648 : memref<32x1024xf32, #tpu.memory_space<hbm>>)
    %add3A_1653 = arith.constant 224 : i32
    %add3A_1654 = arith.addi %mul3A_2, %add3A_1653 : i32
    %dma_wait3A_1655 = arith.constant 1 : i32
    %dma_wait3A_1656 = arith.constant 2 : i32
    %dma_wait3A_1657 = arith.constant 1 : i32
    %dma_wait3A_1658 = arith.constant 2 : i32
    %dma_wait3A_1659 = arith.constant 0 : i32
    %dma_wait3A_1660 = arith.constant 0 : i32
    %dma_wait3A_1661 = tpu.memref_slice %arg4[%dma_wait3A_1655, %dma_wait3A_1659, %dma_wait3A_1660] : memref<2x32x1024xf32, #tpu.memory_space<vmem>> -> memref<1x32x1024xf32, #tpu.memory_space<vmem>>
    %dma_wait3A_1662 = tpu.memref_squeeze %dma_wait3A_1661 : memref<1x32x1024xf32, #tpu.memory_space<vmem>> -> memref<32x1024xf32, #tpu.memory_space<vmem>>
    %dma_wait3A_1663 = arith.constant 0 : i32
    %dma_wait3A_1664 = tpu.memref_slice %arg3[%dma_wait3A_1656, %add3A_1654, %dma_wait3A_1663] : memref<4x8192x1024xf32, #tpu.memory_space<hbm>> -> memref<1x32x1024xf32, #tpu.memory_space<hbm>>
    %dma_wait3A_1665 = tpu.memref_squeeze %dma_wait3A_1664 : memref<1x32x1024xf32, #tpu.memory_space<hbm>> -> memref<32x1024xf32, #tpu.memory_space<hbm>>
    %dma_wait3A_1666 = tpu.memref_slice %arg6[%dma_wait3A_1657, %dma_wait3A_1658] : memref<2x4x!tpu.dma_semaphore, #tpu.memory_space<semaphore_mem>> -> memref<1x1x!tpu.dma_semaphore, #tpu.memory_space<semaphore_mem>>
    %dma_wait3A_1667 = tpu.memref_squeeze %dma_wait3A_1666 : memref<1x1x!tpu.dma_semaphore, #tpu.memory_space<semaphore_mem>> -> memref<!tpu.dma_semaphore, #tpu.memory_space<semaphore_mem>>
    %dma_wait3A_1668 = arith.constant 0 : i32
    %dma_wait3A_1669 = tpu.memref_slice %arg3[%dma_wait3A_1656, %add3A_1654, %dma_wait3A_1668] : memref<4x8192x1024xf32, #tpu.memory_space<hbm>> -> memref<1x32x1024xf32, #tpu.memory_space<hbm>>
    %dma_wait3A_1670 = tpu.memref_squeeze %dma_wait3A_1669 : memref<1x32x1024xf32, #tpu.memory_space<hbm>> -> memref<32x1024xf32, #tpu.memory_space<hbm>>
    %dma_wait3A_1671 = arith.constant 0 : i32
    %dma_wait3A_1672 = arith.constant 0 : i32
    %dma_wait3A_1673 = tpu.memref_slice %arg4[%dma_wait3A_1655, %dma_wait3A_1671, %dma_wait3A_1672] : memref<2x32x1024xf32, #tpu.memory_space<vmem>> -> memref<1x32x1024xf32, #tpu.memory_space<vmem>>
    %dma_wait3A_1674 = tpu.memref_squeeze %dma_wait3A_1673 : memref<1x32x1024xf32, #tpu.memory_space<vmem>> -> memref<32x1024xf32, #tpu.memory_space<vmem>>
    tpu.wait_dma2 semaphore(%dma_wait3A_1667 : memref<!tpu.dma_semaphore, #tpu.memory_space<semaphore_mem>>) src(%dma_wait3A_1674 : memref<32x1024xf32, #tpu.memory_space<vmem>>) dst(%dma_wait3A_1670 : memref<32x1024xf32, #tpu.memory_space<hbm>>)
    %add3A_1675 = arith.constant 224 : i32
    %add3A_1676 = arith.addi %mul3A_2, %add3A_1675 : i32
    %dma_wait3A_1677 = arith.constant 1 : i32
    %dma_wait3A_1678 = arith.constant 3 : i32
    %dma_wait3A_1679 = arith.constant 1 : i32
    %dma_wait3A_1680 = arith.constant 3 : i32
    %dma_wait3A_1681 = arith.constant 0 : i32
    %dma_wait3A_1682 = arith.constant 0 : i32
    %dma_wait3A_1683 = tpu.memref_slice %arg4[%dma_wait3A_1677, %dma_wait3A_1681, %dma_wait3A_1682] : memref<2x32x1024xf32, #tpu.memory_space<vmem>> -> memref<1x32x1024xf32, #tpu.memory_space<vmem>>
    %dma_wait3A_1684 = tpu.memref_squeeze %dma_wait3A_1683 : memref<1x32x1024xf32, #tpu.memory_space<vmem>> -> memref<32x1024xf32, #tpu.memory_space<vmem>>
    %dma_wait3A_1685 = arith.constant 0 : i32
    %dma_wait3A_1686 = tpu.memref_slice %arg3[%dma_wait3A_1678, %add3A_1676, %dma_wait3A_1685] : memref<4x8192x1024xf32, #tpu.memory_space<hbm>> -> memref<1x32x1024xf32, #tpu.memory_space<hbm>>
    %dma_wait3A_1687 = tpu.memref_squeeze %dma_wait3A_1686 : memref<1x32x1024xf32, #tpu.memory_space<hbm>> -> memref<32x1024xf32, #tpu.memory_space<hbm>>
    %dma_wait3A_1688 = tpu.memref_slice %arg6[%dma_wait3A_1679, %dma_wait3A_1680] : memref<2x4x!tpu.dma_semaphore, #tpu.memory_space<semaphore_mem>> -> memref<1x1x!tpu.dma_semaphore, #tpu.memory_space<semaphore_mem>>
    %dma_wait3A_1689 = tpu.memref_squeeze %dma_wait3A_1688 : memref<1x1x!tpu.dma_semaphore, #tpu.memory_space<semaphore_mem>> -> memref<!tpu.dma_semaphore, #tpu.memory_space<semaphore_mem>>
    %dma_wait3A_1690 = arith.constant 0 : i32
    %dma_wait3A_1691 = tpu.memref_slice %arg3[%dma_wait3A_1678, %add3A_1676, %dma_wait3A_1690] : memref<4x8192x1024xf32, #tpu.memory_space<hbm>> -> memref<1x32x1024xf32, #tpu.memory_space<hbm>>
    %dma_wait3A_1692 = tpu.memref_squeeze %dma_wait3A_1691 : memref<1x32x1024xf32, #tpu.memory_space<hbm>> -> memref<32x1024xf32, #tpu.memory_space<hbm>>
    %dma_wait3A_1693 = arith.constant 0 : i32
    %dma_wait3A_1694 = arith.constant 0 : i32
    %dma_wait3A_1695 = tpu.memref_slice %arg4[%dma_wait3A_1677, %dma_wait3A_1693, %dma_wait3A_1694] : memref<2x32x1024xf32, #tpu.memory_space<vmem>> -> memref<1x32x1024xf32, #tpu.memory_space<vmem>>
    %dma_wait3A_1696 = tpu.memref_squeeze %dma_wait3A_1695 : memref<1x32x1024xf32, #tpu.memory_space<vmem>> -> memref<32x1024xf32, #tpu.memory_space<vmem>>
    tpu.wait_dma2 semaphore(%dma_wait3A_1689 : memref<!tpu.dma_semaphore, #tpu.memory_space<semaphore_mem>>) src(%dma_wait3A_1696 : memref<32x1024xf32, #tpu.memory_space<vmem>>) dst(%dma_wait3A_1692 : memref<32x1024xf32, #tpu.memory_space<hbm>>)
    return
  }
}

</mosaic_0001>

<sc_bundles>
// kernel: kernel.3.cloned.1.call-start
scs
__scs_entry_jumppad:
0x0: {  	(pc) =	sbr.rel $0x88, $3  }
0x1: {  	(tag) =	ssettag $0x0;
	lr =	simm.s32 $0x1  }
0x2: {  	[smem:$0x3FA0] =	sst lr;
	_ =	strace $0xD0000000  }
0x3: {  	_ = 	snop  }
0x4: {  	_ = 	snop  }
0x5: {  	_ = 	snop  }
0x6: {  	_ = 	snop  }
0x7: {  	_ = 	snop  }
__scs_overlays_trampoline_lowered:
0x8: {  	[smem:$0x3FAF] =	sst s0  }
0x9: {  	[smem:$0x3FB0] =	sst s1  }
0xa: {  	[smem:$0x3FB1] =	sst s2  }
0xb: {  	[smem:$0x3FB2] =	sst s3  }
0xc: {  	[smem:$0x3FB3] =	sst s4  }
0xd: {  	[smem:$0x3FB4] =	sst s5  }
0xe: {  	[smem:$0x3FB5] =	sst s6  }
0xf: {  	[smem:$0x3FB6] =	sst s7  }
0x10: {  	[smem:$0x3FB7] =	sst s8  }
0x11: {  	[smem:$0x3FB8] =	sst s9;
	s0 =	simm.s32 @!p0 $0x0  }
0x12: {  	s1 =	sld [smem:$0x3F9E];
	s0 =	simm.s32 @p0 $0x1  }
0x13: {  	[smem:$0x3FB9] =	sst s0;
	s0 =	simm.s32 @!p1 $0x0  }
0x14: {  	s2 =	sld [smem:$0x3F9D];
	s0 =	simm.s32 @p1 $0x1  }
0x15: {  	[smem:$0x3FBA] =	sst s0;
	s0 =	simm.s32 @!p2 $0x0  }
0x16: {  	s3 =	sld [smem:$0x3FDB];
	s0 =	simm.s32 @p2 $0x1  }
0x17: {  	s4 =	simm.s32 $0x1BF5;
	[smem:$0x3FBC] =	sst s0  }
0x18: {  	s0 =	sld [smem:$0x3F9F];
	_ =	swait.ge [sflag:s4], $0x0  }
0x19: {  	s7 =	sld [smem:$0x3FA0]  }
0x1a: {  	s8 =	sadd.s32 $0xFFFFE003, lr  }
0x1b: {  	s9 =	sadd.s32 $0xFFFFFEF7, lr;
	s5 =	simm.s32 $0xFFFFFFFF;
	p2 =	slt.u32 s8, $0xFFFFF086  }
0x1c: {  	p1 =	slt.u32 s9, $0xF7A;
	s5 =	simm.s32 @!p2 $0x0  }
0x1d: {  	s5 =	simm.s32 @p1 $0x1;
	p0 =	seq.s32 s7, s2  }
0x1e: {  	s7 =	smul.u32 @!p0 $0xF7A, s2;
	p2 =	seq.s32 @!p0 s5, $0x0  }
0x1f: {  	s9 =	smul.u32 $0xF7A, s1;
	s8 =	simm.s32 @!p0 $0x1BF5;
	p2 =	por !p2, p0  }
0x20: {  	[sflag:s8] =	ssyncset.s32 @!p0 $0xFFFFF086;
	s6 =	sadd.s32 @!p0 s3, s7;
	s7 =	simm.s32 @!p0 $0x108  }
0x21: {  	s3 =	sadd.s32 s3, s9;
	s6 =	sadd.s32 @!p0 $0x88, s6;
	s7 =	simm.s32 @p2 $0x1082  }
0x22: {  	[simem:s7], [sflag:s8] =	dma.local @!p0 [hbm:s6], $0xF7A  }
0x23: {  	s9 =	sor.u32 $0xD0000000, s2;
	s6 =	simm.s32 $0x108;
	_ =	swait.ge @!p0 [sflag:s8], $0x0  }
0x24: {  	s3 =	sadd.s32 $0x88, s3;
	s6 =	simm.s32 @!p1 $0x1082;
	[sflag:s4] =	ssyncset.s32 $0xFFFFF086  }
0x25: {  	[simem:s6], [sflag:s4] =	dma.local [hbm:s3], $0xF7A  }
0x26: {  	[smem:$0x3FA0] =	sst s1;
	(tag) =	ssettag s2;
	_ =	strace s9  }
0x27: {  	s1 =	sld [smem:$0x3FB0]  }
0x28: {  	s2 =	sld [smem:$0x3FB1]  }
0x29: {  	s4 =	sld [smem:$0x3FB3]  }
0x2a: {  	p0 =	seq.s32 s5, $0x0;
	s5 =	sld [smem:$0x3FB4]  }
0x2b: {  	s6 =	sld [smem:$0x3FB5]  }
0x2c: {  	s7 =	sld [smem:$0x3FB6]  }
0x2d: {  	s3 =	simm.s32 $0x108;
	s8 =	sld [smem:$0x3FB7]  }
0x2e: {  	s3 =	simm.s32 @!p0 $0x1082;
	s9 =	sld [smem:$0x3FB8]  }
0x2f: {  	lr =	sadd.s32 s0, s3;
	s0 =	sld [smem:$0x3FAF]  }
0x30: {  	s3 =	sld [smem:$0x3FB2]  }
0x31: {  	[smem:$0x3FBB] =	sst s10  }
0x32: {  	s10 =	sld [smem:$0x3FB9];
	_ =	sdelay $0x3  }
0x33: {  	p0 =	seq.s32 s10, $0x1;
	s10 =	sld [smem:$0x3FBB];
	_ =	sdelay $0x3  }
0x34: {  	[smem:$0x3FBB] =	sst s10  }
0x35: {  	s10 =	sld [smem:$0x3FBA];
	_ =	sdelay $0x3  }
0x36: {  	p1 =	seq.s32 s10, $0x1;
	s10 =	sld [smem:$0x3FBB];
	_ =	sdelay $0x3  }
0x37: {  	[smem:$0x3FBB] =	sst s10  }
0x38: {  	s10 =	sld [smem:$0x3FBC]  }
0x39: {  	_ = 	snop;
	(pc) =	sbr.ind lr, $3  }
0x3a: {  	_ = 	snop  }
0x3b: {  	_ = 	snop  }
0x3c: {  	p2 =	seq.s32 s10, $0x1;
	s10 =	sld [smem:$0x3FBB]  }
0x3d: {  	_ =	shalt  }
0x3e: {  	_ =	shalt  }
0x3f: {  	_ =	shalt  }
0x40: {  	_ =	shalt  }
0x41: {  	_ =	shalt  }
0x42: {  	_ =	shalt  }
0x43: {  	_ =	shalt  }
0x44: {  	_ =	shalt  }
0x45: {  	_ =	shalt  }
0x46: {  	_ =	shalt  }
0x47: {  	_ =	shalt  }
0x48: {  	_ =	shalt  }
0x49: {  	_ =	shalt  }
0x4a: {  	_ =	shalt  }
0x4b: {  	_ =	shalt  }
0x4c: {  	_ =	shalt  }
0x4d: {  	_ =	shalt  }
0x4e: {  	_ =	shalt  }
0x4f: {  	_ =	shalt  }
0x50: {  	_ =	shalt  }
0x51: {  	_ =	shalt  }
0x52: {  	_ =	shalt  }
0x53: {  	_ =	shalt  }
0x54: {  	_ =	shalt  }
0x55: {  	_ =	shalt  }
0x56: {  	_ =	shalt  }
0x57: {  	_ =	shalt  }
0x58: {  	_ =	shalt  }
0x59: {  	_ =	shalt  }
0x5a: {  	_ =	shalt  }
0x5b: {  	_ =	shalt  }
0x5c: {  	_ =	shalt  }
0x5d: {  	_ =	shalt  }
0x5e: {  	_ =	shalt  }
0x5f: {  	_ =	shalt  }
0x60: {  	_ =	shalt  }
0x61: {  	_ =	shalt  }
0x62: {  	_ =	shalt  }
0x63: {  	_ =	shalt  }
0x64: {  	_ =	shalt  }
0x65: {  	_ =	shalt  }
0x66: {  	_ =	shalt  }
0x67: {  	_ =	shalt  }
0x68: {  	_ =	shalt  }
0x69: {  	_ =	shalt  }
0x6a: {  	_ =	shalt  }
0x6b: {  	_ =	shalt  }
0x6c: {  	_ =	shalt  }
0x6d: {  	_ =	shalt  }
0x6e: {  	_ =	shalt  }
0x6f: {  	_ =	shalt  }
0x70: {  	_ =	shalt  }
0x71: {  	_ =	shalt  }
0x72: {  	_ =	shalt  }
0x73: {  	_ =	shalt  }
0x74: {  	_ =	shalt  }
0x75: {  	_ =	shalt  }
0x76: {  	_ =	shalt  }
0x77: {  	_ =	shalt  }
0x78: {  	_ =	shalt  }
0x79: {  	_ =	shalt  }
0x7a: {  	_ =	shalt  }
0x7b: {  	_ =	shalt  }
0x7c: {  	_ =	shalt  }
0x7d: {  	_ =	shalt  }
0x7e: {  	_ =	shalt  }
0x7f: {  	_ =	shalt  }
0x80: {  	_ =	shalt  }
0x81: {  	_ =	shalt  }
0x82: {  	_ =	shalt  }
0x83: {  	_ =	shalt  }
0x84: {  	_ =	shalt  }
0x85: {  	_ =	shalt  }
0x86: {  	_ =	shalt  }
0x87: {  	_ =	shalt  }
.Lfunc_end0:
.L_simem_size_0:
called_computation_lowered:
.L_overlay_start_0:
0x88: {  	s2 =	sld [smem:$0x3FD9]  }
0x89: {  	s3 =	sld [smem:$0x3FFE];
	_ =	sdelay $0x1  }
0x8a: {  	s1 =	srdreg.scid  }
0x8b: {  	s0 =	sand.u32 $0x1, s1  }
0x8c: {  	s18 =	sshll.u32 s0, $0xA;
	s2 =	sadd.s32 s3, s2  }
0x8d: {  	s2 =	sadd.s32 s2, s18  }
0x8e: {  	[smem:$0x3FC7] =	sst s2  }
0x8f: {  	_ = 	snop  }
0x90: {  	s2 =	sld [smem:$0x3FC9]  }
0x91: {  	s19 =	sld [smem:$0x3FD0];
	(tm) =	ssettm $0x1  }
0x92: {  	s4 =	sld [smem:$0x3FFB];
	_ =	sdelay $0x3  }
0x93: {  	_ =	strace s4  }
0x94: {  	s4 =	sld [smem:$0x3FFC];
	_ =	sdelay $0x3  }
0x95: {  	_ =	strace s4  }
0x96: {  	s4 =	sld [smem:$0x3FFD];
	_ =	sdelay $0x3  }
0x97: {  	_ =	strace s4  }
0x98: {  	_ =	strace $0x8FFFFFFF  }
0x99: {  	s20 =	sld [smem:$0x3FDB];
	_ =	sdelay $0x1  }
0x9a: {  	s5 =	simm.s32 $_scs_section_size  }
0x9b: {  	s6 =	simm.s32 $_size__tile_overlayer_lowered;
	s7 =	simm.s32 $_tile_overlayer_lowered  }
0x9c: {  	s23 =	simm.s32 $0x1BFF;
	s22 =	sshll.u32 s7, $0x1;
	s4 =	sadd.s32 s5, s20  }
0x9d: {  	s8 =	simm.s32 $0x0;
	s21 =	sshll.u32 s6, $0x1;
	s6 =	sadd.s32 s22, s4  }
0x9e: {  	[timem:s8], [sflag:s23] =	dma.local [hbm:s6], s21  }
0x9f: {  	_ =	swait.ge [sflag:s23], s21  }
0xa0: {  	s5 =	ssub.s32 $0x0, s21;
	[sflag:s23] =	ssyncset.done $0x0  }
0xa1: {  	[sflag:s23] =	ssyncadd.s32 s5;
	_ =	sdelay $0x1  }
0xa2: {  	s24 =	simm.s32 $0x1B8B  }
0xa3: {  	_ =	swait.ge [sflag:s24], $0x1  }
0xa4: {  	[sflag:s24] =	ssyncset.done $0x0  }
0xa5: {  	s25 =	simm.s32 $0x1B8E;
	[sflag:s24] =	ssyncadd.s32 $0xFFFFFFFF  }
0xa6: {  	s26 =	simm.s32 $execute0_lowered;
	[smem:$0x3FD2] =	sst s25  }
0xa7: {  	s5 =	sshll.u32 s26, $0x1;
	_ =	strace $0x80000046;
	[dreg:$0x1] =	wrdreg $0xFFFFFFFF  }
0xa8: {  	s28 =	simm.s32 $_size_execute0_lowered;
	s4 =	sadd.s32 s4, s5;
	[dreg:$0x0] =	wrdreg $0x0  }
0xa9: {  	s5 =	sshll.u32 s28, $0x1;
	[dreg:$0x2] =	wrdreg s4  }
0xaa: {  	[dreg:$0x3] =	wrdreg s5  }
0xab: {  	[dreg:$0x4] =	wrdreg $0xC0  }
0xac: {  	_ =	task [dreg:s8], $0x5FFFF  }
0xad: {  	[dreg:$0x1] =	wrdreg $0xFFFFFFFF  }
0xae: {  	[dreg:$0x0] =	wrdreg $0x60  }
0xaf: {  	[dreg:$0x2] =	wrdreg s2  }
0xb0: {  	[dreg:$0x3] =	wrdreg s19  }
0xb1: {  	[dreg:$0x4] =	wrdreg $0x9  }
0xb2: {  	_ =	task.clear_ibuf [dreg:s8], $0x5FFFF;
	_ =	strace $0x90000046  }
0xb3: {  	s29 =	simm.s32 $0x9;
	_ =	strace $0x80000048  }
0xb4: {  	_ =	swait.ge [sflag:s29], $0x1  }
0xb5: {  	[sflag:s29] =	ssyncadd.s32 $0xFFFFFFFF  }
0xb6: {  	_ =	strace $0x90000048  }
0xb7: {  	_ =	sfence  }
0xb8: {  	s30 =	sld [smem:$0x0];
	_ =	sdelay $0x2  }
0xb9: {  	s31 =	sshll.u32 s1, $0xD;
	s1 =	sshrl.u32 s1, $0x2  }
0xba: {  	s3 =	sand.u32 $0x4000, s31;
	s1 =	sadd.s32 s1, s30  }
0xbb: {  	s0 =	sor.u32 s3, s0;
	s1 =	sshll.u32 s1, $0x11  }
0xbc: {  	s0 =	sor.u32 s1, s0  }
0xbd: {  	s0 =	sadd.s32 $0x8F2B, s0  }
0xbe: {  	[sflag:s0] =	ssyncadd.remote.s32 $0x1  }
0xbf: {  	_ =	sfence.sel $0xFFFF  }
0xc0: {  	[dreg:$0x0] =	wrdreg $0xFFFFFFFF;
	(pc) =	sbr.abs _section_cstart, $3  }
0xc1: {  	[dreg:$0x1] =	wrdreg $0xFFFFFFFF  }
0xc2: {  	_ =	task.clear_ibuf [dreg:s8], $0x2FFFF;
	_ =	strace $0x9FFFFFFF  }
0xc3: {  	(tm) =	ssettm $0x7FFFFFFF  }
tec
execute0_lowered:
.L_overlay_start_1:
0x0: {  	(tag) =	ssettag $0x1  }
0x1: {  	s3 =	rddreg [dreg:$0x0]  }
0x2: {  	s0 =	rddreg [dreg:$0x1];
	s1 =	srdreg.scid  }
0x3: {  	s10 =	rddreg [dreg:$0x2];
	s4 =	stileid.u32;
	s1 =	sand.u32 $0x1, s1  }
0x4: {  	s2 =	simm.s32 $0x0;
	s4 =	sshll.u32 s4, $0x10;
	s5 =	sshll.u32 s1, $0xF  }
0x5: {  	[smem:$0x7FF] =	sst s2;
	s4 =	sor.u32 s5, s4  }
0x6: {  	_ =	strace $0x80000047;
	s5 =	sadd.s32 s3, s4;
	s6 =	sor.u32 $0x1000, s4  }
0x7: {  	s8 =	sadd.s32 s0, s4;
	[dreg:$0x3] =	wrdreg s5;
	s13 =	sadd.s32 s3, s6  }
0x8: {  	s14 =	sadd.s32 $0x100000, s8;
	[dreg:$0x4] =	wrdreg s13  }
0x9: {  	s15 =	sadd.s32 $0x200000, s8;
	[dreg:$0x5] =	wrdreg s14  }
0xa: {  	s7 =	sor.u32 $0x2000, s4;
	s16 =	sadd.s32 $0x300000, s8;
	[dreg:$0x6] =	wrdreg s15  }
0xb: {  	s17 =	sadd.s32 s3, s7;
	[dreg:$0x7] =	wrdreg s16  }
0xc: {  	s18 =	sadd.s32 s0, s6;
	[dreg:$0x8] =	wrdreg s17  }
0xd: {  	s19 =	sadd.s32 $0x101000, s8;
	[dreg:$0x9] =	wrdreg s18  }
0xe: {  	s20 =	sadd.s32 $0x201000, s8;
	[dreg:$0xa] =	wrdreg s19  }
0xf: {  	s22 =	sor.u32 $0x3000, s4;
	s21 =	sadd.s32 $0x301000, s8;
	[dreg:$0xb] =	wrdreg s20  }
0x10: {  	s23 =	sadd.s32 s3, s22;
	[dreg:$0xc] =	wrdreg s21  }
0x11: {  	s24 =	sadd.s32 s0, s7;
	[dreg:$0xd] =	wrdreg s23  }
0x12: {  	p0 =	por $0x0, $0x0;
	s25 =	sadd.s32 $0x102000, s8;
	[dreg:$0xe] =	wrdreg s24  }
0x13: {  	s1 =	ssub.s32 $0x2, s1;
	s26 =	sadd.s32 $0x202000, s8;
	[dreg:$0xf] =	wrdreg s25  }
0x14: {  	s9 =	sor.u32 $0x4000, s4;
	s7 =	sadd.s32 $0x302000, s8;
	[dreg:$0x10] =	wrdreg s26  }
0x15: {  	s11 =	sadd.s32 s3, s9;
	s12 =	sadd.s32 s0, s22;
	[dreg:$0x11] =	wrdreg s7  }
0x16: {  	s30 =	sadd.s32 $0x204000, s8;
	s31 =	sadd.s32 $0x304000, s8;
	[dreg:$0x12] =	wrdreg s11  }
0x17: {  	s28 =	sadd.s32 $0x305000, s8;
	s5 =	simm.s32 $0x8;
	[dreg:$0x13] =	wrdreg s12  }
0x18: {  	s13 =	sadd.s32 $0x103000, s8;
	s14 =	sadd.s32 $0x203000, s8;
	s15 =	sadd.s32 $0x303000, s8  }
0x19: {  	s16 =	sor.u32 $0x5000, s4;
	s18 =	sadd.s32 s0, s9;
	s19 =	sshrl.u32 s1, $0x1  }
0x1a: {  	s20 =	sadd.s32 $0x104000, s8;
	s21 =	sor.u32 $0x6000, s4;
	s25 =	sadd.s32 $0x105000, s8  }
0x1b: {  	s4 =	sor.u32 $0x7000, s4;
	s26 =	sadd.s32 $0x205000, s8;
	[dreg:$0x14] =	wrdreg s13  }
0x1c: {  	s12 =	sadd.s32 $0x107000, s8;
	s24 =	smov.u32 s8;
	[dreg:$0x15] =	wrdreg s14  }
0x1d: {  	s9 =	simm.s32 $0x4;
	s7 =	simm.s32 $0x7;
	[dreg:$0x16] =	wrdreg s15  }
0x1e: {  	s17 =	sadd.s32 s3, s16;
	[dreg:$0x18] =	wrdreg s18;
	s1 =	ssub.s32 s1, s19  }
0x1f: {  	[dreg:$0x19] =	wrdreg s20;
	s29 =	sadd.s32 s3, s21;
	s6 =	sadd.s32 s0, s16  }
0x20: {  	s23 =	sadd.s32 s3, s4;
	s18 =	sadd.s32 $0x106000, s8;
	s19 =	sadd.s32 $0x206000, s8  }
0x21: {  	s20 =	sadd.s32 $0x306000, s8;
	s11 =	sadd.s32 s0, s4;
	s22 =	smax.u32 s1, $0x1  }
0x22: {  	s13 =	sadd.s32 $0x207000, s8;
	s16 =	sadd.s32 $0x307000, s8;
	p1 =	sne.s32 s22, $0x1  }
.Ltmp0:
0x23: {  	s15 =	simm.s32 $0x8000;
	[dreg:$0x1b] =	wrdreg s24;
	(pc) =	sbr.rel @!p1 .LBB2_1-.Ltmp0, $4  }
0x24: {  	s14 =	simm.s32 $0x3;
	s8 =	simm.s32 $0x6;
	[dreg:$0x17] =	wrdreg s17  }
0x25: {  	s4 =	simm.s32 $0x9;
	s3 =	simm.s32 $0xA;
	[dreg:$0x1a] =	wrdreg s6  }
0x26: {  	s17 =	sadd.s32 s0, s21;
	s21 =	simm.s32 $0x1;
	s6 =	simm.s32 $0x5  }
0x27: {  	s1 =	rddreg [dreg:$0x3];
	s0 =	sadd.s32 $0xFFFFFFFF, s22;
	s22 =	simm.s32 $0x2  }
0x28: {  	[tilespmem:s2], [sflag:$0x1] =	stream.linear.gather [hbm4b:s1+s2], $0x8000, $0x38;
	[tilespmem:$0x10000] =	vst v63  }
0x29: {  	s10 =	smov.u32 s0;
	s0 =	rddreg [dreg:$0x4]  }
0x2a: {  	[tilespmem:s15], [sflag:$0x2] =	stream.linear.gather [hbm4b:s0+s2], $0x8000, $0x38;
	[tilespmem:$0x10000] =	vst v63  }
0x2b: {  	_ =	swait.ge [sflag:s21], $0x8000  }
0x2c: {  	[sflag:s21] =	ssyncset.done $0x0  }
0x2d: {  	[sflag:s21] =	ssyncadd.s32 $0xFFFF8000  }
0x2e: {  	[hbm4b:s24+s2] =	stream.linear.scatter [tilespmem:s2], [sflag:$0x3], $0x8000, $0x38;
	[tilespmem:$0x10000] =	vst v63  }
0x2f: {  	s0 =	rddreg [dreg:$0x5]  }
0x30: {  	[hbm4b:s0+s2] =	stream.linear.scatter [tilespmem:s2], [sflag:$0x4], $0x8000, $0x38;
	[tilespmem:$0x10000] =	vst v63  }
0x31: {  	s1 =	rddreg [dreg:$0x6]  }
0x32: {  	[hbm4b:s1+s2] =	stream.linear.scatter [tilespmem:s2], [sflag:$0x5], $0x8000, $0x38;
	[tilespmem:$0x10000] =	vst v63  }
0x33: {  	s0 =	rddreg [dreg:$0x7]  }
0x34: {  	[hbm4b:s0+s2] =	stream.linear.scatter [tilespmem:s2], [sflag:$0x6], $0x8000, $0x38;
	[tilespmem:$0x10000] =	vst v63  }
0x35: {  	_ =	swait.ge [sflag:s14], $0x8000  }
0x36: {  	[sflag:s14] =	ssyncset.done $0x0  }
0x37: {  	[sflag:s14] =	ssyncadd.s32 $0xFFFF8000  }
0x38: {  	_ =	swait.ge [sflag:s9], $0x8000  }
0x39: {  	[sflag:s9] =	ssyncset.done $0x0  }
0x3a: {  	[sflag:s9] =	ssyncadd.s32 $0xFFFF8000  }
0x3b: {  	_ =	swait.ge [sflag:s6], $0x8000  }
0x3c: {  	[sflag:s6] =	ssyncset.done $0x0  }
0x3d: {  	[sflag:s6] =	ssyncadd.s32 $0xFFFF8000  }
0x3e: {  	_ =	swait.ge [sflag:s8], $0x8000  }
0x3f: {  	[sflag:s8] =	ssyncset.done $0x0  }
0x40: {  	s1 =	rddreg [dreg:$0x8];
	[sflag:s8] =	ssyncadd.s32 $0xFFFF8000  }
0x41: {  	[tilespmem:s2], [sflag:$0x1] =	stream.linear.gather [hbm4b:s1+s2], $0x8000, $0x38;
	[tilespmem:$0x10000] =	vst v63  }
0x42: {  	_ =	swait.ge [sflag:s22], $0x8000  }
0x43: {  	[sflag:s22] =	ssyncset.done $0x0  }
0x44: {  	s0 =	rddreg [dreg:$0x9];
	[sflag:s22] =	ssyncadd.s32 $0xFFFF8000  }
0x45: {  	[hbm4b:s0+s2] =	stream.linear.scatter [tilespmem:s15], [sflag:$0x7], $0x8000, $0x38;
	[tilespmem:$0x10000] =	vst v63  }
0x46: {  	s1 =	rddreg [dreg:$0xa]  }
0x47: {  	[hbm4b:s1+s2] =	stream.linear.scatter [tilespmem:s15], [sflag:$0x8], $0x8000, $0x38;
	[tilespmem:$0x10000] =	vst v63  }
0x48: {  	s0 =	rddreg [dreg:$0xb]  }
0x49: {  	[hbm4b:s0+s2] =	stream.linear.scatter [tilespmem:s15], [sflag:$0x9], $0x8000, $0x38;
	[tilespmem:$0x10000] =	vst v63  }
0x4a: {  	s1 =	rddreg [dreg:$0xc]  }
0x4b: {  	[hbm4b:s1+s2] =	stream.linear.scatter [tilespmem:s15], [sflag:$0xA], $0x8000, $0x38;
	[tilespmem:$0x10000] =	vst v63  }
0x4c: {  	_ =	swait.ge [sflag:s7], $0x8000  }
0x4d: {  	[sflag:s7] =	ssyncset.done $0x0  }
0x4e: {  	[sflag:s7] =	ssyncadd.s32 $0xFFFF8000  }
0x4f: {  	_ =	swait.ge [sflag:s5], $0x8000  }
0x50: {  	[sflag:s5] =	ssyncset.done $0x0  }
0x51: {  	[sflag:s5] =	ssyncadd.s32 $0xFFFF8000  }
0x52: {  	_ =	swait.ge [sflag:s4], $0x8000  }
0x53: {  	[sflag:s4] =	ssyncset.done $0x0  }
0x54: {  	[sflag:s4] =	ssyncadd.s32 $0xFFFF8000  }
0x55: {  	_ =	swait.ge [sflag:s3], $0x8000  }
0x56: {  	[sflag:s3] =	ssyncset.done $0x0  }
0x57: {  	s1 =	rddreg [dreg:$0xd];
	[sflag:s3] =	ssyncadd.s32 $0xFFFF8000  }
0x58: {  	[tilespmem:s15], [sflag:$0x2] =	stream.linear.gather [hbm4b:s1+s2], $0x8000, $0x38;
	[tilespmem:$0x10000] =	vst v63  }
0x59: {  	_ =	swait.ge [sflag:s21], $0x8000  }
0x5a: {  	[sflag:s21] =	ssyncset.done $0x0  }
0x5b: {  	s0 =	rddreg [dreg:$0xe];
	[sflag:s21] =	ssyncadd.s32 $0xFFFF8000  }
0x5c: {  	[hbm4b:s0+s2] =	stream.linear.scatter [tilespmem:s2], [sflag:$0x3], $0x8000, $0x38;
	[tilespmem:$0x10000] =	vst v63  }
0x5d: {  	s1 =	rddreg [dreg:$0xf]  }
0x5e: {  	[hbm4b:s1+s2] =	stream.linear.scatter [tilespmem:s2], [sflag:$0x4], $0x8000, $0x38;
	[tilespmem:$0x10000] =	vst v63  }
0x5f: {  	s0 =	rddreg [dreg:$0x10]  }
0x60: {  	[hbm4b:s0+s2] =	stream.linear.scatter [tilespmem:s2], [sflag:$0x5], $0x8000, $0x38;
	[tilespmem:$0x10000] =	vst v63  }
0x61: {  	s1 =	rddreg [dreg:$0x11]  }
0x62: {  	[hbm4b:s1+s2] =	stream.linear.scatter [tilespmem:s2], [sflag:$0x6], $0x8000, $0x38;
	[tilespmem:$0x10000] =	vst v63  }
0x63: {  	_ =	swait.ge [sflag:s14], $0x8000  }
0x64: {  	[sflag:s14] =	ssyncset.done $0x0  }
0x65: {  	[sflag:s14] =	ssyncadd.s32 $0xFFFF8000  }
0x66: {  	_ =	swait.ge [sflag:s9], $0x8000  }
0x67: {  	[sflag:s9] =	ssyncset.done $0x0  }
0x68: {  	[sflag:s9] =	ssyncadd.s32 $0xFFFF8000  }
0x69: {  	_ =	swait.ge [sflag:s6], $0x8000  }
0x6a: {  	[sflag:s6] =	ssyncset.done $0x0  }
0x6b: {  	[sflag:s6] =	ssyncadd.s32 $0xFFFF8000  }
0x6c: {  	_ =	swait.ge [sflag:s8], $0x8000  }
0x6d: {  	[sflag:s8] =	ssyncset.done $0x0  }
0x6e: {  	s1 =	rddreg [dreg:$0x12];
	[sflag:s8] =	ssyncadd.s32 $0xFFFF8000  }
0x6f: {  	[tilespmem:s2], [sflag:$0x1] =	stream.linear.gather [hbm4b:s1+s2], $0x8000, $0x38;
	[tilespmem:$0x10000] =	vst v63  }
0x70: {  	_ =	swait.ge [sflag:s22], $0x8000  }
0x71: {  	[sflag:s22] =	ssyncset.done $0x0  }
0x72: {  	s0 =	rddreg [dreg:$0x13];
	[sflag:s22] =	ssyncadd.s32 $0xFFFF8000  }
0x73: {  	[hbm4b:s0+s2] =	stream.linear.scatter [tilespmem:s15], [sflag:$0x7], $0x8000, $0x38;
	[tilespmem:$0x10000] =	vst v63  }
0x74: {  	s1 =	rddreg [dreg:$0x14]  }
0x75: {  	[hbm4b:s1+s2] =	stream.linear.scatter [tilespmem:s15], [sflag:$0x8], $0x8000, $0x38;
	[tilespmem:$0x10000] =	vst v63  }
0x76: {  	s0 =	rddreg [dreg:$0x15]  }
0x77: {  	[hbm4b:s0+s2] =	stream.linear.scatter [tilespmem:s15], [sflag:$0x9], $0x8000, $0x38;
	[tilespmem:$0x10000] =	vst v63  }
0x78: {  	s1 =	rddreg [dreg:$0x16]  }
0x79: {  	[hbm4b:s1+s2] =	stream.linear.scatter [tilespmem:s15], [sflag:$0xA], $0x8000, $0x38;
	[tilespmem:$0x10000] =	vst v63  }
0x7a: {  	_ =	swait.ge [sflag:s7], $0x8000  }
0x7b: {  	[sflag:s7] =	ssyncset.done $0x0  }
0x7c: {  	[sflag:s7] =	ssyncadd.s32 $0xFFFF8000  }
0x7d: {  	_ =	swait.ge [sflag:s5], $0x8000  }
0x7e: {  	[sflag:s5] =	ssyncset.done $0x0  }
0x7f: {  	[sflag:s5] =	ssyncadd.s32 $0xFFFF8000  }
0x80: {  	_ =	swait.ge [sflag:s4], $0x8000  }
0x81: {  	[sflag:s4] =	ssyncset.done $0x0  }
0x82: {  	[sflag:s4] =	ssyncadd.s32 $0xFFFF8000  }
0x83: {  	_ =	swait.ge [sflag:s3], $0x8000  }
0x84: {  	[sflag:s3] =	ssyncset.done $0x0  }
0x85: {  	s1 =	rddreg [dreg:$0x17];
	[sflag:s3] =	ssyncadd.s32 $0xFFFF8000  }
0x86: {  	[tilespmem:s15], [sflag:$0x2] =	stream.linear.gather [hbm4b:s1+s2], $0x8000, $0x38;
	[tilespmem:$0x10000] =	vst v63  }
0x87: {  	_ =	swait.ge [sflag:s21], $0x8000  }
0x88: {  	[sflag:s21] =	ssyncset.done $0x0  }
0x89: {  	s0 =	rddreg [dreg:$0x18];
	[sflag:s21] =	ssyncadd.s32 $0xFFFF8000  }
0x8a: {  	[hbm4b:s0+s2] =	stream.linear.scatter [tilespmem:s2], [sflag:$0x3], $0x8000, $0x38;
	[tilespmem:$0x10000] =	vst v63  }
0x8b: {  	s1 =	rddreg [dreg:$0x19]  }
0x8c: {  	[hbm4b:s1+s2] =	stream.linear.scatter [tilespmem:s2], [sflag:$0x4], $0x8000, $0x38;
	[tilespmem:$0x10000] =	vst v63  }
0x8d: {  	_ = 	snop  }
0x8e: {  	[hbm4b:s30+s2] =	stream.linear.scatter [tilespmem:s2], [sflag:$0x5], $0x8000, $0x38;
	[tilespmem:$0x10000] =	vst v63  }
0x8f: {  	_ = 	snop  }
0x90: {  	[hbm4b:s31+s2] =	stream.linear.scatter [tilespmem:s2], [sflag:$0x6], $0x8000, $0x38;
	[tilespmem:$0x10000] =	vst v63  }
0x91: {  	_ =	swait.ge [sflag:s14], $0x8000  }
0x92: {  	[sflag:s14] =	ssyncset.done $0x0  }
0x93: {  	[sflag:s14] =	ssyncadd.s32 $0xFFFF8000  }
0x94: {  	_ =	swait.ge [sflag:s9], $0x8000  }
0x95: {  	[sflag:s9] =	ssyncset.done $0x0  }
0x96: {  	[sflag:s9] =	ssyncadd.s32 $0xFFFF8000  }
0x97: {  	_ =	swait.ge [sflag:s6], $0x8000  }
0x98: {  	[sflag:s6] =	ssyncset.done $0x0  }
0x99: {  	[sflag:s6] =	ssyncadd.s32 $0xFFFF8000  }
0x9a: {  	_ =	swait.ge [sflag:s8], $0x8000  }
0x9b: {  	[sflag:s8] =	ssyncset.done $0x0  }
0x9c: {  	[sflag:s8] =	ssyncadd.s32 $0xFFFF8000  }
0x9d: {  	[tilespmem:s2], [sflag:$0x1] =	stream.linear.gather [hbm4b:s29+s2], $0x8000, $0x38;
	[tilespmem:$0x10000] =	vst v63  }
0x9e: {  	_ =	swait.ge [sflag:s22], $0x8000  }
0x9f: {  	[sflag:s22] =	ssyncset.done $0x0  }
0xa0: {  	s1 =	rddreg [dreg:$0x1a];
	[sflag:s22] =	ssyncadd.s32 $0xFFFF8000  }
0xa1: {  	[hbm4b:s1+s2] =	stream.linear.scatter [tilespmem:s15], [sflag:$0x7], $0x8000, $0x38;
	[tilespmem:$0x10000] =	vst v63  }
0xa2: {  	_ = 	snop  }
0xa3: {  	[hbm4b:s25+s2] =	stream.linear.scatter [tilespmem:s15], [sflag:$0x8], $0x8000, $0x38;
	[tilespmem:$0x10000] =	vst v63  }
0xa4: {  	_ = 	snop  }
0xa5: {  	[hbm4b:s26+s2] =	stream.linear.scatter [tilespmem:s15], [sflag:$0x9], $0x8000, $0x38;
	[tilespmem:$0x10000] =	vst v63  }
0xa6: {  	_ = 	snop  }
0xa7: {  	[hbm4b:s28+s2] =	stream.linear.scatter [tilespmem:s15], [sflag:$0xA], $0x8000, $0x38;
	[tilespmem:$0x10000] =	vst v63  }
0xa8: {  	_ =	swait.ge [sflag:s7], $0x8000  }
0xa9: {  	[sflag:s7] =	ssyncset.done $0x0  }
0xaa: {  	[sflag:s7] =	ssyncadd.s32 $0xFFFF8000  }
0xab: {  	_ =	swait.ge [sflag:s5], $0x8000  }
0xac: {  	[sflag:s5] =	ssyncset.done $0x0  }
0xad: {  	[sflag:s5] =	ssyncadd.s32 $0xFFFF8000  }
0xae: {  	_ =	swait.ge [sflag:s4], $0x8000  }
0xaf: {  	[sflag:s4] =	ssyncset.done $0x0  }
0xb0: {  	[sflag:s4] =	ssyncadd.s32 $0xFFFF8000  }
0xb1: {  	_ =	swait.ge [sflag:s3], $0x8000  }
0xb2: {  	[sflag:s3] =	ssyncset.done $0x0  }
0xb3: {  	[sflag:s3] =	ssyncadd.s32 $0xFFFF8000  }
0xb4: {  	[tilespmem:s15], [sflag:$0x2] =	stream.linear.gather [hbm4b:s23+s2], $0x8000, $0x38;
	[tilespmem:$0x10000] =	vst v63  }
0xb5: {  	_ =	swait.ge [sflag:s21], $0x8000  }
0xb6: {  	[sflag:s21] =	ssyncset.done $0x0  }
0xb7: {  	[sflag:s21] =	ssyncadd.s32 $0xFFFF8000  }
0xb8: {  	[hbm4b:s17+s2] =	stream.linear.scatter [tilespmem:s2], [sflag:$0x3], $0x8000, $0x38;
	[tilespmem:$0x10000] =	vst v63  }
0xb9: {  	_ = 	snop  }
0xba: {  	[hbm4b:s18+s2] =	stream.linear.scatter [tilespmem:s2], [sflag:$0x4], $0x8000, $0x38;
	[tilespmem:$0x10000] =	vst v63  }
0xbb: {  	_ = 	snop  }
0xbc: {  	[hbm4b:s19+s2] =	stream.linear.scatter [tilespmem:s2], [sflag:$0x5], $0x8000, $0x38;
	[tilespmem:$0x10000] =	vst v63  }
0xbd: {  	_ = 	snop  }
0xbe: {  	[hbm4b:s20+s2] =	stream.linear.scatter [tilespmem:s2], [sflag:$0x6], $0x8000, $0x38;
	[tilespmem:$0x10000] =	vst v63  }
0xbf: {  	_ =	swait.ge [sflag:s22], $0x8000  }
0xc0: {  	[sflag:s22] =	ssyncset.done $0x0  }
0xc1: {  	[sflag:s22] =	ssyncadd.s32 $0xFFFF8000  }
0xc2: {  	[hbm4b:s11+s2] =	stream.linear.scatter [tilespmem:s15], [sflag:$0x7], $0x8000, $0x38;
	[tilespmem:$0x10000] =	vst v63  }
0xc3: {  	_ = 	snop  }
0xc4: {  	[hbm4b:s12+s2] =	stream.linear.scatter [tilespmem:s15], [sflag:$0x8], $0x8000, $0x38;
	[tilespmem:$0x10000] =	vst v63  }
0xc5: {  	_ = 	snop  }
0xc6: {  	[hbm4b:s13+s2] =	stream.linear.scatter [tilespmem:s15], [sflag:$0x9], $0x8000, $0x38;
	[tilespmem:$0x10000] =	vst v63  }
0xc7: {  	_ = 	snop  }
0xc8: {  	[hbm4b:s16+s2] =	stream.linear.scatter [tilespmem:s15], [sflag:$0xA], $0x8000, $0x38;
	[tilespmem:$0x10000] =	vst v63  }
0xc9: {  	_ =	swait.ge [sflag:s14], $0x8000  }
0xca: {  	[sflag:s14] =	ssyncset.done $0x0  }
0xcb: {  	[sflag:s14] =	ssyncadd.s32 $0xFFFF8000  }
0xcc: {  	_ =	swait.ge [sflag:s9], $0x8000  }
0xcd: {  	[sflag:s9] =	ssyncset.done $0x0  }
0xce: {  	[sflag:s9] =	ssyncadd.s32 $0xFFFF8000  }
0xcf: {  	_ =	swait.ge [sflag:s6], $0x8000  }
0xd0: {  	[sflag:s6] =	ssyncset.done $0x0  }
0xd1: {  	[sflag:s6] =	ssyncadd.s32 $0xFFFF8000  }
0xd2: {  	_ =	swait.ge [sflag:s8], $0x8000  }
0xd3: {  	[sflag:s8] =	ssyncset.done $0x0  }
0xd4: {  	[sflag:s8] =	ssyncadd.s32 $0xFFFF8000  }
0xd5: {  	_ =	swait.ge [sflag:s7], $0x8000  }
0xd6: {  	[sflag:s7] =	ssyncset.done $0x0  }
0xd7: {  	[sflag:s7] =	ssyncadd.s32 $0xFFFF8000  }
0xd8: {  	_ =	swait.ge [sflag:s5], $0x8000  }
0xd9: {  	[sflag:s5] =	ssyncset.done $0x0  }
0xda: {  	p1 =	sne.s32 s10, $0x1;
	[sflag:s5] =	ssyncadd.s32 $0xFFFF8000  }
.Ltmp1:
0xdb: {  	_ =	swait.ge [sflag:s4], $0x8000;
	(pc) =	sbr.rel @!p1 .LBB2_3-.Ltmp1, $4  }
0xdc: {  	[sflag:s4] =	ssyncset.done $0x0  }
0xdd: {  	[sflag:s4] =	ssyncadd.s32 $0xFFFF8000  }
0xde: {  	p0 =	por $0x1, $0x1;
	_ =	swait.ge [sflag:s3], $0x8000  }
0xdf: {  	s0 =	sadd.s32 $0xFFFFFFFF, s10;
	s1 =	rddreg [dreg:$0x3];
	[sflag:s3] =	ssyncset.done $0x0  }
.LBB2_4:
0xe0: {  	[sflag:s3] =	ssyncadd.s32 $0xFFFF8000  }
0xe1: {  	[tilespmem:s2], [sflag:$0x1] =	stream.linear.gather [hbm4b:s1+s2], $0x8000, $0x38;
	[tilespmem:$0x10000] =	vst v63  }
0xe2: {  	s10 =	rddreg [dreg:$0x4]  }
0xe3: {  	[tilespmem:s15], [sflag:$0x2] =	stream.linear.gather [hbm4b:s10+s2], $0x8000, $0x38;
	[tilespmem:$0x10000] =	vst v63  }
0xe4: {  	_ =	swait.ge [sflag:s21], $0x8000  }
0xe5: {  	[sflag:s21] =	ssyncset.done $0x0  }
0xe6: {  	[sflag:s21] =	ssyncadd.s32 $0xFFFF8000  }
0xe7: {  	[hbm4b:s24+s2] =	stream.linear.scatter [tilespmem:s2], [sflag:$0x3], $0x8000, $0x38;
	[tilespmem:$0x10000] =	vst v63  }
0xe8: {  	s1 =	rddreg [dreg:$0x5]  }
0xe9: {  	[hbm4b:s1+s2] =	stream.linear.scatter [tilespmem:s2], [sflag:$0x4], $0x8000, $0x38;
	[tilespmem:$0x10000] =	vst v63  }
0xea: {  	s10 =	rddreg [dreg:$0x6]  }
0xeb: {  	[hbm4b:s10+s2] =	stream.linear.scatter [tilespmem:s2], [sflag:$0x5], $0x8000, $0x38;
	[tilespmem:$0x10000] =	vst v63  }
0xec: {  	s1 =	rddreg [dreg:$0x7]  }
0xed: {  	[hbm4b:s1+s2] =	stream.linear.scatter [tilespmem:s2], [sflag:$0x6], $0x8000, $0x38;
	[tilespmem:$0x10000] =	vst v63  }
0xee: {  	_ =	swait.ge [sflag:s14], $0x8000  }
0xef: {  	[sflag:s14] =	ssyncset.done $0x0  }
0xf0: {  	[sflag:s14] =	ssyncadd.s32 $0xFFFF8000  }
0xf1: {  	_ =	swait.ge [sflag:s9], $0x8000  }
0xf2: {  	[sflag:s9] =	ssyncset.done $0x0  }
0xf3: {  	[sflag:s9] =	ssyncadd.s32 $0xFFFF8000  }
0xf4: {  	_ =	swait.ge [sflag:s6], $0x8000  }
0xf5: {  	[sflag:s6] =	ssyncset.done $0x0  }
0xf6: {  	[sflag:s6] =	ssyncadd.s32 $0xFFFF8000  }
0xf7: {  	_ =	swait.ge [sflag:s8], $0x8000  }
0xf8: {  	[sflag:s8] =	ssyncset.done $0x0  }
0xf9: {  	s10 =	rddreg [dreg:$0x8];
	[sflag:s8] =	ssyncadd.s32 $0xFFFF8000  }
0xfa: {  	[tilespmem:s2], [sflag:$0x1] =	stream.linear.gather [hbm4b:s10+s2], $0x8000, $0x38;
	[tilespmem:$0x10000] =	vst v63  }
0xfb: {  	_ =	swait.ge [sflag:s22], $0x8000  }
0xfc: {  	[sflag:s22] =	ssyncset.done $0x0  }
0xfd: {  	s1 =	rddreg [dreg:$0x9];
	[sflag:s22] =	ssyncadd.s32 $0xFFFF8000  }
0xfe: {  	[hbm4b:s1+s2] =	stream.linear.scatter [tilespmem:s15], [sflag:$0x7], $0x8000, $0x38;
	[tilespmem:$0x10000] =	vst v63  }
0xff: {  	s10 =	rddreg [dreg:$0xa]  }
0x100: {  	[hbm4b:s10+s2] =	stream.linear.scatter [tilespmem:s15], [sflag:$0x8], $0x8000, $0x38;
	[tilespmem:$0x10000] =	vst v63  }
0x101: {  	s1 =	rddreg [dreg:$0xb]  }
0x102: {  	[hbm4b:s1+s2] =	stream.linear.scatter [tilespmem:s15], [sflag:$0x9], $0x8000, $0x38;
	[tilespmem:$0x10000] =	vst v63  }
0x103: {  	s10 =	rddreg [dreg:$0xc]  }
0x104: {  	[hbm4b:s10+s2] =	stream.linear.scatter [tilespmem:s15], [sflag:$0xA], $0x8000, $0x38;
	[tilespmem:$0x10000] =	vst v63  }
0x105: {  	_ =	swait.ge [sflag:s7], $0x8000  }
0x106: {  	[sflag:s7] =	ssyncset.done $0x0  }
0x107: {  	[sflag:s7] =	ssyncadd.s32 $0xFFFF8000  }
0x108: {  	_ =	swait.ge [sflag:s5], $0x8000  }
0x109: {  	[sflag:s5] =	ssyncset.done $0x0  }
0x10a: {  	[sflag:s5] =	ssyncadd.s32 $0xFFFF8000  }
0x10b: {  	_ =	swait.ge [sflag:s4], $0x8000  }
0x10c: {  	[sflag:s4] =	ssyncset.done $0x0  }
0x10d: {  	[sflag:s4] =	ssyncadd.s32 $0xFFFF8000  }
0x10e: {  	_ =	swait.ge [sflag:s3], $0x8000  }
0x10f: {  	[sflag:s3] =	ssyncset.done $0x0  }
0x110: {  	s10 =	rddreg [dreg:$0xd];
	[sflag:s3] =	ssyncadd.s32 $0xFFFF8000  }
0x111: {  	[tilespmem:s15], [sflag:$0x2] =	stream.linear.gather [hbm4b:s10+s2], $0x8000, $0x38;
	[tilespmem:$0x10000] =	vst v63  }
0x112: {  	_ =	swait.ge [sflag:s21], $0x8000  }
0x113: {  	[sflag:s21] =	ssyncset.done $0x0  }
0x114: {  	s1 =	rddreg [dreg:$0xe];
	[sflag:s21] =	ssyncadd.s32 $0xFFFF8000  }
0x115: {  	[hbm4b:s1+s2] =	stream.linear.scatter [tilespmem:s2], [sflag:$0x3], $0x8000, $0x38;
	[tilespmem:$0x10000] =	vst v63  }
0x116: {  	s10 =	rddreg [dreg:$0xf]  }
0x117: {  	[hbm4b:s10+s2] =	stream.linear.scatter [tilespmem:s2], [sflag:$0x4], $0x8000, $0x38;
	[tilespmem:$0x10000] =	vst v63  }
0x118: {  	s1 =	rddreg [dreg:$0x10]  }
0x119: {  	[hbm4b:s1+s2] =	stream.linear.scatter [tilespmem:s2], [sflag:$0x5], $0x8000, $0x38;
	[tilespmem:$0x10000] =	vst v63  }
0x11a: {  	s10 =	rddreg [dreg:$0x11]  }
0x11b: {  	[hbm4b:s10+s2] =	stream.linear.scatter [tilespmem:s2], [sflag:$0x6], $0x8000, $0x38;
	[tilespmem:$0x10000] =	vst v63  }
0x11c: {  	_ =	swait.ge [sflag:s14], $0x8000  }
0x11d: {  	[sflag:s14] =	ssyncset.done $0x0  }
0x11e: {  	[sflag:s14] =	ssyncadd.s32 $0xFFFF8000  }
0x11f: {  	_ =	swait.ge [sflag:s9], $0x8000  }
0x120: {  	[sflag:s9] =	ssyncset.done $0x0  }
0x121: {  	[sflag:s9] =	ssyncadd.s32 $0xFFFF8000  }
0x122: {  	_ =	swait.ge [sflag:s6], $0x8000  }
0x123: {  	[sflag:s6] =	ssyncset.done $0x0  }
0x124: {  	[sflag:s6] =	ssyncadd.s32 $0xFFFF8000  }
0x125: {  	_ =	swait.ge [sflag:s8], $0x8000  }
0x126: {  	[sflag:s8] =	ssyncset.done $0x0  }
0x127: {  	s10 =	rddreg [dreg:$0x12];
	[sflag:s8] =	ssyncadd.s32 $0xFFFF8000  }
0x128: {  	[tilespmem:s2], [sflag:$0x1] =	stream.linear.gather [hbm4b:s10+s2], $0x8000, $0x38;
	[tilespmem:$0x10000] =	vst v63  }
0x129: {  	_ =	swait.ge [sflag:s22], $0x8000  }
0x12a: {  	[sflag:s22] =	ssyncset.done $0x0  }
0x12b: {  	s1 =	rddreg [dreg:$0x13];
	[sflag:s22] =	ssyncadd.s32 $0xFFFF8000  }
0x12c: {  	[hbm4b:s1+s2] =	stream.linear.scatter [tilespmem:s15], [sflag:$0x7], $0x8000, $0x38;
	[tilespmem:$0x10000] =	vst v63  }
0x12d: {  	s10 =	rddreg [dreg:$0x14]  }
0x12e: {  	[hbm4b:s10+s2] =	stream.linear.scatter [tilespmem:s15], [sflag:$0x8], $0x8000, $0x38;
	[tilespmem:$0x10000] =	vst v63  }
0x12f: {  	s1 =	rddreg [dreg:$0x15]  }
0x130: {  	[hbm4b:s1+s2] =	stream.linear.scatter [tilespmem:s15], [sflag:$0x9], $0x8000, $0x38;
	[tilespmem:$0x10000] =	vst v63  }
0x131: {  	s10 =	rddreg [dreg:$0x16]  }
0x132: {  	[hbm4b:s10+s2] =	stream.linear.scatter [tilespmem:s15], [sflag:$0xA], $0x8000, $0x38;
	[tilespmem:$0x10000] =	vst v63  }
0x133: {  	_ =	swait.ge [sflag:s7], $0x8000  }
0x134: {  	[sflag:s7] =	ssyncset.done $0x0  }
0x135: {  	[sflag:s7] =	ssyncadd.s32 $0xFFFF8000  }
0x136: {  	_ =	swait.ge [sflag:s5], $0x8000  }
0x137: {  	[sflag:s5] =	ssyncset.done $0x0  }
0x138: {  	[sflag:s5] =	ssyncadd.s32 $0xFFFF8000  }
0x139: {  	_ =	swait.ge [sflag:s4], $0x8000  }
0x13a: {  	[sflag:s4] =	ssyncset.done $0x0  }
0x13b: {  	[sflag:s4] =	ssyncadd.s32 $0xFFFF8000  }
0x13c: {  	_ =	swait.ge [sflag:s3], $0x8000  }
0x13d: {  	[sflag:s3] =	ssyncset.done $0x0  }
0x13e: {  	s10 =	rddreg [dreg:$0x17];
	[sflag:s3] =	ssyncadd.s32 $0xFFFF8000  }
0x13f: {  	[tilespmem:s15], [sflag:$0x2] =	stream.linear.gather [hbm4b:s10+s2], $0x8000, $0x38;
	[tilespmem:$0x10000] =	vst v63  }
0x140: {  	_ =	swait.ge [sflag:s21], $0x8000  }
0x141: {  	[sflag:s21] =	ssyncset.done $0x0  }
0x142: {  	s1 =	rddreg [dreg:$0x18];
	[sflag:s21] =	ssyncadd.s32 $0xFFFF8000  }
0x143: {  	[hbm4b:s1+s2] =	stream.linear.scatter [tilespmem:s2], [sflag:$0x3], $0x8000, $0x38;
	[tilespmem:$0x10000] =	vst v63  }
0x144: {  	s10 =	rddreg [dreg:$0x19]  }
0x145: {  	[hbm4b:s10+s2] =	stream.linear.scatter [tilespmem:s2], [sflag:$0x4], $0x8000, $0x38;
	[tilespmem:$0x10000] =	vst v63  }
0x146: {  	_ = 	snop  }
0x147: {  	[hbm4b:s30+s2] =	stream.linear.scatter [tilespmem:s2], [sflag:$0x5], $0x8000, $0x38;
	[tilespmem:$0x10000] =	vst v63  }
0x148: {  	_ = 	snop  }
0x149: {  	[hbm4b:s31+s2] =	stream.linear.scatter [tilespmem:s2], [sflag:$0x6], $0x8000, $0x38;
	[tilespmem:$0x10000] =	vst v63  }
0x14a: {  	_ =	swait.ge [sflag:s14], $0x8000  }
0x14b: {  	[sflag:s14] =	ssyncset.done $0x0  }
0x14c: {  	[sflag:s14] =	ssyncadd.s32 $0xFFFF8000  }
0x14d: {  	_ =	swait.ge [sflag:s9], $0x8000  }
0x14e: {  	[sflag:s9] =	ssyncset.done $0x0  }
0x14f: {  	[sflag:s9] =	ssyncadd.s32 $0xFFFF8000  }
0x150: {  	_ =	swait.ge [sflag:s6], $0x8000  }
0x151: {  	[sflag:s6] =	ssyncset.done $0x0  }
0x152: {  	[sflag:s6] =	ssyncadd.s32 $0xFFFF8000  }
0x153: {  	_ =	swait.ge [sflag:s8], $0x8000  }
0x154: {  	[sflag:s8] =	ssyncset.done $0x0  }
0x155: {  	[sflag:s8] =	ssyncadd.s32 $0xFFFF8000  }
0x156: {  	[tilespmem:s2], [sflag:$0x1] =	stream.linear.gather [hbm4b:s29+s2], $0x8000, $0x38;
	[tilespmem:$0x10000] =	vst v63  }
0x157: {  	_ =	swait.ge [sflag:s22], $0x8000  }
0x158: {  	[sflag:s22] =	ssyncset.done $0x0  }
0x159: {  	s10 =	rddreg [dreg:$0x1a];
	[sflag:s22] =	ssyncadd.s32 $0xFFFF8000  }
0x15a: {  	[hbm4b:s10+s2] =	stream.linear.scatter [tilespmem:s15], [sflag:$0x7], $0x8000, $0x38;
	[tilespmem:$0x10000] =	vst v63  }
0x15b: {  	_ = 	snop  }
0x15c: {  	[hbm4b:s25+s2] =	stream.linear.scatter [tilespmem:s15], [sflag:$0x8], $0x8000, $0x38;
	[tilespmem:$0x10000] =	vst v63  }
0x15d: {  	_ = 	snop  }
0x15e: {  	[hbm4b:s26+s2] =	stream.linear.scatter [tilespmem:s15], [sflag:$0x9], $0x8000, $0x38;
	[tilespmem:$0x10000] =	vst v63  }
0x15f: {  	_ = 	snop  }
0x160: {  	[hbm4b:s28+s2] =	stream.linear.scatter [tilespmem:s15], [sflag:$0xA], $0x8000, $0x38;
	[tilespmem:$0x10000] =	vst v63  }
0x161: {  	_ =	swait.ge [sflag:s7], $0x8000  }
0x162: {  	[sflag:s7] =	ssyncset.done $0x0  }
0x163: {  	[sflag:s7] =	ssyncadd.s32 $0xFFFF8000  }
0x164: {  	_ =	swait.ge [sflag:s5], $0x8000  }
0x165: {  	[sflag:s5] =	ssyncset.done $0x0  }
0x166: {  	[sflag:s5] =	ssyncadd.s32 $0xFFFF8000  }
0x167: {  	_ =	swait.ge [sflag:s4], $0x8000  }
0x168: {  	[sflag:s4] =	ssyncset.done $0x0  }
0x169: {  	[sflag:s4] =	ssyncadd.s32 $0xFFFF8000  }
0x16a: {  	_ =	swait.ge [sflag:s3], $0x8000  }
0x16b: {  	[sflag:s3] =	ssyncset.done $0x0  }
0x16c: {  	[sflag:s3] =	ssyncadd.s32 $0xFFFF8000  }
0x16d: {  	[tilespmem:s15], [sflag:$0x2] =	stream.linear.gather [hbm4b:s23+s2], $0x8000, $0x38;
	[tilespmem:$0x10000] =	vst v63  }
0x16e: {  	_ =	swait.ge [sflag:s21], $0x8000  }
0x16f: {  	[sflag:s21] =	ssyncset.done $0x0  }
0x170: {  	[sflag:s21] =	ssyncadd.s32 $0xFFFF8000  }
0x171: {  	[hbm4b:s17+s2] =	stream.linear.scatter [tilespmem:s2], [sflag:$0x3], $0x8000, $0x38;
	[tilespmem:$0x10000] =	vst v63  }
0x172: {  	_ = 	snop  }
0x173: {  	[hbm4b:s18+s2] =	stream.linear.scatter [tilespmem:s2], [sflag:$0x4], $0x8000, $0x38;
	[tilespmem:$0x10000] =	vst v63  }
0x174: {  	_ = 	snop  }
0x175: {  	[hbm4b:s19+s2] =	stream.linear.scatter [tilespmem:s2], [sflag:$0x5], $0x8000, $0x38;
	[tilespmem:$0x10000] =	vst v63  }
0x176: {  	_ = 	snop  }
0x177: {  	[hbm4b:s20+s2] =	stream.linear.scatter [tilespmem:s2], [sflag:$0x6], $0x8000, $0x38;
	[tilespmem:$0x10000] =	vst v63  }
0x178: {  	_ =	swait.ge [sflag:s22], $0x8000  }
0x179: {  	[sflag:s22] =	ssyncset.done $0x0  }
0x17a: {  	[sflag:s22] =	ssyncadd.s32 $0xFFFF8000  }
0x17b: {  	[hbm4b:s11+s2] =	stream.linear.scatter [tilespmem:s15], [sflag:$0x7], $0x8000, $0x38;
	[tilespmem:$0x10000] =	vst v63  }
0x17c: {  	_ = 	snop  }
0x17d: {  	[hbm4b:s12+s2] =	stream.linear.scatter [tilespmem:s15], [sflag:$0x8], $0x8000, $0x38;
	[tilespmem:$0x10000] =	vst v63  }
0x17e: {  	_ = 	snop  }
0x17f: {  	[hbm4b:s13+s2] =	stream.linear.scatter [tilespmem:s15], [sflag:$0x9], $0x8000, $0x38;
	[tilespmem:$0x10000] =	vst v63  }
0x180: {  	_ = 	snop  }
0x181: {  	[hbm4b:s16+s2] =	stream.linear.scatter [tilespmem:s15], [sflag:$0xA], $0x8000, $0x38;
	[tilespmem:$0x10000] =	vst v63  }
0x182: {  	_ =	swait.ge [sflag:s14], $0x8000  }
0x183: {  	[sflag:s14] =	ssyncset.done $0x0  }
0x184: {  	[sflag:s14] =	ssyncadd.s32 $0xFFFF8000  }
0x185: {  	_ =	swait.ge [sflag:s9], $0x8000  }
0x186: {  	[sflag:s9] =	ssyncset.done $0x0  }
0x187: {  	[sflag:s9] =	ssyncadd.s32 $0xFFFF8000  }
0x188: {  	_ =	swait.ge [sflag:s6], $0x8000  }
0x189: {  	[sflag:s6] =	ssyncset.done $0x0  }
0x18a: {  	[sflag:s6] =	ssyncadd.s32 $0xFFFF8000  }
0x18b: {  	_ =	swait.ge [sflag:s8], $0x8000  }
0x18c: {  	[sflag:s8] =	ssyncset.done $0x0  }
0x18d: {  	[sflag:s8] =	ssyncadd.s32 $0xFFFF8000  }
0x18e: {  	_ =	swait.ge [sflag:s7], $0x8000  }
0x18f: {  	[sflag:s7] =	ssyncset.done $0x0  }
0x190: {  	[sflag:s7] =	ssyncadd.s32 $0xFFFF8000  }
0x191: {  	_ =	swait.ge [sflag:s5], $0x8000  }
0x192: {  	[sflag:s5] =	ssyncset.done $0x0  }
0x193: {  	p1 =	sne.s32 s0, $0x1;
	[sflag:s5] =	ssyncadd.s32 $0xFFFF8000  }
.Ltmp2:
0x194: {  	_ =	swait.ge [sflag:s4], $0x8000;
	(pc) =	sbr.rel @p1 .LBB2_4-.Ltmp2, $4  }
0x195: {  	[sflag:s4] =	ssyncset.done $0x0  }
0x196: {  	[sflag:s4] =	ssyncadd.s32 $0xFFFF8000  }
0x197: {  	_ =	swait.ge [sflag:s3], $0x8000  }
0x198: {  	s0 =	sadd.s32 $0xFFFFFFFF, s0;
	s1 =	rddreg [dreg:$0x3];
	[sflag:s3] =	ssyncset.done $0x0  }
0x199: {  	s24 =	rddreg [dreg:$0x1a]  }
0x19a: {  	s10 =	rddreg [dreg:$0x2]  }
.LBB2_6:
0x19b: {  	[sflag:s3] =	ssyncadd.s32 @p0 $0xFFFF8000  }
0x19c: {  	[tilespmem:s2], [sflag:$0x1] =	stream.linear.gather [hbm4b:s1+s2], $0x8000, $0x38;
	[tilespmem:$0x10000] =	vst v63  }
0x19d: {  	s0 =	rddreg [dreg:$0x4]  }
0x19e: {  	[tilespmem:s15], [sflag:$0x2] =	stream.linear.gather [hbm4b:s0+s2], $0x8000, $0x38;
	[tilespmem:$0x10000] =	vst v63  }
0x19f: {  	_ =	swait.ge [sflag:s21], $0x8000  }
0x1a0: {  	[sflag:s21] =	ssyncset.done $0x0  }
0x1a1: {  	s1 =	rddreg [dreg:$0x1b];
	[sflag:s21] =	ssyncadd.s32 $0xFFFF8000  }
0x1a2: {  	[hbm4b:s1+s2] =	stream.linear.scatter [tilespmem:s2], [sflag:$0x3], $0x8000, $0x38;
	[tilespmem:$0x10000] =	vst v63  }
0x1a3: {  	s0 =	rddreg [dreg:$0x5]  }
0x1a4: {  	[hbm4b:s0+s2] =	stream.linear.scatter [tilespmem:s2], [sflag:$0x4], $0x8000, $0x38;
	[tilespmem:$0x10000] =	vst v63  }
0x1a5: {  	s1 =	rddreg [dreg:$0x6]  }
0x1a6: {  	[hbm4b:s1+s2] =	stream.linear.scatter [tilespmem:s2], [sflag:$0x5], $0x8000, $0x38;
	[tilespmem:$0x10000] =	vst v63  }
0x1a7: {  	s0 =	rddreg [dreg:$0x7]  }
0x1a8: {  	[hbm4b:s0+s2] =	stream.linear.scatter [tilespmem:s2], [sflag:$0x6], $0x8000, $0x38;
	[tilespmem:$0x10000] =	vst v63  }
0x1a9: {  	_ =	swait.ge [sflag:s14], $0x8000  }
0x1aa: {  	[sflag:s14] =	ssyncset.done $0x0  }
0x1ab: {  	[sflag:s14] =	ssyncadd.s32 $0xFFFF8000  }
0x1ac: {  	_ =	swait.ge [sflag:s9], $0x8000  }
0x1ad: {  	[sflag:s9] =	ssyncset.done $0x0  }
0x1ae: {  	[sflag:s9] =	ssyncadd.s32 $0xFFFF8000  }
0x1af: {  	_ =	swait.ge [sflag:s6], $0x8000  }
0x1b0: {  	[sflag:s6] =	ssyncset.done $0x0  }
0x1b1: {  	[sflag:s6] =	ssyncadd.s32 $0xFFFF8000  }
0x1b2: {  	_ =	swait.ge [sflag:s8], $0x8000  }
0x1b3: {  	[sflag:s8] =	ssyncset.done $0x0  }
0x1b4: {  	s1 =	rddreg [dreg:$0x8];
	[sflag:s8] =	ssyncadd.s32 $0xFFFF8000  }
0x1b5: {  	[tilespmem:s2], [sflag:$0x1] =	stream.linear.gather [hbm4b:s1+s2], $0x8000, $0x38;
	[tilespmem:$0x10000] =	vst v63  }
0x1b6: {  	_ =	swait.ge [sflag:s22], $0x8000  }
0x1b7: {  	[sflag:s22] =	ssyncset.done $0x0  }
0x1b8: {  	s0 =	rddreg [dreg:$0x9];
	[sflag:s22] =	ssyncadd.s32 $0xFFFF8000  }
0x1b9: {  	[hbm4b:s0+s2] =	stream.linear.scatter [tilespmem:s15], [sflag:$0x7], $0x8000, $0x38;
	[tilespmem:$0x10000] =	vst v63  }
0x1ba: {  	s1 =	rddreg [dreg:$0xa]  }
0x1bb: {  	[hbm4b:s1+s2] =	stream.linear.scatter [tilespmem:s15], [sflag:$0x8], $0x8000, $0x38;
	[tilespmem:$0x10000] =	vst v63  }
0x1bc: {  	s0 =	rddreg [dreg:$0xb]  }
0x1bd: {  	[hbm4b:s0+s2] =	stream.linear.scatter [tilespmem:s15], [sflag:$0x9], $0x8000, $0x38;
	[tilespmem:$0x10000] =	vst v63  }
0x1be: {  	s1 =	rddreg [dreg:$0xc]  }
0x1bf: {  	[hbm4b:s1+s2] =	stream.linear.scatter [tilespmem:s15], [sflag:$0xA], $0x8000, $0x38;
	[tilespmem:$0x10000] =	vst v63  }
0x1c0: {  	_ =	swait.ge [sflag:s7], $0x8000  }
0x1c1: {  	[sflag:s7] =	ssyncset.done $0x0  }
0x1c2: {  	[sflag:s7] =	ssyncadd.s32 $0xFFFF8000  }
0x1c3: {  	_ =	swait.ge [sflag:s5], $0x8000  }
0x1c4: {  	[sflag:s5] =	ssyncset.done $0x0  }
0x1c5: {  	[sflag:s5] =	ssyncadd.s32 $0xFFFF8000  }
0x1c6: {  	_ =	swait.ge [sflag:s4], $0x8000  }
0x1c7: {  	[sflag:s4] =	ssyncset.done $0x0  }
0x1c8: {  	[sflag:s4] =	ssyncadd.s32 $0xFFFF8000  }
0x1c9: {  	_ =	swait.ge [sflag:s3], $0x8000  }
0x1ca: {  	[sflag:s3] =	ssyncset.done $0x0  }
0x1cb: {  	s1 =	rddreg [dreg:$0xd];
	[sflag:s3] =	ssyncadd.s32 $0xFFFF8000  }
0x1cc: {  	[tilespmem:s15], [sflag:$0x2] =	stream.linear.gather [hbm4b:s1+s2], $0x8000, $0x38;
	[tilespmem:$0x10000] =	vst v63  }
0x1cd: {  	_ =	swait.ge [sflag:s21], $0x8000  }
0x1ce: {  	[sflag:s21] =	ssyncset.done $0x0  }
0x1cf: {  	s0 =	rddreg [dreg:$0xe];
	[sflag:s21] =	ssyncadd.s32 $0xFFFF8000  }
0x1d0: {  	[hbm4b:s0+s2] =	stream.linear.scatter [tilespmem:s2], [sflag:$0x3], $0x8000, $0x38;
	[tilespmem:$0x10000] =	vst v63  }
0x1d1: {  	s1 =	rddreg [dreg:$0xf]  }
0x1d2: {  	[hbm4b:s1+s2] =	stream.linear.scatter [tilespmem:s2], [sflag:$0x4], $0x8000, $0x38;
	[tilespmem:$0x10000] =	vst v63  }
0x1d3: {  	s0 =	rddreg [dreg:$0x10]  }
0x1d4: {  	[hbm4b:s0+s2] =	stream.linear.scatter [tilespmem:s2], [sflag:$0x5], $0x8000, $0x38;
	[tilespmem:$0x10000] =	vst v63  }
0x1d5: {  	s1 =	rddreg [dreg:$0x11]  }
0x1d6: {  	[hbm4b:s1+s2] =	stream.linear.scatter [tilespmem:s2], [sflag:$0x6], $0x8000, $0x38;
	[tilespmem:$0x10000] =	vst v63  }
0x1d7: {  	_ =	swait.ge [sflag:s14], $0x8000  }
0x1d8: {  	[sflag:s14] =	ssyncset.done $0x0  }
0x1d9: {  	[sflag:s14] =	ssyncadd.s32 $0xFFFF8000  }
0x1da: {  	_ =	swait.ge [sflag:s9], $0x8000  }
0x1db: {  	[sflag:s9] =	ssyncset.done $0x0  }
0x1dc: {  	[sflag:s9] =	ssyncadd.s32 $0xFFFF8000  }
0x1dd: {  	_ =	swait.ge [sflag:s6], $0x8000  }
0x1de: {  	[sflag:s6] =	ssyncset.done $0x0  }
0x1df: {  	[sflag:s6] =	ssyncadd.s32 $0xFFFF8000  }
0x1e0: {  	_ =	swait.ge [sflag:s8], $0x8000  }
0x1e1: {  	[sflag:s8] =	ssyncset.done $0x0  }
0x1e2: {  	s1 =	rddreg [dreg:$0x12];
	[sflag:s8] =	ssyncadd.s32 $0xFFFF8000  }
0x1e3: {  	[tilespmem:s2], [sflag:$0x1] =	stream.linear.gather [hbm4b:s1+s2], $0x8000, $0x38;
	[tilespmem:$0x10000] =	vst v63  }
0x1e4: {  	_ =	swait.ge [sflag:s22], $0x8000  }
0x1e5: {  	[sflag:s22] =	ssyncset.done $0x0  }
0x1e6: {  	s0 =	rddreg [dreg:$0x13];
	[sflag:s22] =	ssyncadd.s32 $0xFFFF8000  }
0x1e7: {  	[hbm4b:s0+s2] =	stream.linear.scatter [tilespmem:s15], [sflag:$0x7], $0x8000, $0x38;
	[tilespmem:$0x10000] =	vst v63  }
0x1e8: {  	s1 =	rddreg [dreg:$0x14]  }
0x1e9: {  	[hbm4b:s1+s2] =	stream.linear.scatter [tilespmem:s15], [sflag:$0x8], $0x8000, $0x38;
	[tilespmem:$0x10000] =	vst v63  }
0x1ea: {  	s0 =	rddreg [dreg:$0x15]  }
0x1eb: {  	[hbm4b:s0+s2] =	stream.linear.scatter [tilespmem:s15], [sflag:$0x9], $0x8000, $0x38;
	[tilespmem:$0x10000] =	vst v63  }
0x1ec: {  	s1 =	rddreg [dreg:$0x16]  }
0x1ed: {  	[hbm4b:s1+s2] =	stream.linear.scatter [tilespmem:s15], [sflag:$0xA], $0x8000, $0x38;
	[tilespmem:$0x10000] =	vst v63  }
0x1ee: {  	_ =	swait.ge [sflag:s7], $0x8000  }
0x1ef: {  	[sflag:s7] =	ssyncset.done $0x0  }
0x1f0: {  	[sflag:s7] =	ssyncadd.s32 $0xFFFF8000  }
0x1f1: {  	_ =	swait.ge [sflag:s5], $0x8000  }
0x1f2: {  	[sflag:s5] =	ssyncset.done $0x0  }
0x1f3: {  	[sflag:s5] =	ssyncadd.s32 $0xFFFF8000  }
0x1f4: {  	_ =	swait.ge [sflag:s4], $0x8000  }
0x1f5: {  	[sflag:s4] =	ssyncset.done $0x0  }
0x1f6: {  	[sflag:s4] =	ssyncadd.s32 $0xFFFF8000  }
0x1f7: {  	_ =	swait.ge [sflag:s3], $0x8000  }
0x1f8: {  	[sflag:s3] =	ssyncset.done $0x0  }
0x1f9: {  	s1 =	rddreg [dreg:$0x17];
	[sflag:s3] =	ssyncadd.s32 $0xFFFF8000  }
0x1fa: {  	[tilespmem:s15], [sflag:$0x2] =	stream.linear.gather [hbm4b:s1+s2], $0x8000, $0x38;
	[tilespmem:$0x10000] =	vst v63  }
0x1fb: {  	_ =	swait.ge [sflag:s21], $0x8000  }
0x1fc: {  	[sflag:s21] =	ssyncset.done $0x0  }
0x1fd: {  	s0 =	rddreg [dreg:$0x18];
	[sflag:s21] =	ssyncadd.s32 $0xFFFF8000  }
0x1fe: {  	[hbm4b:s0+s2] =	stream.linear.scatter [tilespmem:s2], [sflag:$0x3], $0x8000, $0x38;
	[tilespmem:$0x10000] =	vst v63  }
0x1ff: {  	s1 =	rddreg [dreg:$0x19]  }
0x200: {  	[hbm4b:s1+s2] =	stream.linear.scatter [tilespmem:s2], [sflag:$0x4], $0x8000, $0x38;
	[tilespmem:$0x10000] =	vst v63  }
0x201: {  	_ = 	snop  }
0x202: {  	[hbm4b:s30+s2] =	stream.linear.scatter [tilespmem:s2], [sflag:$0x5], $0x8000, $0x38;
	[tilespmem:$0x10000] =	vst v63  }
0x203: {  	_ = 	snop  }
0x204: {  	[hbm4b:s31+s2] =	stream.linear.scatter [tilespmem:s2], [sflag:$0x6], $0x8000, $0x38;
	[tilespmem:$0x10000] =	vst v63  }
0x205: {  	_ =	swait.ge [sflag:s14], $0x8000  }
0x206: {  	[sflag:s14] =	ssyncset.done $0x0  }
0x207: {  	[sflag:s14] =	ssyncadd.s32 $0xFFFF8000  }
0x208: {  	_ =	swait.ge [sflag:s9], $0x8000  }
0x209: {  	[sflag:s9] =	ssyncset.done $0x0  }
0x20a: {  	[sflag:s9] =	ssyncadd.s32 $0xFFFF8000  }
0x20b: {  	_ =	swait.ge [sflag:s6], $0x8000  }
0x20c: {  	[sflag:s6] =	ssyncset.done $0x0  }
0x20d: {  	[sflag:s6] =	ssyncadd.s32 $0xFFFF8000  }
0x20e: {  	_ =	swait.ge [sflag:s8], $0x8000  }
0x20f: {  	[sflag:s8] =	ssyncset.done $0x0  }
0x210: {  	[sflag:s8] =	ssyncadd.s32 $0xFFFF8000  }
0x211: {  	[tilespmem:s2], [sflag:$0x1] =	stream.linear.gather [hbm4b:s29+s2], $0x8000, $0x38;
	[tilespmem:$0x10000] =	vst v63  }
0x212: {  	_ =	swait.ge [sflag:s22], $0x8000  }
0x213: {  	[sflag:s22] =	ssyncset.done $0x0  }
0x214: {  	[sflag:s22] =	ssyncadd.s32 $0xFFFF8000  }
0x215: {  	[hbm4b:s24+s2] =	stream.linear.scatter [tilespmem:s15], [sflag:$0x7], $0x8000, $0x38;
	[tilespmem:$0x10000] =	vst v63  }
0x216: {  	_ = 	snop  }
0x217: {  	[hbm4b:s25+s2] =	stream.linear.scatter [tilespmem:s15], [sflag:$0x8], $0x8000, $0x38;
	[tilespmem:$0x10000] =	vst v63  }
0x218: {  	_ = 	snop  }
0x219: {  	[hbm4b:s26+s2] =	stream.linear.scatter [tilespmem:s15], [sflag:$0x9], $0x8000, $0x38;
	[tilespmem:$0x10000] =	vst v63  }
0x21a: {  	_ = 	snop  }
0x21b: {  	[hbm4b:s28+s2] =	stream.linear.scatter [tilespmem:s15], [sflag:$0xA], $0x8000, $0x38;
	[tilespmem:$0x10000] =	vst v63  }
0x21c: {  	_ =	swait.ge [sflag:s7], $0x8000  }
0x21d: {  	[sflag:s7] =	ssyncset.done $0x0  }
0x21e: {  	[sflag:s7] =	ssyncadd.s32 $0xFFFF8000  }
0x21f: {  	_ =	swait.ge [sflag:s5], $0x8000  }
0x220: {  	[sflag:s5] =	ssyncset.done $0x0  }
0x221: {  	[sflag:s5] =	ssyncadd.s32 $0xFFFF8000  }
0x222: {  	_ =	swait.ge [sflag:s4], $0x8000  }
0x223: {  	[sflag:s4] =	ssyncset.done $0x0  }
0x224: {  	[sflag:s4] =	ssyncadd.s32 $0xFFFF8000  }
0x225: {  	_ =	swait.ge [sflag:s3], $0x8000  }
0x226: {  	[sflag:s3] =	ssyncset.done $0x0  }
0x227: {  	[sflag:s3] =	ssyncadd.s32 $0xFFFF8000  }
0x228: {  	[tilespmem:s15], [sflag:$0x2] =	stream.linear.gather [hbm4b:s23+s2], $0x8000, $0x38;
	[tilespmem:$0x10000] =	vst v63  }
0x229: {  	_ =	swait.ge [sflag:s21], $0x8000  }
0x22a: {  	[sflag:s21] =	ssyncset.done $0x0  }
0x22b: {  	[sflag:s21] =	ssyncadd.s32 $0xFFFF8000  }
0x22c: {  	[hbm4b:s17+s2] =	stream.linear.scatter [tilespmem:s2], [sflag:$0x3], $0x8000, $0x38;
	[tilespmem:$0x10000] =	vst v63  }
0x22d: {  	_ = 	snop  }
0x22e: {  	[hbm4b:s18+s2] =	stream.linear.scatter [tilespmem:s2], [sflag:$0x4], $0x8000, $0x38;
	[tilespmem:$0x10000] =	vst v63  }
0x22f: {  	_ = 	snop  }
0x230: {  	[hbm4b:s19+s2] =	stream.linear.scatter [tilespmem:s2], [sflag:$0x5], $0x8000, $0x38;
	[tilespmem:$0x10000] =	vst v63  }
0x231: {  	_ = 	snop  }
0x232: {  	[hbm4b:s20+s2] =	stream.linear.scatter [tilespmem:s2], [sflag:$0x6], $0x8000, $0x38;
	[tilespmem:$0x10000] =	vst v63  }
0x233: {  	_ =	swait.ge [sflag:s22], $0x8000  }
0x234: {  	[sflag:s22] =	ssyncset.done $0x0  }
0x235: {  	[sflag:s22] =	ssyncadd.s32 $0xFFFF8000  }
0x236: {  	[hbm4b:s11+s2] =	stream.linear.scatter [tilespmem:s15], [sflag:$0x7], $0x8000, $0x38;
	[tilespmem:$0x10000] =	vst v63  }
0x237: {  	_ = 	snop  }
0x238: {  	[hbm4b:s12+s2] =	stream.linear.scatter [tilespmem:s15], [sflag:$0x8], $0x8000, $0x38;
	[tilespmem:$0x10000] =	vst v63  }
0x239: {  	_ = 	snop  }
0x23a: {  	[hbm4b:s13+s2] =	stream.linear.scatter [tilespmem:s15], [sflag:$0x9], $0x8000, $0x38;
	[tilespmem:$0x10000] =	vst v63  }
0x23b: {  	_ = 	snop  }
0x23c: {  	[hbm4b:s16+s2] =	stream.linear.scatter [tilespmem:s15], [sflag:$0xA], $0x8000, $0x38;
	[tilespmem:$0x10000] =	vst v63  }
0x23d: {  	_ =	swait.ge [sflag:s14], $0x8000  }
0x23e: {  	[sflag:s14] =	ssyncset.done $0x0  }
0x23f: {  	[sflag:s14] =	ssyncadd.s32 $0xFFFF8000  }
0x240: {  	_ =	swait.ge [sflag:s9], $0x8000  }
0x241: {  	[sflag:s9] =	ssyncset.done $0x0  }
0x242: {  	[sflag:s9] =	ssyncadd.s32 $0xFFFF8000  }
0x243: {  	_ =	swait.ge [sflag:s6], $0x8000  }
0x244: {  	[sflag:s6] =	ssyncset.done $0x0  }
0x245: {  	[sflag:s6] =	ssyncadd.s32 $0xFFFF8000  }
0x246: {  	_ =	swait.ge [sflag:s8], $0x8000  }
0x247: {  	[sflag:s8] =	ssyncset.done $0x0  }
0x248: {  	[sflag:s8] =	ssyncadd.s32 $0xFFFF8000  }
0x249: {  	_ =	swait.ge [sflag:s7], $0x8000  }
0x24a: {  	[sflag:s7] =	ssyncset.done $0x0  }
0x24b: {  	[sflag:s7] =	ssyncadd.s32 $0xFFFF8000  }
0x24c: {  	_ =	swait.ge [sflag:s5], $0x8000  }
0x24d: {  	[sflag:s5] =	ssyncset.done $0x0  }
0x24e: {  	[sflag:s5] =	ssyncadd.s32 $0xFFFF8000  }
0x24f: {  	_ =	swait.ge [sflag:s4], $0x8000  }
0x250: {  	[sflag:s4] =	ssyncset.done $0x0  }
0x251: {  	[sflag:s4] =	ssyncadd.s32 $0xFFFF8000  }
0x252: {  	_ =	swait.ge [sflag:s3], $0x8000  }
0x253: {  	[sflag:s3] =	ssyncset.done $0x0  }
0x254: {  	[sflag:s3] =	ssyncadd.s32 $0xFFFF8000  }
0x255: {  	_ =	sfence.sel $0x180000  }
0x256: {  	s31 =	stileid.u32;
	[bflag:$0x0] =	sbarrier.arrive $0xFFFF  }
0x257: {  	p0 =	sne.s32 s31, $0x0;
	_ =	strace $0x90000047  }
0x258: {  	s0 =	sadd.s32 @!p0 $0x100000, s10;
	[bflag:$0x2] =	sbarrier.arrive $0xFFFF  }
0x259: {  	[sflag:s0] =	ssyncadd.tile.s32 @!p0 $0x1;
	_ =	shalt  }
.LBB2_1:
.Ltmp3:
0x25a: {  	(pc) =	sbr.rel .LBB2_6-.Ltmp3, $2  }
0x25b: {  	_ =	sdelay $0x2  }
0x25c: {  	s24 =	rddreg [dreg:$0x1a]  }
.LBB2_3:
.Ltmp4:
0x25d: {  	(pc) =	sbr.rel .LBB2_6-.Ltmp4, $3  }
0x25e: {  	_ =	sdelay $0x1  }
0x25f: {  	s24 =	rddreg [dreg:$0x1a]  }
0x260: {  	s10 =	rddreg [dreg:$0x2]  }
.Lfunc_end2:
_tile_overlayer_lowered:
.L_overlay_start_2:
0x261: {  	(tag) =	ssettag $0x2  }
0x262: {  	s0 =	rddreg [dreg:$0x0];
	s2 =	stileid.u32  }
0x263: {  	s1 =	rddreg [dreg:$0x1];
	p0 =	sne.s32 s2, $0x0  }
0x264: {  	s3 =	rddreg [dreg:$0x2];
	[bflag:$0x3] =	sbarrier.arrive $0xFFFF;
	s2 =	simm.s32 @!p0 $0x1C0B  }
0x265: {  	[timem:s3], [sflag:s2] =	dma.local @!p0 [hbm:s0], s1  }
0x266: {  	s0 =	simm.s32 @!p0 $0xB  }
0x267: {  	_ =	swait.ge @!p0 [sflag:s0], s1  }
0x268: {  	s1 =	ssub.s32 @!p0 $0x0, s1;
	[sflag:s0] =	ssyncset.done @!p0 $0x0  }
0x269: {  	[sflag:s0] =	ssyncadd.s32 @!p0 s1  }
0x26a: {  	[bflag:$0x3] =	sbarrier.arrive $0xFFFF  }
0x26b: {  	_ =	shalt  }

</sc_bundles>
